<compile_context>
chip_gen: v7x
topology: tpu7x:2x2x1
jax: 0.10.2.dev20260603
libtpu: 0.0.44.dev20260713+nightly
codegen_flags: <defaults>
</compile_context>

<pallas_src>
import functools

import jax
import jax.numpy as jnp
from jax import lax
from jax.experimental import pallas as pl
from jax.experimental.pallas import tpu as pltpu
from jax.experimental.pallas import tpu_sc as plsc

N = 10000
E = 320000
D = 128
DH = D // 2
DOUT = 768

NC = 2
NS = 16
NW = NC * NS
CH = 125
ROWS2 = E // CH
NCH = ROWS2 // NS
NCHD = ROWS2 // NW
NPAD = 10240
TR = NPAD // NS
ZB = 128

_mesh = plsc.VectorSubcoreMesh(core_axis_name="c", subcore_axis_name="s")


@functools.partial(
    pl.kernel,
    out_type=jax.ShapeDtypeStruct((NC, NPAD), jnp.float32),
    mesh=_mesh,
    scratch_types=[
        pltpu.VMEM((NCHD, CH), jnp.int32),
        pltpu.VMEM((128,), jnp.float32),
        pltpu.VMEM((TR,), jnp.float32),
        pltpu.VMEM_SHARED((NPAD,), jnp.float32),
    ],
)
def _sc_deg(dst_hbm, out_hbm, dstb, ones_v, zer_v, sh_deg):
    cid = lax.axis_index("c")
    sid = lax.axis_index("s")
    wid = sid * NC + cid

    def _fill(i, _):
        zer_v[pl.ds(i * 16, 16)] = jnp.zeros((16,), jnp.float32)
        return 0
    lax.fori_loop(0, TR // 16, _fill, 0)

    def _fill1(i, _):
        ones_v[pl.ds(i * 16, 16)] = jnp.full((16,), 1.0, jnp.float32)
        return 0
    lax.fori_loop(0, 8, _fill1, 0)

    pltpu.sync_copy(zer_v, sh_deg.at[pl.ds(sid * TR, TR)])
    pltpu.sync_copy(dst_hbm.at[pl.ds(wid * NCHD, NCHD)], dstb)
    plsc.subcore_barrier()

    def _acc(j, _):
        pltpu.sync_copy(ones_v.at[pl.ds(0, CH)], sh_deg.at[dstb.at[j]],
                        add=True)
        return 0
    lax.fori_loop(0, NCHD, _acc, 0)
    plsc.subcore_barrier()

    pltpu.sync_copy(sh_deg.at[pl.ds(sid * TR, TR)],
                    out_hbm.at[cid, pl.ds(sid * TR, TR)])


@functools.partial(
    pl.kernel,
    out_type=jax.ShapeDtypeStruct((NPAD, D), jnp.float32),
    mesh=_mesh,
    scratch_types=[
        pltpu.VMEM((NCH, CH), jnp.int32),
        pltpu.VMEM((NCH, CH), jnp.int32),
        pltpu.VMEM((CH, DH), jnp.float32),
        pltpu.VMEM((CH, DH), jnp.float32),
        pltpu.VMEM((CH, DH), jnp.float32),
        pltpu.VMEM((CH, DH), jnp.float32),
        pltpu.VMEM((ZB, DH), jnp.float32),
        pltpu.SemaphoreType.DMA,
        pltpu.SemaphoreType.DMA,
        pltpu.SemaphoreType.DMA,
        pltpu.SemaphoreType.DMA,
        pltpu.SemaphoreType.DMA,
        pltpu.SemaphoreType.DMA,
        pltpu.SemaphoreType.DMA,
        pltpu.SemaphoreType.DMA,
        pltpu.VMEM_SHARED((NPAD, DH), jnp.float32),
    ],
    compiler_params=pltpu.CompilerParams(use_tc_tiling_on_sc=False),
)
def _sc_agg(x_hbm, srcA_hbm, srcB_hbm, dst_hbm, out_hbm,
            srcb, dstb, rows0, rows1, rows2, rows3, zbuf,
            g0, g1, g2, g3, s0, s1, s2, s3, sh_agg):
    cid = lax.axis_index("c")
    sid = lax.axis_index("s")
    rows = [rows0, rows1, rows2, rows3]
    gsem = [g0, g1, g2, g3]
    ssem = [s0, s1, s2, s3]

    def _zero(i, _):
        for j in range(DH // 16):
            zbuf[i, pl.ds(j * 16, 16)] = jnp.zeros((16,), jnp.float32)
        return 0
    lax.fori_loop(0, ZB, _zero, 0)
    for k in range(TR // ZB):
        pltpu.sync_copy(zbuf, sh_agg.at[pl.ds(sid * TR + k * ZB, ZB)])

    @pl.when(cid == 0)
    def _():
        pltpu.sync_copy(srcA_hbm.at[pl.ds(sid * NCH, NCH)], srcb)

    @pl.when(cid == 1)
    def _():
        pltpu.sync_copy(srcB_hbm.at[pl.ds(sid * NCH, NCH)], srcb)

    pltpu.sync_copy(dst_hbm.at[pl.ds(sid * NCH, NCH)], dstb)
    plsc.subcore_barrier()

    def _gath(t, b):
        pltpu.async_copy(x_hbm.at[srcb.at[t]], rows[b], gsem[b])

    def _gath_wait(t, b):
        pltpu.make_async_copy(x_hbm.at[srcb.at[t]], rows[b],
                              gsem[b]).wait()

    def _scat(c, b):
        pltpu.async_copy(rows[b], sh_agg.at[dstb.at[c]], ssem[b],
                         add=True)

    def _scat_wait(c, b):
        pltpu.make_async_copy(rows[b], sh_agg.at[dstb.at[c]],
                              ssem[b]).wait()

    _gath(0, 0)
    _gath(1, 1)
    _gath(2, 2)
    _gath_wait(0, 0)
    _scat(0, 0)
    _gath(3, 3)
    _gath_wait(1, 1)
    _scat(1, 1)

    def _step(jo, _):
        for b in range(4):
            t = jo * 4 + b
            _scat_wait(t - 4, b)
            _gath(t, b)
            bs = (b + 2) % 4
            _gath_wait(t - 2, bs)
            _scat(t - 2, bs)
        return 0
    lax.fori_loop(1, NCH // 4, _step, 0)

    _gath_wait(NCH - 2, (NCH - 2) % 4)
    _scat(NCH - 2, (NCH - 2) % 4)
    _gath_wait(NCH - 1, (NCH - 1) % 4)
    _scat(NCH - 1, (NCH - 1) % 4)
    for b in range(4):
        _scat_wait(NCH - 4 + b, b)

    plsc.subcore_barrier()
    pltpu.sync_copy(sh_agg.at[pl.ds(sid * TR, TR)],
                    out_hbm.at[pl.ds(sid * TR, TR), pl.ds(cid * DH, DH)])


_BR = 1000


def _tc1(emb, W1, s):
    def body(e_ref, w_ref, s_ref, o_ref):
        o_ref[...] = jnp.dot(e_ref[...], w_ref[...],
                             preferred_element_type=jnp.float32) * s_ref[...]
    return pl.pallas_call(
        body,
        grid=(N // _BR,),
        in_specs=[
            pl.BlockSpec((_BR, D), lambda i: (i, 0)),
            pl.BlockSpec((D, D), lambda i: (0, 0)),
            pl.BlockSpec((_BR, D), lambda i: (i, 0)),
        ],
        out_specs=pl.BlockSpec((_BR, D), lambda i: (i, 0)),
        out_shape=jax.ShapeDtypeStruct((N, D), jnp.float32),
    )(emb, W1, s)


def _tc2(ag, s, b1, W2):
    def body(a_ref, s_ref, b_ref, w_ref, o_ref):
        h = jnp.maximum(s_ref[...] * a_ref[...] + b_ref[...], 0.0)
        o_ref[...] = jnp.dot(h, w_ref[...],
                             preferred_element_type=jnp.float32) * s_ref[...]
    return pl.pallas_call(
        body,
        grid=(N // _BR,),
        in_specs=[
            pl.BlockSpec((_BR, D), lambda i: (i, 0)),
            pl.BlockSpec((_BR, D), lambda i: (i, 0)),
            pl.BlockSpec((1, D), lambda i: (0, 0)),
            pl.BlockSpec((D, D), lambda i: (0, 0)),
        ],
        out_specs=pl.BlockSpec((_BR, D), lambda i: (i, 0)),
        out_shape=jax.ShapeDtypeStruct((N, D), jnp.float32),
    )(ag, s, b1, W2)


def _tc3(ag, s, b2, Wp1, bp1, Wp2, bp2):
    def body(a_ref, s_ref, b_ref, w1_ref, bp1_ref, w2_ref, bp2_ref, o_ref):
        h = s_ref[...] * a_ref[...] + b_ref[...]
        p = jnp.maximum(
            jnp.dot(h, w1_ref[...], preferred_element_type=jnp.float32)
            + bp1_ref[...], 0.0)
        o = jnp.dot(p, w2_ref[...],
                    preferred_element_type=jnp.float32) + bp2_ref[...]
        nrm = jnp.sqrt(jnp.sum(o * o, axis=1, keepdims=True))
        o_ref[...] = o / jnp.maximum(nrm, 1e-12)
    return pl.pallas_call(
        body,
        grid=(N // _BR,),
        in_specs=[
            pl.BlockSpec((_BR, D), lambda i: (i, 0)),
            pl.BlockSpec((_BR, D), lambda i: (i, 0)),
            pl.BlockSpec((1, D), lambda i: (0, 0)),
            pl.BlockSpec((D, D), lambda i: (0, 0)),
            pl.BlockSpec((1, D), lambda i: (0, 0)),
            pl.BlockSpec((D, DOUT), lambda i: (0, 0)),
            pl.BlockSpec((1, DOUT), lambda i: (0, 0)),
        ],
        out_specs=pl.BlockSpec((_BR, DOUT), lambda i: (i, 0)),
        out_shape=jax.ShapeDtypeStruct((N, DOUT), jnp.float32),
    )(ag, s, b2, Wp1, bp1, Wp2, bp2)


def kernel(adj, emb, W1, b1, W2, b2, Wp1, bp1, Wp2, bp2):
    src2 = adj[0].reshape(ROWS2, CH)
    dst2 = adj[1].reshape(ROWS2, CH)
    srcA = src2 * 2
    srcB = srcA + 1

    degp = _sc_deg(dst2)
    s = jnp.broadcast_to(
        lax.rsqrt(jnp.maximum(degp[0, :N] + degp[1, :N], 1.0))[:, None],
        (N, D))

    x1 = _tc1(emb, W1, s)
    ag1 = _sc_agg(x1.reshape(2 * N, DH), srcA, srcB, dst2)
    x2 = _tc2(ag1, s, b1.reshape(1, D), W2)
    ag2 = _sc_agg(x2.reshape(2 * N, DH), srcA, srcB, dst2)
    return _tc3(ag2, s, b2.reshape(1, D),
                Wp1, bp1.reshape(1, D), Wp2, bp2.reshape(1, DOUT))

# --- scband reference (transcript-rebuilt; emitter-appended) ---
"""Pipeline reference for scband-decoupled-model-88175678587076 (READ-ONLY COPY).

The authoritative reference and input builder live on the scoring server;
editing this copy changes nothing except your own understanding.
"""

import jax, jax.numpy as jnp
import numpy as np

N_NODES = 10000
N_EDGES = 320000
D_FEAT = 128
D_HID = 128
D_OUT = 768


def setup_inputs(seed: int = 0) -> dict:
    key = jax.random.key(seed)
    ks = jax.random.split(key, 11)
    adj = jax.random.randint(ks[0], (2, N_EDGES), 0, N_NODES, dtype=jnp.int32)
    emb = jax.random.normal(ks[1], (N_NODES, D_FEAT), dtype=jnp.float32) * 0.05
    W1 = jax.random.normal(ks[2], (D_FEAT, D_HID), dtype=jnp.float32) * (1.0 / np.sqrt(D_FEAT))
    b1 = jnp.zeros((D_HID,), dtype=jnp.float32)
    W2 = jax.random.normal(ks[3], (D_HID, D_HID), dtype=jnp.float32) * (1.0 / np.sqrt(D_HID))
    b2 = jnp.zeros((D_HID,), dtype=jnp.float32)
    Wp1 = jax.random.normal(ks[4], (D_HID, D_HID), dtype=jnp.float32) * (1.0 / np.sqrt(D_HID))
    bp1 = jnp.zeros((D_HID,), dtype=jnp.float32)
    Wp2 = jax.random.normal(ks[5], (D_HID, D_OUT), dtype=jnp.float32) * (1.0 / np.sqrt(D_HID))
    bp2 = jnp.zeros((D_OUT,), dtype=jnp.float32)
    return {"adj": adj, "emb": emb, "W1": W1, "b1": b1, "W2": W2, "b2": b2,
            "Wp1": Wp1, "bp1": bp1, "Wp2": Wp2, "bp2": bp2}


def _gcn_conv(x, W, b, src, dst, n_nodes):
    # symmetric-normalized GCN aggregation: A_hat @ (x W) + b
    h = x @ W
    deg = jnp.zeros((n_nodes,), dtype=jnp.float32).at[dst].add(1.0)
    deg = jnp.clip(deg, 1.0, None)
    inv_sqrt = 1.0 / jnp.sqrt(deg)
    coef = inv_sqrt[src] * inv_sqrt[dst]
    msgs = h[src] * coef[:, None]
    agg = jnp.zeros((n_nodes, h.shape[1]), dtype=h.dtype).at[dst].add(msgs)
    return agg + b


def reference(adj, emb, W1, b1, W2, b2, Wp1, bp1, Wp2, bp2):
    src = adj[0]
    dst = adj[1]
    # GCNEncoder: learned entity embeddings -> 2-layer GCN (dropout is eval/no-op)
    h = jax.nn.relu(_gcn_conv(emb, W1, b1, src, dst, N_NODES))
    h = _gcn_conv(h, W2, b2, src, dst, N_NODES)
    # MLPProjector (dropout eval/no-op)
    p = jax.nn.relu(h @ Wp1 + bp1)
    out = p @ Wp2 + bp2
    # F.normalize(out, p=2, dim=1)
    norm = jnp.linalg.norm(out, axis=1, keepdims=True)
    return out / jnp.clip(norm, 1e-12, None)

if __name__ == "__main__":
    import jax
    _d = setup_inputs()
    print(jax.jit(kernel)(*tuple(_d.values())))

</pallas_src>

<mosaic_0001>
#map = affine_map<(d0, d1) -> (0, 0)>
module attributes {stable_mosaic.version = 14 : i64} {
  func.func @_sc_deg(%arg0: i32, %arg1: i32, %arg2: memref<2560x125xi32, #tpu.memory_space<hbm>>, %arg3: memref<2x10240xf32, #tpu.memory_space<hbm>>, %arg4: memref<80x125xi32, #tpu.memory_space<vmem>>, %arg5: memref<128xf32, #tpu.memory_space<vmem>>, %arg6: memref<640xf32, #tpu.memory_space<vmem>>, %arg7: memref<10240xf32, #tpu.memory_space<vmem_shared>>) attributes {dimension_semantics = [#tpu.dimension_semantics<core_parallel>, #tpu.dimension_semantics<subcore_parallel>], iteration_bounds = array<i64: 2, 16>, scalar_prefetch = 0 : i64, scratch_operands = 4 : i64, tpu.core_type = #tpu.core_type<sc_vector_subcore>, window_params = [{transform_indices = #map}, {transform_indices = #map}]} {
    %mul3A = arith.constant 2 : i32
    %mul3A_0 = arith.muli %arg1, %mul3A : i32
    %add3A = arith.addi %mul3A_0, %arg0 : i32
    %scan3A = arith.constant 0 : i32
    %scan3A_1 = arith.constant 0 : i32
    %scan3A_2 = arith.constant 40 : i32
    %scan3A_3 = arith.addi %scan3A_1, %scan3A_2 : i32
    %scan3A_4 = arith.constant 1 : i32
    %scan3A_5 = scf.for %scan3A_30 = %scan3A_1 to %scan3A_3 step %scan3A_4 iter_args(%scan3A_31 = %scan3A) -> (i32)  : i32 {
      %broadcast_in_dim3A = arith.constant 0.000000e+00 : f32
      %broadcast_in_dim3A_32 = vector.broadcast %broadcast_in_dim3A : f32 to vector<16xf32>
      %mul3A_33 = arith.constant 16 : i32
      %mul3A_34 = arith.muli %scan3A_30, %mul3A_33 : i32
      %swap3A = arith.index_cast %mul3A_34 : i32 to index
      %swap3A_35 = tpu.vector_load %arg6[%swap3A] {strides = array<i32>} : memref<640xf32, #tpu.memory_space<vmem>>, vector<16xf32>,
      %swap3A_36 = vector.shape_cast %swap3A_35 : vector<16xf32> to vector<16xf32>
      %swap3A_37 = vector.shape_cast %broadcast_in_dim3A_32 : vector<16xf32> to vector<16xf32>
      tpu.vector_store %arg6[%swap3A], %swap3A_37 {strides = array<i32>} : memref<640xf32, #tpu.memory_space<vmem>>, vector<16xf32>,
      %scan3A_38 = arith.constant 0 : i32
      scf.yield %scan3A_38 : i32
    }
    %scan3A_6 = arith.constant 40 : i32
    %scan3A_7 = arith.constant 0 : i32
    %scan3A_8 = arith.constant 0 : i32
    %scan3A_9 = arith.constant 8 : i32
    %scan3A_10 = arith.addi %scan3A_8, %scan3A_9 : i32
    %scan3A_11 = arith.constant 1 : i32
    %scan3A_12 = scf.for %scan3A_30 = %scan3A_8 to %scan3A_10 step %scan3A_11 iter_args(%scan3A_31 = %scan3A_7) -> (i32)  : i32 {
      %broadcast_in_dim3A = arith.constant 1.000000e+00 : f32
      %broadcast_in_dim3A_32 = vector.broadcast %broadcast_in_dim3A : f32 to vector<16xf32>
      %mul3A_33 = arith.constant 16 : i32
      %mul3A_34 = arith.muli %scan3A_30, %mul3A_33 : i32
      %swap3A = arith.index_cast %mul3A_34 : i32 to index
      %swap3A_35 = tpu.vector_load %arg5[%swap3A] {strides = array<i32>} : memref<128xf32, #tpu.memory_space<vmem>>, vector<16xf32>,
      %swap3A_36 = vector.shape_cast %swap3A_35 : vector<16xf32> to vector<16xf32>
      %swap3A_37 = vector.shape_cast %broadcast_in_dim3A_32 : vector<16xf32> to vector<16xf32>
      tpu.vector_store %arg5[%swap3A], %swap3A_37 {strides = array<i32>} : memref<128xf32, #tpu.memory_space<vmem>>, vector<16xf32>,
      %scan3A_38 = arith.constant 0 : i32
      scf.yield %scan3A_38 : i32
    }
    %scan3A_13 = arith.constant 8 : i32
    %mul3A_14 = arith.constant 640 : i32
    %mul3A_15 = arith.muli %arg1, %mul3A_14 : i32
    "tpu.region"() ({
      %run_scoped3A = tpu.sem_alloc : memref<!tpu.dma_semaphore, #tpu.memory_space<semaphore_mem>>
      %dma_start3A = tpu.memref_slice %arg7[%mul3A_15] : memref<10240xf32, #tpu.memory_space<vmem_shared>> -> memref<640xf32, #tpu.memory_space<vmem_shared>>
      %dma_start3A_30 = tpu.memref_slice %arg7[%mul3A_15] : memref<10240xf32, #tpu.memory_space<vmem_shared>> -> memref<640xf32, #tpu.memory_space<vmem_shared>>
      tpu.enqueue_dma source(%arg6 : memref<640xf32, #tpu.memory_space<vmem>>) target(%dma_start3A_30 : memref<640xf32, #tpu.memory_space<vmem_shared>>) target_semaphore(%run_scoped3A : memref<!tpu.dma_semaphore, #tpu.memory_space<semaphore_mem>>)
      %dma_wait3A = tpu.memref_slice %arg7[%mul3A_15] : memref<10240xf32, #tpu.memory_space<vmem_shared>> -> memref<640xf32, #tpu.memory_space<vmem_shared>>
      %dma_wait3A_31 = tpu.memref_slice %arg7[%mul3A_15] : memref<10240xf32, #tpu.memory_space<vmem_shared>> -> memref<640xf32, #tpu.memory_space<vmem_shared>>
      tpu.wait_dma2 semaphore(%run_scoped3A : memref<!tpu.dma_semaphore, #tpu.memory_space<semaphore_mem>>) src(%arg6 : memref<640xf32, #tpu.memory_space<vmem>>) dst(%dma_wait3A_31 : memref<640xf32, #tpu.memory_space<vmem_shared>>)
      tpu.yield
    }) : () -> ()
    %mul3A_16 = arith.constant 80 : i32
    %mul3A_17 = arith.muli %add3A, %mul3A_16 : i32
    "tpu.region"() ({
      %run_scoped3A = tpu.sem_alloc : memref<!tpu.dma_semaphore, #tpu.memory_space<semaphore_mem>>
      %dma_start3A = arith.constant 0 : i32
      %dma_start3A_30 = tpu.memref_slice %arg2[%mul3A_17, %dma_start3A] : memref<2560x125xi32, #tpu.memory_space<hbm>> -> memref<80x125xi32, #tpu.memory_space<hbm>>
      %dma_start3A_31 = arith.constant 0 : i32
      %dma_start3A_32 = tpu.memref_slice %arg2[%mul3A_17, %dma_start3A_31] : memref<2560x125xi32, #tpu.memory_space<hbm>> -> memref<80x125xi32, #tpu.memory_space<hbm>>
      tpu.enqueue_dma source(%dma_start3A_32 : memref<80x125xi32, #tpu.memory_space<hbm>>) target(%arg4 : memref<80x125xi32, #tpu.memory_space<vmem>>) target_semaphore(%run_scoped3A : memref<!tpu.dma_semaphore, #tpu.memory_space<semaphore_mem>>)
      %dma_wait3A = arith.constant 0 : i32
      %dma_wait3A_33 = tpu.memref_slice %arg2[%mul3A_17, %dma_wait3A] : memref<2560x125xi32, #tpu.memory_space<hbm>> -> memref<80x125xi32, #tpu.memory_space<hbm>>
      %dma_wait3A_34 = arith.constant 0 : i32
      %dma_wait3A_35 = tpu.memref_slice %arg2[%mul3A_17, %dma_wait3A_34] : memref<2560x125xi32, #tpu.memory_space<hbm>> -> memref<80x125xi32, #tpu.memory_space<hbm>>
      tpu.wait_dma2 semaphore(%run_scoped3A : memref<!tpu.dma_semaphore, #tpu.memory_space<semaphore_mem>>) src(%dma_wait3A_35 : memref<80x125xi32, #tpu.memory_space<hbm>>) dst(%arg4 : memref<80x125xi32, #tpu.memory_space<vmem>>)
      tpu.yield
    }) : () -> ()
    %barrier3A = arith.constant 0 : index
    tpu.barrier barrier_id(%barrier3A)
    %scan3A_18 = arith.constant 0 : i32
    %scan3A_19 = arith.constant 0 : i32
    %scan3A_20 = arith.constant 80 : i32
    %scan3A_21 = arith.addi %scan3A_19, %scan3A_20 : i32
    %scan3A_22 = arith.constant 1 : i32
    %scan3A_23 = scf.for %scan3A_30 = %scan3A_19 to %scan3A_21 step %scan3A_22 iter_args(%scan3A_31 = %scan3A_18) -> (i32)  : i32 {
      "tpu.region"() ({
        %run_scoped3A = tpu.sem_alloc : memref<!tpu.dma_semaphore, #tpu.memory_space<semaphore_mem>>
        %dma_start3A = arith.constant 0 : i32
        %dma_start3A_33 = tpu.memref_slice %arg5[%dma_start3A] : memref<128xf32, #tpu.memory_space<vmem>> -> memref<125xf32, #tpu.memory_space<vmem>>
        %dma_start3A_34 = arith.constant 0 : i32
        %dma_start3A_35 = tpu.memref_slice %arg4[%scan3A_30, %dma_start3A_34] : memref<80x125xi32, #tpu.memory_space<vmem>> -> memref<1x125xi32, #tpu.memory_space<vmem>>
        %dma_start3A_36 = tpu.memref_squeeze %dma_start3A_35 : memref<1x125xi32, #tpu.memory_space<vmem>> -> memref<125xi32, #tpu.memory_space<vmem>>
        %dma_start3A_37 = arith.constant 0 : i32
        %dma_start3A_38 = tpu.memref_slice %arg7[%dma_start3A_37] : memref<10240xf32, #tpu.memory_space<vmem_shared>> -> memref<10240xf32, #tpu.memory_space<vmem_shared>>
        tpu.enqueue_indirect_dma source(%dma_start3A_33 : memref<125xf32, #tpu.memory_space<vmem>>) target(%dma_start3A_38 : memref<10240xf32, #tpu.memory_space<vmem_shared>>) offsets(%dma_start3A_36 : memref<125xi32, #tpu.memory_space<vmem>>) semaphore(%run_scoped3A : memref<!tpu.dma_semaphore, #tpu.memory_space<semaphore_mem>>) {add = true}
        %dma_wait3A = arith.constant 0 : i32
        %dma_wait3A_39 = tpu.memref_slice %arg5[%dma_wait3A] : memref<128xf32, #tpu.memory_space<vmem>> -> memref<125xf32, #tpu.memory_space<vmem>>
        %dma_wait3A_40 = arith.constant 0 : i32
        %dma_wait3A_41 = tpu.memref_slice %arg4[%scan3A_30, %dma_wait3A_40] : memref<80x125xi32, #tpu.memory_space<vmem>> -> memref<1x125xi32, #tpu.memory_space<vmem>>
        %dma_wait3A_42 = tpu.memref_squeeze %dma_wait3A_41 : memref<1x125xi32, #tpu.memory_space<vmem>> -> memref<125xi32, #tpu.memory_space<vmem>>
        %dma_wait3A_43 = arith.constant 0 : i32
        %dma_wait3A_44 = tpu.memref_slice %arg7[%dma_wait3A_43] : memref<10240xf32, #tpu.memory_space<vmem_shared>> -> memref<10240xf32, #tpu.memory_space<vmem_shared>>
        tpu.wait_indirect_dma semaphore(%run_scoped3A : memref<!tpu.dma_semaphore, #tpu.memory_space<semaphore_mem>>) src(%dma_wait3A_39 : memref<125xf32, #tpu.memory_space<vmem>>) dst(%dma_wait3A_44 : memref<10240xf32, #tpu.memory_space<vmem_shared>>)
        tpu.yield
      }) : () -> ()
      %scan3A_32 = arith.constant 0 : i32
      scf.yield %scan3A_32 : i32
    }
    %scan3A_24 = arith.constant 80 : i32
    %barrier3A_25 = arith.constant 0 : index
    tpu.barrier barrier_id(%barrier3A_25)
    %mul3A_26 = arith.constant 640 : i32
    %mul3A_27 = arith.muli %arg1, %mul3A_26 : i32
    %mul3A_28 = arith.constant 640 : i32
    %mul3A_29 = arith.muli %arg1, %mul3A_28 : i32
    "tpu.region"() ({
      %run_scoped3A = tpu.sem_alloc : memref<!tpu.dma_semaphore, #tpu.memory_space<semaphore_mem>>
      %dma_start3A = tpu.memref_slice %arg3[%arg0, %mul3A_29] : memref<2x10240xf32, #tpu.memory_space<hbm>> -> memref<1x640xf32, #tpu.memory_space<hbm>>
      %dma_start3A_30 = tpu.memref_squeeze %dma_start3A : memref<1x640xf32, #tpu.memory_space<hbm>> -> memref<640xf32, #tpu.memory_space<hbm>>
      %dma_start3A_31 = tpu.memref_slice %arg7[%mul3A_27] : memref<10240xf32, #tpu.memory_space<vmem_shared>> -> memref<640xf32, #tpu.memory_space<vmem_shared>>
      tpu.enqueue_dma source(%dma_start3A_31 : memref<640xf32, #tpu.memory_space<vmem_shared>>) target(%dma_start3A_30 : memref<640xf32, #tpu.memory_space<hbm>>) target_semaphore(%run_scoped3A : memref<!tpu.dma_semaphore, #tpu.memory_space<semaphore_mem>>)
      %dma_wait3A = tpu.memref_slice %arg3[%arg0, %mul3A_29] : memref<2x10240xf32, #tpu.memory_space<hbm>> -> memref<1x640xf32, #tpu.memory_space<hbm>>
      %dma_wait3A_32 = tpu.memref_squeeze %dma_wait3A : memref<1x640xf32, #tpu.memory_space<hbm>> -> memref<640xf32, #tpu.memory_space<hbm>>
      %dma_wait3A_33 = tpu.memref_slice %arg7[%mul3A_27] : memref<10240xf32, #tpu.memory_space<vmem_shared>> -> memref<640xf32, #tpu.memory_space<vmem_shared>>
      tpu.wait_dma2 semaphore(%run_scoped3A : memref<!tpu.dma_semaphore, #tpu.memory_space<semaphore_mem>>) src(%dma_wait3A_33 : memref<640xf32, #tpu.memory_space<vmem_shared>>) dst(%dma_wait3A_32 : memref<640xf32, #tpu.memory_space<hbm>>)
      tpu.yield
    }) : () -> ()
    return
  }
}

#map = affine_map<(d0, d1) -> (0, 0)>
module attributes {stable_mosaic.version = 14 : i64} {
  func.func @_sc_agg(%arg0: i32, %arg1: i32, %arg2: memref<20000x64xf32, #tpu.memory_space<hbm>>, %arg3: memref<2560x125xi32, #tpu.memory_space<hbm>>, %arg4: memref<2560x125xi32, #tpu.memory_space<hbm>>, %arg5: memref<2560x125xi32, #tpu.memory_space<hbm>>, %arg6: memref<10240x128xf32, #tpu.memory_space<hbm>>, %arg7: memref<160x125xi32, #tpu.memory_space<vmem>>, %arg8: memref<160x125xi32, #tpu.memory_space<vmem>>, %arg9: memref<125x64xf32, #tpu.memory_space<vmem>>, %arg10: memref<125x64xf32, #tpu.memory_space<vmem>>, %arg11: memref<125x64xf32, #tpu.memory_space<vmem>>, %arg12: memref<125x64xf32, #tpu.memory_space<vmem>>, %arg13: memref<128x64xf32, #tpu.memory_space<vmem>>, %arg14: memref<!tpu.dma_semaphore, #tpu.memory_space<semaphore_mem>>, %arg15: memref<!tpu.dma_semaphore, #tpu.memory_space<semaphore_mem>>, %arg16: memref<!tpu.dma_semaphore, #tpu.memory_space<semaphore_mem>>, %arg17: memref<!tpu.dma_semaphore, #tpu.memory_space<semaphore_mem>>, %arg18: memref<!tpu.dma_semaphore, #tpu.memory_space<semaphore_mem>>, %arg19: memref<!tpu.dma_semaphore, #tpu.memory_space<semaphore_mem>>, %arg20: memref<!tpu.dma_semaphore, #tpu.memory_space<semaphore_mem>>, %arg21: memref<!tpu.dma_semaphore, #tpu.memory_space<semaphore_mem>>, %arg22: memref<10240x64xf32, #tpu.memory_space<vmem_shared>>) attributes {dimension_semantics = [#tpu.dimension_semantics<core_parallel>, #tpu.dimension_semantics<subcore_parallel>], iteration_bounds = array<i64: 2, 16>, scalar_prefetch = 0 : i64, scratch_operands = 16 : i64, tpu.core_type = #tpu.core_type<sc_vector_subcore>, window_params = [{transform_indices = #map}, {transform_indices = #map}, {transform_indices = #map}, {transform_indices = #map}, {transform_indices = #map}]} {
    %scan3A = arith.constant 0 : i32
    %scan3A_0 = arith.constant 0 : i32
    %scan3A_1 = arith.constant 128 : i32
    %scan3A_2 = arith.addi %scan3A_0, %scan3A_1 : i32
    %scan3A_3 = arith.constant 1 : i32
    %scan3A_4 = scf.for %scan3A_157 = %scan3A_0 to %scan3A_2 step %scan3A_3 iter_args(%scan3A_158 = %scan3A) -> (i32)  : i32 {
      %broadcast_in_dim3A = arith.constant 0.000000e+00 : f32
      %broadcast_in_dim3A_159 = vector.broadcast %broadcast_in_dim3A : f32 to vector<16xf32>
      %swap3A = arith.index_cast %scan3A_157 : i32 to index
      %swap3A_160 = arith.constant 0 : index
      %swap3A_161 = tpu.vector_load %arg13[%swap3A, %swap3A_160] {strides = array<i32>} : memref<128x64xf32, #tpu.memory_space<vmem>>, vector<1x16xf32>,
      %swap3A_162 = vector.shape_cast %swap3A_161 : vector<1x16xf32> to vector<16xf32>
      %swap3A_163 = vector.shape_cast %broadcast_in_dim3A_159 : vector<16xf32> to vector<1x16xf32>
      tpu.vector_store %arg13[%swap3A, %swap3A_160], %swap3A_163 {strides = array<i32>} : memref<128x64xf32, #tpu.memory_space<vmem>>, vector<1x16xf32>,
      %broadcast_in_dim3A_164 = arith.constant 0.000000e+00 : f32
      %broadcast_in_dim3A_165 = vector.broadcast %broadcast_in_dim3A_164 : f32 to vector<16xf32>
      %swap3A_166 = arith.index_cast %scan3A_157 : i32 to index
      %swap3A_167 = arith.constant 16 : index
      %swap3A_168 = tpu.vector_load %arg13[%swap3A_166, %swap3A_167] {strides = array<i32>} : memref<128x64xf32, #tpu.memory_space<vmem>>, vector<1x16xf32>,
      %swap3A_169 = vector.shape_cast %swap3A_168 : vector<1x16xf32> to vector<16xf32>
      %swap3A_170 = vector.shape_cast %broadcast_in_dim3A_165 : vector<16xf32> to vector<1x16xf32>
      tpu.vector_store %arg13[%swap3A_166, %swap3A_167], %swap3A_170 {strides = array<i32>} : memref<128x64xf32, #tpu.memory_space<vmem>>, vector<1x16xf32>,
      %broadcast_in_dim3A_171 = arith.constant 0.000000e+00 : f32
      %broadcast_in_dim3A_172 = vector.broadcast %broadcast_in_dim3A_171 : f32 to vector<16xf32>
      %swap3A_173 = arith.index_cast %scan3A_157 : i32 to index
      %swap3A_174 = arith.constant 32 : index
      %swap3A_175 = tpu.vector_load %arg13[%swap3A_173, %swap3A_174] {strides = array<i32>} : memref<128x64xf32, #tpu.memory_space<vmem>>, vector<1x16xf32>,
      %swap3A_176 = vector.shape_cast %swap3A_175 : vector<1x16xf32> to vector<16xf32>
      %swap3A_177 = vector.shape_cast %broadcast_in_dim3A_172 : vector<16xf32> to vector<1x16xf32>
      tpu.vector_store %arg13[%swap3A_173, %swap3A_174], %swap3A_177 {strides = array<i32>} : memref<128x64xf32, #tpu.memory_space<vmem>>, vector<1x16xf32>,
      %broadcast_in_dim3A_178 = arith.constant 0.000000e+00 : f32
      %broadcast_in_dim3A_179 = vector.broadcast %broadcast_in_dim3A_178 : f32 to vector<16xf32>
      %swap3A_180 = arith.index_cast %scan3A_157 : i32 to index
      %swap3A_181 = arith.constant 48 : index
      %swap3A_182 = tpu.vector_load %arg13[%swap3A_180, %swap3A_181] {strides = array<i32>} : memref<128x64xf32, #tpu.memory_space<vmem>>, vector<1x16xf32>,
      %swap3A_183 = vector.shape_cast %swap3A_182 : vector<1x16xf32> to vector<16xf32>
      %swap3A_184 = vector.shape_cast %broadcast_in_dim3A_179 : vector<16xf32> to vector<1x16xf32>
      tpu.vector_store %arg13[%swap3A_180, %swap3A_181], %swap3A_184 {strides = array<i32>} : memref<128x64xf32, #tpu.memory_space<vmem>>, vector<1x16xf32>,
      %scan3A_185 = arith.constant 0 : i32
      scf.yield %scan3A_185 : i32
    }
    %scan3A_5 = arith.constant 128 : i32
    %mul3A = arith.constant 640 : i32
    %mul3A_6 = arith.muli %arg1, %mul3A : i32
    %add3A = arith.constant 0 : i32
    %add3A_7 = arith.addi %mul3A_6, %add3A : i32
    "tpu.region"() ({
      %run_scoped3A = tpu.sem_alloc : memref<!tpu.dma_semaphore, #tpu.memory_space<semaphore_mem>>
      %dma_start3A_157 = arith.constant 0 : i32
      %dma_start3A_158 = tpu.memref_slice %arg22[%add3A_7, %dma_start3A_157] : memref<10240x64xf32, #tpu.memory_space<vmem_shared>> -> memref<128x64xf32, #tpu.memory_space<vmem_shared>>
      %dma_start3A_159 = arith.constant 0 : i32
      %dma_start3A_160 = tpu.memref_slice %arg22[%add3A_7, %dma_start3A_159] : memref<10240x64xf32, #tpu.memory_space<vmem_shared>> -> memref<128x64xf32, #tpu.memory_space<vmem_shared>>
      tpu.enqueue_dma source(%arg13 : memref<128x64xf32, #tpu.memory_space<vmem>>) target(%dma_start3A_160 : memref<128x64xf32, #tpu.memory_space<vmem_shared>>) target_semaphore(%run_scoped3A : memref<!tpu.dma_semaphore, #tpu.memory_space<semaphore_mem>>)
      %dma_wait3A_161 = arith.constant 0 : i32
      %dma_wait3A_162 = tpu.memref_slice %arg22[%add3A_7, %dma_wait3A_161] : memref<10240x64xf32, #tpu.memory_space<vmem_shared>> -> memref<128x64xf32, #tpu.memory_space<vmem_shared>>
      %dma_wait3A_163 = arith.constant 0 : i32
      %dma_wait3A_164 = tpu.memref_slice %arg22[%add3A_7, %dma_wait3A_163] : memref<10240x64xf32, #tpu.memory_space<vmem_shared>> -> memref<128x64xf32, #tpu.memory_space<vmem_shared>>
      tpu.wait_dma2 semaphore(%run_scoped3A : memref<!tpu.dma_semaphore, #tpu.memory_space<semaphore_mem>>) src(%arg13 : memref<128x64xf32, #tpu.memory_space<vmem>>) dst(%dma_wait3A_164 : memref<128x64xf32, #tpu.memory_space<vmem_shared>>)
      tpu.yield
    }) : () -> ()
    %mul3A_8 = arith.constant 640 : i32
    %mul3A_9 = arith.muli %arg1, %mul3A_8 : i32
    %add3A_10 = arith.constant 128 : i32
    %add3A_11 = arith.addi %mul3A_9, %add3A_10 : i32
    "tpu.region"() ({
      %run_scoped3A = tpu.sem_alloc : memref<!tpu.dma_semaphore, #tpu.memory_space<semaphore_mem>>
      %dma_start3A_157 = arith.constant 0 : i32
      %dma_start3A_158 = tpu.memref_slice %arg22[%add3A_11, %dma_start3A_157] : memref<10240x64xf32, #tpu.memory_space<vmem_shared>> -> memref<128x64xf32, #tpu.memory_space<vmem_shared>>
      %dma_start3A_159 = arith.constant 0 : i32
      %dma_start3A_160 = tpu.memref_slice %arg22[%add3A_11, %dma_start3A_159] : memref<10240x64xf32, #tpu.memory_space<vmem_shared>> -> memref<128x64xf32, #tpu.memory_space<vmem_shared>>
      tpu.enqueue_dma source(%arg13 : memref<128x64xf32, #tpu.memory_space<vmem>>) target(%dma_start3A_160 : memref<128x64xf32, #tpu.memory_space<vmem_shared>>) target_semaphore(%run_scoped3A : memref<!tpu.dma_semaphore, #tpu.memory_space<semaphore_mem>>)
      %dma_wait3A_161 = arith.constant 0 : i32
      %dma_wait3A_162 = tpu.memref_slice %arg22[%add3A_11, %dma_wait3A_161] : memref<10240x64xf32, #tpu.memory_space<vmem_shared>> -> memref<128x64xf32, #tpu.memory_space<vmem_shared>>
      %dma_wait3A_163 = arith.constant 0 : i32
      %dma_wait3A_164 = tpu.memref_slice %arg22[%add3A_11, %dma_wait3A_163] : memref<10240x64xf32, #tpu.memory_space<vmem_shared>> -> memref<128x64xf32, #tpu.memory_space<vmem_shared>>
      tpu.wait_dma2 semaphore(%run_scoped3A : memref<!tpu.dma_semaphore, #tpu.memory_space<semaphore_mem>>) src(%arg13 : memref<128x64xf32, #tpu.memory_space<vmem>>) dst(%dma_wait3A_164 : memref<128x64xf32, #tpu.memory_space<vmem_shared>>)
      tpu.yield
    }) : () -> ()
    %mul3A_12 = arith.constant 640 : i32
    %mul3A_13 = arith.muli %arg1, %mul3A_12 : i32
    %add3A_14 = arith.constant 256 : i32
    %add3A_15 = arith.addi %mul3A_13, %add3A_14 : i32
    "tpu.region"() ({
      %run_scoped3A = tpu.sem_alloc : memref<!tpu.dma_semaphore, #tpu.memory_space<semaphore_mem>>
      %dma_start3A_157 = arith.constant 0 : i32
      %dma_start3A_158 = tpu.memref_slice %arg22[%add3A_15, %dma_start3A_157] : memref<10240x64xf32, #tpu.memory_space<vmem_shared>> -> memref<128x64xf32, #tpu.memory_space<vmem_shared>>
      %dma_start3A_159 = arith.constant 0 : i32
      %dma_start3A_160 = tpu.memref_slice %arg22[%add3A_15, %dma_start3A_159] : memref<10240x64xf32, #tpu.memory_space<vmem_shared>> -> memref<128x64xf32, #tpu.memory_space<vmem_shared>>
      tpu.enqueue_dma source(%arg13 : memref<128x64xf32, #tpu.memory_space<vmem>>) target(%dma_start3A_160 : memref<128x64xf32, #tpu.memory_space<vmem_shared>>) target_semaphore(%run_scoped3A : memref<!tpu.dma_semaphore, #tpu.memory_space<semaphore_mem>>)
      %dma_wait3A_161 = arith.constant 0 : i32
      %dma_wait3A_162 = tpu.memref_slice %arg22[%add3A_15, %dma_wait3A_161] : memref<10240x64xf32, #tpu.memory_space<vmem_shared>> -> memref<128x64xf32, #tpu.memory_space<vmem_shared>>
      %dma_wait3A_163 = arith.constant 0 : i32
      %dma_wait3A_164 = tpu.memref_slice %arg22[%add3A_15, %dma_wait3A_163] : memref<10240x64xf32, #tpu.memory_space<vmem_shared>> -> memref<128x64xf32, #tpu.memory_space<vmem_shared>>
      tpu.wait_dma2 semaphore(%run_scoped3A : memref<!tpu.dma_semaphore, #tpu.memory_space<semaphore_mem>>) src(%arg13 : memref<128x64xf32, #tpu.memory_space<vmem>>) dst(%dma_wait3A_164 : memref<128x64xf32, #tpu.memory_space<vmem_shared>>)
      tpu.yield
    }) : () -> ()
    %mul3A_16 = arith.constant 640 : i32
    %mul3A_17 = arith.muli %arg1, %mul3A_16 : i32
    %add3A_18 = arith.constant 384 : i32
    %add3A_19 = arith.addi %mul3A_17, %add3A_18 : i32
    "tpu.region"() ({
      %run_scoped3A = tpu.sem_alloc : memref<!tpu.dma_semaphore, #tpu.memory_space<semaphore_mem>>
      %dma_start3A_157 = arith.constant 0 : i32
      %dma_start3A_158 = tpu.memref_slice %arg22[%add3A_19, %dma_start3A_157] : memref<10240x64xf32, #tpu.memory_space<vmem_shared>> -> memref<128x64xf32, #tpu.memory_space<vmem_shared>>
      %dma_start3A_159 = arith.constant 0 : i32
      %dma_start3A_160 = tpu.memref_slice %arg22[%add3A_19, %dma_start3A_159] : memref<10240x64xf32, #tpu.memory_space<vmem_shared>> -> memref<128x64xf32, #tpu.memory_space<vmem_shared>>
      tpu.enqueue_dma source(%arg13 : memref<128x64xf32, #tpu.memory_space<vmem>>) target(%dma_start3A_160 : memref<128x64xf32, #tpu.memory_space<vmem_shared>>) target_semaphore(%run_scoped3A : memref<!tpu.dma_semaphore, #tpu.memory_space<semaphore_mem>>)
      %dma_wait3A_161 = arith.constant 0 : i32
      %dma_wait3A_162 = tpu.memref_slice %arg22[%add3A_19, %dma_wait3A_161] : memref<10240x64xf32, #tpu.memory_space<vmem_shared>> -> memref<128x64xf32, #tpu.memory_space<vmem_shared>>
      %dma_wait3A_163 = arith.constant 0 : i32
      %dma_wait3A_164 = tpu.memref_slice %arg22[%add3A_19, %dma_wait3A_163] : memref<10240x64xf32, #tpu.memory_space<vmem_shared>> -> memref<128x64xf32, #tpu.memory_space<vmem_shared>>
      tpu.wait_dma2 semaphore(%run_scoped3A : memref<!tpu.dma_semaphore, #tpu.memory_space<semaphore_mem>>) src(%arg13 : memref<128x64xf32, #tpu.memory_space<vmem>>) dst(%dma_wait3A_164 : memref<128x64xf32, #tpu.memory_space<vmem_shared>>)
      tpu.yield
    }) : () -> ()
    %mul3A_20 = arith.constant 640 : i32
    %mul3A_21 = arith.muli %arg1, %mul3A_20 : i32
    %add3A_22 = arith.constant 512 : i32
    %add3A_23 = arith.addi %mul3A_21, %add3A_22 : i32
    "tpu.region"() ({
      %run_scoped3A = tpu.sem_alloc : memref<!tpu.dma_semaphore, #tpu.memory_space<semaphore_mem>>
      %dma_start3A_157 = arith.constant 0 : i32
      %dma_start3A_158 = tpu.memref_slice %arg22[%add3A_23, %dma_start3A_157] : memref<10240x64xf32, #tpu.memory_space<vmem_shared>> -> memref<128x64xf32, #tpu.memory_space<vmem_shared>>
      %dma_start3A_159 = arith.constant 0 : i32
      %dma_start3A_160 = tpu.memref_slice %arg22[%add3A_23, %dma_start3A_159] : memref<10240x64xf32, #tpu.memory_space<vmem_shared>> -> memref<128x64xf32, #tpu.memory_space<vmem_shared>>
      tpu.enqueue_dma source(%arg13 : memref<128x64xf32, #tpu.memory_space<vmem>>) target(%dma_start3A_160 : memref<128x64xf32, #tpu.memory_space<vmem_shared>>) target_semaphore(%run_scoped3A : memref<!tpu.dma_semaphore, #tpu.memory_space<semaphore_mem>>)
      %dma_wait3A_161 = arith.constant 0 : i32
      %dma_wait3A_162 = tpu.memref_slice %arg22[%add3A_23, %dma_wait3A_161] : memref<10240x64xf32, #tpu.memory_space<vmem_shared>> -> memref<128x64xf32, #tpu.memory_space<vmem_shared>>
      %dma_wait3A_163 = arith.constant 0 : i32
      %dma_wait3A_164 = tpu.memref_slice %arg22[%add3A_23, %dma_wait3A_163] : memref<10240x64xf32, #tpu.memory_space<vmem_shared>> -> memref<128x64xf32, #tpu.memory_space<vmem_shared>>
      tpu.wait_dma2 semaphore(%run_scoped3A : memref<!tpu.dma_semaphore, #tpu.memory_space<semaphore_mem>>) src(%arg13 : memref<128x64xf32, #tpu.memory_space<vmem>>) dst(%dma_wait3A_164 : memref<128x64xf32, #tpu.memory_space<vmem_shared>>)
      tpu.yield
    }) : () -> ()
    %eq3A = arith.constant 0 : i32
    %eq3A_24 = arith.cmpi eq, %arg0, %eq3A : i32
    %convert_element_type3A = arith.extui %eq3A_24 : i1 to i32
    %cond3A = arith.constant 0 : i32
    %cond3A_25 = arith.cmpi ne, %convert_element_type3A, %cond3A : i32
    scf.if %cond3A_25 {
      %mul3A_157 = arith.constant 160 : i32
      %mul3A_158 = arith.muli %arg1, %mul3A_157 : i32
      "tpu.region"() ({
        %run_scoped3A = tpu.sem_alloc : memref<!tpu.dma_semaphore, #tpu.memory_space<semaphore_mem>>
        %dma_start3A_159 = arith.constant 0 : i32
        %dma_start3A_160 = tpu.memref_slice %arg3[%mul3A_158, %dma_start3A_159] : memref<2560x125xi32, #tpu.memory_space<hbm>> -> memref<160x125xi32, #tpu.memory_space<hbm>>
        %dma_start3A_161 = arith.constant 0 : i32
        %dma_start3A_162 = tpu.memref_slice %arg3[%mul3A_158, %dma_start3A_161] : memref<2560x125xi32, #tpu.memory_space<hbm>> -> memref<160x125xi32, #tpu.memory_space<hbm>>
        tpu.enqueue_dma source(%dma_start3A_162 : memref<160x125xi32, #tpu.memory_space<hbm>>) target(%arg7 : memref<160x125xi32, #tpu.memory_space<vmem>>) target_semaphore(%run_scoped3A : memref<!tpu.dma_semaphore, #tpu.memory_space<semaphore_mem>>)
        %dma_wait3A_163 = arith.constant 0 : i32
        %dma_wait3A_164 = tpu.memref_slice %arg3[%mul3A_158, %dma_wait3A_163] : memref<2560x125xi32, #tpu.memory_space<hbm>> -> memref<160x125xi32, #tpu.memory_space<hbm>>
        %dma_wait3A_165 = arith.constant 0 : i32
        %dma_wait3A_166 = tpu.memref_slice %arg3[%mul3A_158, %dma_wait3A_165] : memref<2560x125xi32, #tpu.memory_space<hbm>> -> memref<160x125xi32, #tpu.memory_space<hbm>>
        tpu.wait_dma2 semaphore(%run_scoped3A : memref<!tpu.dma_semaphore, #tpu.memory_space<semaphore_mem>>) src(%dma_wait3A_166 : memref<160x125xi32, #tpu.memory_space<hbm>>) dst(%arg7 : memref<160x125xi32, #tpu.memory_space<vmem>>)
        tpu.yield
      }) : () -> ()
    } else {
    }
    %eq3A_26 = arith.constant 1 : i32
    %eq3A_27 = arith.cmpi eq, %arg0, %eq3A_26 : i32
    %convert_element_type3A_28 = arith.extui %eq3A_27 : i1 to i32
    %cond3A_29 = arith.constant 0 : i32
    %cond3A_30 = arith.cmpi ne, %convert_element_type3A_28, %cond3A_29 : i32
    scf.if %cond3A_30 {
      %mul3A_157 = arith.constant 160 : i32
      %mul3A_158 = arith.muli %arg1, %mul3A_157 : i32
      "tpu.region"() ({
        %run_scoped3A = tpu.sem_alloc : memref<!tpu.dma_semaphore, #tpu.memory_space<semaphore_mem>>
        %dma_start3A_159 = arith.constant 0 : i32
        %dma_start3A_160 = tpu.memref_slice %arg4[%mul3A_158, %dma_start3A_159] : memref<2560x125xi32, #tpu.memory_space<hbm>> -> memref<160x125xi32, #tpu.memory_space<hbm>>
        %dma_start3A_161 = arith.constant 0 : i32
        %dma_start3A_162 = tpu.memref_slice %arg4[%mul3A_158, %dma_start3A_161] : memref<2560x125xi32, #tpu.memory_space<hbm>> -> memref<160x125xi32, #tpu.memory_space<hbm>>
        tpu.enqueue_dma source(%dma_start3A_162 : memref<160x125xi32, #tpu.memory_space<hbm>>) target(%arg7 : memref<160x125xi32, #tpu.memory_space<vmem>>) target_semaphore(%run_scoped3A : memref<!tpu.dma_semaphore, #tpu.memory_space<semaphore_mem>>)
        %dma_wait3A_163 = arith.constant 0 : i32
        %dma_wait3A_164 = tpu.memref_slice %arg4[%mul3A_158, %dma_wait3A_163] : memref<2560x125xi32, #tpu.memory_space<hbm>> -> memref<160x125xi32, #tpu.memory_space<hbm>>
        %dma_wait3A_165 = arith.constant 0 : i32
        %dma_wait3A_166 = tpu.memref_slice %arg4[%mul3A_158, %dma_wait3A_165] : memref<2560x125xi32, #tpu.memory_space<hbm>> -> memref<160x125xi32, #tpu.memory_space<hbm>>
        tpu.wait_dma2 semaphore(%run_scoped3A : memref<!tpu.dma_semaphore, #tpu.memory_space<semaphore_mem>>) src(%dma_wait3A_166 : memref<160x125xi32, #tpu.memory_space<hbm>>) dst(%arg7 : memref<160x125xi32, #tpu.memory_space<vmem>>)
        tpu.yield
      }) : () -> ()
    } else {
    }
    %mul3A_31 = arith.constant 160 : i32
    %mul3A_32 = arith.muli %arg1, %mul3A_31 : i32
    "tpu.region"() ({
      %run_scoped3A = tpu.sem_alloc : memref<!tpu.dma_semaphore, #tpu.memory_space<semaphore_mem>>
      %dma_start3A_157 = arith.constant 0 : i32
      %dma_start3A_158 = tpu.memref_slice %arg5[%mul3A_32, %dma_start3A_157] : memref<2560x125xi32, #tpu.memory_space<hbm>> -> memref<160x125xi32, #tpu.memory_space<hbm>>
      %dma_start3A_159 = arith.constant 0 : i32
      %dma_start3A_160 = tpu.memref_slice %arg5[%mul3A_32, %dma_start3A_159] : memref<2560x125xi32, #tpu.memory_space<hbm>> -> memref<160x125xi32, #tpu.memory_space<hbm>>
      tpu.enqueue_dma source(%dma_start3A_160 : memref<160x125xi32, #tpu.memory_space<hbm>>) target(%arg8 : memref<160x125xi32, #tpu.memory_space<vmem>>) target_semaphore(%run_scoped3A : memref<!tpu.dma_semaphore, #tpu.memory_space<semaphore_mem>>)
      %dma_wait3A_161 = arith.constant 0 : i32
      %dma_wait3A_162 = tpu.memref_slice %arg5[%mul3A_32, %dma_wait3A_161] : memref<2560x125xi32, #tpu.memory_space<hbm>> -> memref<160x125xi32, #tpu.memory_space<hbm>>
      %dma_wait3A_163 = arith.constant 0 : i32
      %dma_wait3A_164 = tpu.memref_slice %arg5[%mul3A_32, %dma_wait3A_163] : memref<2560x125xi32, #tpu.memory_space<hbm>> -> memref<160x125xi32, #tpu.memory_space<hbm>>
      tpu.wait_dma2 semaphore(%run_scoped3A : memref<!tpu.dma_semaphore, #tpu.memory_space<semaphore_mem>>) src(%dma_wait3A_164 : memref<160x125xi32, #tpu.memory_space<hbm>>) dst(%arg8 : memref<160x125xi32, #tpu.memory_space<vmem>>)
      tpu.yield
    }) : () -> ()
    %barrier3A = arith.constant 0 : index
    tpu.barrier barrier_id(%barrier3A)
    %dma_start3A = arith.constant 0 : i32
    %dma_start3A_33 = arith.constant 0 : i32
    %dma_start3A_34 = tpu.memref_slice %arg7[%dma_start3A, %dma_start3A_33] : memref<160x125xi32, #tpu.memory_space<vmem>> -> memref<1x125xi32, #tpu.memory_space<vmem>>
    %dma_start3A_35 = tpu.memref_squeeze %dma_start3A_34 : memref<1x125xi32, #tpu.memory_space<vmem>> -> memref<125xi32, #tpu.memory_space<vmem>>
    %dma_start3A_36 = arith.constant 0 : i32
    %dma_start3A_37 = arith.constant 0 : i32
    %dma_start3A_38 = tpu.memref_slice %arg2[%dma_start3A_36, %dma_start3A_37] : memref<20000x64xf32, #tpu.memory_space<hbm>> -> memref<20000x64xf32, #tpu.memory_space<hbm>>
    tpu.enqueue_indirect_dma source(%dma_start3A_38 : memref<20000x64xf32, #tpu.memory_space<hbm>>) target(%arg9 : memref<125x64xf32, #tpu.memory_space<vmem>>) offsets(%dma_start3A_35 : memref<125xi32, #tpu.memory_space<vmem>>) semaphore(%arg14 : memref<!tpu.dma_semaphore, #tpu.memory_space<semaphore_mem>>)
    %dma_start3A_39 = arith.constant 1 : i32
    %dma_start3A_40 = arith.constant 0 : i32
    %dma_start3A_41 = tpu.memref_slice %arg7[%dma_start3A_39, %dma_start3A_40] : memref<160x125xi32, #tpu.memory_space<vmem>> -> memref<1x125xi32, #tpu.memory_space<vmem>>
    %dma_start3A_42 = tpu.memref_squeeze %dma_start3A_41 : memref<1x125xi32, #tpu.memory_space<vmem>> -> memref<125xi32, #tpu.memory_space<vmem>>
    %dma_start3A_43 = arith.constant 0 : i32
    %dma_start3A_44 = arith.constant 0 : i32
    %dma_start3A_45 = tpu.memref_slice %arg2[%dma_start3A_43, %dma_start3A_44] : memref<20000x64xf32, #tpu.memory_space<hbm>> -> memref<20000x64xf32, #tpu.memory_space<hbm>>
    tpu.enqueue_indirect_dma source(%dma_start3A_45 : memref<20000x64xf32, #tpu.memory_space<hbm>>) target(%arg10 : memref<125x64xf32, #tpu.memory_space<vmem>>) offsets(%dma_start3A_42 : memref<125xi32, #tpu.memory_space<vmem>>) semaphore(%arg15 : memref<!tpu.dma_semaphore, #tpu.memory_space<semaphore_mem>>)
    %dma_start3A_46 = arith.constant 2 : i32
    %dma_start3A_47 = arith.constant 0 : i32
    %dma_start3A_48 = tpu.memref_slice %arg7[%dma_start3A_46, %dma_start3A_47] : memref<160x125xi32, #tpu.memory_space<vmem>> -> memref<1x125xi32, #tpu.memory_space<vmem>>
    %dma_start3A_49 = tpu.memref_squeeze %dma_start3A_48 : memref<1x125xi32, #tpu.memory_space<vmem>> -> memref<125xi32, #tpu.memory_space<vmem>>
    %dma_start3A_50 = arith.constant 0 : i32
    %dma_start3A_51 = arith.constant 0 : i32
    %dma_start3A_52 = tpu.memref_slice %arg2[%dma_start3A_50, %dma_start3A_51] : memref<20000x64xf32, #tpu.memory_space<hbm>> -> memref<20000x64xf32, #tpu.memory_space<hbm>>
    tpu.enqueue_indirect_dma source(%dma_start3A_52 : memref<20000x64xf32, #tpu.memory_space<hbm>>) target(%arg11 : memref<125x64xf32, #tpu.memory_space<vmem>>) offsets(%dma_start3A_49 : memref<125xi32, #tpu.memory_space<vmem>>) semaphore(%arg16 : memref<!tpu.dma_semaphore, #tpu.memory_space<semaphore_mem>>)
    %dma_wait3A = arith.constant 0 : i32
    %dma_wait3A_53 = arith.constant 0 : i32
    %dma_wait3A_54 = tpu.memref_slice %arg7[%dma_wait3A, %dma_wait3A_53] : memref<160x125xi32, #tpu.memory_space<vmem>> -> memref<1x125xi32, #tpu.memory_space<vmem>>
    %dma_wait3A_55 = tpu.memref_squeeze %dma_wait3A_54 : memref<1x125xi32, #tpu.memory_space<vmem>> -> memref<125xi32, #tpu.memory_space<vmem>>
    %dma_wait3A_56 = arith.constant 0 : i32
    %dma_wait3A_57 = arith.constant 0 : i32
    %dma_wait3A_58 = tpu.memref_slice %arg2[%dma_wait3A_56, %dma_wait3A_57] : memref<20000x64xf32, #tpu.memory_space<hbm>> -> memref<20000x64xf32, #tpu.memory_space<hbm>>
    tpu.wait_indirect_dma semaphore(%arg14 : memref<!tpu.dma_semaphore, #tpu.memory_space<semaphore_mem>>) src(%dma_wait3A_58 : memref<20000x64xf32, #tpu.memory_space<hbm>>) dst(%arg9 : memref<125x64xf32, #tpu.memory_space<vmem>>)
    %dma_start3A_59 = arith.constant 0 : i32
    %dma_start3A_60 = arith.constant 0 : i32
    %dma_start3A_61 = tpu.memref_slice %arg8[%dma_start3A_59, %dma_start3A_60] : memref<160x125xi32, #tpu.memory_space<vmem>> -> memref<1x125xi32, #tpu.memory_space<vmem>>
    %dma_start3A_62 = tpu.memref_squeeze %dma_start3A_61 : memref<1x125xi32, #tpu.memory_space<vmem>> -> memref<125xi32, #tpu.memory_space<vmem>>
    %dma_start3A_63 = arith.constant 0 : i32
    %dma_start3A_64 = arith.constant 0 : i32
    %dma_start3A_65 = tpu.memref_slice %arg22[%dma_start3A_63, %dma_start3A_64] : memref<10240x64xf32, #tpu.memory_space<vmem_shared>> -> memref<10240x64xf32, #tpu.memory_space<vmem_shared>>
    tpu.enqueue_indirect_dma source(%arg9 : memref<125x64xf32, #tpu.memory_space<vmem>>) target(%dma_start3A_65 : memref<10240x64xf32, #tpu.memory_space<vmem_shared>>) offsets(%dma_start3A_62 : memref<125xi32, #tpu.memory_space<vmem>>) semaphore(%arg18 : memref<!tpu.dma_semaphore, #tpu.memory_space<semaphore_mem>>) {add = true}
    %dma_start3A_66 = arith.constant 3 : i32
    %dma_start3A_67 = arith.constant 0 : i32
    %dma_start3A_68 = tpu.memref_slice %arg7[%dma_start3A_66, %dma_start3A_67] : memref<160x125xi32, #tpu.memory_space<vmem>> -> memref<1x125xi32, #tpu.memory_space<vmem>>
    %dma_start3A_69 = tpu.memref_squeeze %dma_start3A_68 : memref<1x125xi32, #tpu.memory_space<vmem>> -> memref<125xi32, #tpu.memory_space<vmem>>
    %dma_start3A_70 = arith.constant 0 : i32
    %dma_start3A_71 = arith.constant 0 : i32
    %dma_start3A_72 = tpu.memref_slice %arg2[%dma_start3A_70, %dma_start3A_71] : memref<20000x64xf32, #tpu.memory_space<hbm>> -> memref<20000x64xf32, #tpu.memory_space<hbm>>
    tpu.enqueue_indirect_dma source(%dma_start3A_72 : memref<20000x64xf32, #tpu.memory_space<hbm>>) target(%arg12 : memref<125x64xf32, #tpu.memory_space<vmem>>) offsets(%dma_start3A_69 : memref<125xi32, #tpu.memory_space<vmem>>) semaphore(%arg17 : memref<!tpu.dma_semaphore, #tpu.memory_space<semaphore_mem>>)
    %dma_wait3A_73 = arith.constant 1 : i32
    %dma_wait3A_74 = arith.constant 0 : i32
    %dma_wait3A_75 = tpu.memref_slice %arg7[%dma_wait3A_73, %dma_wait3A_74] : memref<160x125xi32, #tpu.memory_space<vmem>> -> memref<1x125xi32, #tpu.memory_space<vmem>>
    %dma_wait3A_76 = tpu.memref_squeeze %dma_wait3A_75 : memref<1x125xi32, #tpu.memory_space<vmem>> -> memref<125xi32, #tpu.memory_space<vmem>>
    %dma_wait3A_77 = arith.constant 0 : i32
    %dma_wait3A_78 = arith.constant 0 : i32
    %dma_wait3A_79 = tpu.memref_slice %arg2[%dma_wait3A_77, %dma_wait3A_78] : memref<20000x64xf32, #tpu.memory_space<hbm>> -> memref<20000x64xf32, #tpu.memory_space<hbm>>
    tpu.wait_indirect_dma semaphore(%arg15 : memref<!tpu.dma_semaphore, #tpu.memory_space<semaphore_mem>>) src(%dma_wait3A_79 : memref<20000x64xf32, #tpu.memory_space<hbm>>) dst(%arg10 : memref<125x64xf32, #tpu.memory_space<vmem>>)
    %dma_start3A_80 = arith.constant 1 : i32
    %dma_start3A_81 = arith.constant 0 : i32
    %dma_start3A_82 = tpu.memref_slice %arg8[%dma_start3A_80, %dma_start3A_81] : memref<160x125xi32, #tpu.memory_space<vmem>> -> memref<1x125xi32, #tpu.memory_space<vmem>>
    %dma_start3A_83 = tpu.memref_squeeze %dma_start3A_82 : memref<1x125xi32, #tpu.memory_space<vmem>> -> memref<125xi32, #tpu.memory_space<vmem>>
    %dma_start3A_84 = arith.constant 0 : i32
    %dma_start3A_85 = arith.constant 0 : i32
    %dma_start3A_86 = tpu.memref_slice %arg22[%dma_start3A_84, %dma_start3A_85] : memref<10240x64xf32, #tpu.memory_space<vmem_shared>> -> memref<10240x64xf32, #tpu.memory_space<vmem_shared>>
    tpu.enqueue_indirect_dma source(%arg10 : memref<125x64xf32, #tpu.memory_space<vmem>>) target(%dma_start3A_86 : memref<10240x64xf32, #tpu.memory_space<vmem_shared>>) offsets(%dma_start3A_83 : memref<125xi32, #tpu.memory_space<vmem>>) semaphore(%arg19 : memref<!tpu.dma_semaphore, #tpu.memory_space<semaphore_mem>>) {add = true}
    %scan3A_87 = arith.constant 0 : i32
    %scan3A_88 = arith.constant 1 : i32
    %scan3A_89 = arith.constant 39 : i32
    %scan3A_90 = arith.addi %scan3A_88, %scan3A_89 : i32
    %scan3A_91 = arith.constant 1 : i32
    %scan3A_92 = scf.for %scan3A_157 = %scan3A_88 to %scan3A_90 step %scan3A_91 iter_args(%scan3A_158 = %scan3A_87) -> (i32)  : i32 {
      %mul3A_159 = arith.constant 4 : i32
      %mul3A_160 = arith.muli %scan3A_157, %mul3A_159 : i32
      %add3A_161 = arith.constant 0 : i32
      %add3A_162 = arith.addi %mul3A_160, %add3A_161 : i32
      %sub3A = arith.constant 4 : i32
      %sub3A_163 = arith.subi %add3A_162, %sub3A : i32
      %dma_wait3A_164 = arith.constant 0 : i32
      %dma_wait3A_165 = tpu.memref_slice %arg8[%sub3A_163, %dma_wait3A_164] : memref<160x125xi32, #tpu.memory_space<vmem>> -> memref<1x125xi32, #tpu.memory_space<vmem>>
      %dma_wait3A_166 = tpu.memref_squeeze %dma_wait3A_165 : memref<1x125xi32, #tpu.memory_space<vmem>> -> memref<125xi32, #tpu.memory_space<vmem>>
      %dma_wait3A_167 = arith.constant 0 : i32
      %dma_wait3A_168 = arith.constant 0 : i32
      %dma_wait3A_169 = tpu.memref_slice %arg22[%dma_wait3A_167, %dma_wait3A_168] : memref<10240x64xf32, #tpu.memory_space<vmem_shared>> -> memref<10240x64xf32, #tpu.memory_space<vmem_shared>>
      tpu.wait_indirect_dma semaphore(%arg18 : memref<!tpu.dma_semaphore, #tpu.memory_space<semaphore_mem>>) src(%arg9 : memref<125x64xf32, #tpu.memory_space<vmem>>) dst(%dma_wait3A_169 : memref<10240x64xf32, #tpu.memory_space<vmem_shared>>)
      %dma_start3A_170 = arith.constant 0 : i32
      %dma_start3A_171 = tpu.memref_slice %arg7[%add3A_162, %dma_start3A_170] : memref<160x125xi32, #tpu.memory_space<vmem>> -> memref<1x125xi32, #tpu.memory_space<vmem>>
      %dma_start3A_172 = tpu.memref_squeeze %dma_start3A_171 : memref<1x125xi32, #tpu.memory_space<vmem>> -> memref<125xi32, #tpu.memory_space<vmem>>
      %dma_start3A_173 = arith.constant 0 : i32
      %dma_start3A_174 = arith.constant 0 : i32
      %dma_start3A_175 = tpu.memref_slice %arg2[%dma_start3A_173, %dma_start3A_174] : memref<20000x64xf32, #tpu.memory_space<hbm>> -> memref<20000x64xf32, #tpu.memory_space<hbm>>
      tpu.enqueue_indirect_dma source(%dma_start3A_175 : memref<20000x64xf32, #tpu.memory_space<hbm>>) target(%arg9 : memref<125x64xf32, #tpu.memory_space<vmem>>) offsets(%dma_start3A_172 : memref<125xi32, #tpu.memory_space<vmem>>) semaphore(%arg14 : memref<!tpu.dma_semaphore, #tpu.memory_space<semaphore_mem>>)
      %sub3A_176 = arith.constant 2 : i32
      %sub3A_177 = arith.subi %add3A_162, %sub3A_176 : i32
      %dma_wait3A_178 = arith.constant 0 : i32
      %dma_wait3A_179 = tpu.memref_slice %arg7[%sub3A_177, %dma_wait3A_178] : memref<160x125xi32, #tpu.memory_space<vmem>> -> memref<1x125xi32, #tpu.memory_space<vmem>>
      %dma_wait3A_180 = tpu.memref_squeeze %dma_wait3A_179 : memref<1x125xi32, #tpu.memory_space<vmem>> -> memref<125xi32, #tpu.memory_space<vmem>>
      %dma_wait3A_181 = arith.constant 0 : i32
      %dma_wait3A_182 = arith.constant 0 : i32
      %dma_wait3A_183 = tpu.memref_slice %arg2[%dma_wait3A_181, %dma_wait3A_182] : memref<20000x64xf32, #tpu.memory_space<hbm>> -> memref<20000x64xf32, #tpu.memory_space<hbm>>
      tpu.wait_indirect_dma semaphore(%arg16 : memref<!tpu.dma_semaphore, #tpu.memory_space<semaphore_mem>>) src(%dma_wait3A_183 : memref<20000x64xf32, #tpu.memory_space<hbm>>) dst(%arg11 : memref<125x64xf32, #tpu.memory_space<vmem>>)
      %sub3A_184 = arith.constant 2 : i32
      %sub3A_185 = arith.subi %add3A_162, %sub3A_184 : i32
      %dma_start3A_186 = arith.constant 0 : i32
      %dma_start3A_187 = tpu.memref_slice %arg8[%sub3A_185, %dma_start3A_186] : memref<160x125xi32, #tpu.memory_space<vmem>> -> memref<1x125xi32, #tpu.memory_space<vmem>>
      %dma_start3A_188 = tpu.memref_squeeze %dma_start3A_187 : memref<1x125xi32, #tpu.memory_space<vmem>> -> memref<125xi32, #tpu.memory_space<vmem>>
      %dma_start3A_189 = arith.constant 0 : i32
      %dma_start3A_190 = arith.constant 0 : i32
      %dma_start3A_191 = tpu.memref_slice %arg22[%dma_start3A_189, %dma_start3A_190] : memref<10240x64xf32, #tpu.memory_space<vmem_shared>> -> memref<10240x64xf32, #tpu.memory_space<vmem_shared>>
      tpu.enqueue_indirect_dma source(%arg11 : memref<125x64xf32, #tpu.memory_space<vmem>>) target(%dma_start3A_191 : memref<10240x64xf32, #tpu.memory_space<vmem_shared>>) offsets(%dma_start3A_188 : memref<125xi32, #tpu.memory_space<vmem>>) semaphore(%arg20 : memref<!tpu.dma_semaphore, #tpu.memory_space<semaphore_mem>>) {add = true}
      %mul3A_192 = arith.constant 4 : i32
      %mul3A_193 = arith.muli %scan3A_157, %mul3A_192 : i32
      %add3A_194 = arith.constant 1 : i32
      %add3A_195 = arith.addi %mul3A_193, %add3A_194 : i32
      %sub3A_196 = arith.constant 4 : i32
      %sub3A_197 = arith.subi %add3A_195, %sub3A_196 : i32
      %dma_wait3A_198 = arith.constant 0 : i32
      %dma_wait3A_199 = tpu.memref_slice %arg8[%sub3A_197, %dma_wait3A_198] : memref<160x125xi32, #tpu.memory_space<vmem>> -> memref<1x125xi32, #tpu.memory_space<vmem>>
      %dma_wait3A_200 = tpu.memref_squeeze %dma_wait3A_199 : memref<1x125xi32, #tpu.memory_space<vmem>> -> memref<125xi32, #tpu.memory_space<vmem>>
      %dma_wait3A_201 = arith.constant 0 : i32
      %dma_wait3A_202 = arith.constant 0 : i32
      %dma_wait3A_203 = tpu.memref_slice %arg22[%dma_wait3A_201, %dma_wait3A_202] : memref<10240x64xf32, #tpu.memory_space<vmem_shared>> -> memref<10240x64xf32, #tpu.memory_space<vmem_shared>>
      tpu.wait_indirect_dma semaphore(%arg19 : memref<!tpu.dma_semaphore, #tpu.memory_space<semaphore_mem>>) src(%arg10 : memref<125x64xf32, #tpu.memory_space<vmem>>) dst(%dma_wait3A_203 : memref<10240x64xf32, #tpu.memory_space<vmem_shared>>)
      %dma_start3A_204 = arith.constant 0 : i32
      %dma_start3A_205 = tpu.memref_slice %arg7[%add3A_195, %dma_start3A_204] : memref<160x125xi32, #tpu.memory_space<vmem>> -> memref<1x125xi32, #tpu.memory_space<vmem>>
      %dma_start3A_206 = tpu.memref_squeeze %dma_start3A_205 : memref<1x125xi32, #tpu.memory_space<vmem>> -> memref<125xi32, #tpu.memory_space<vmem>>
      %dma_start3A_207 = arith.constant 0 : i32
      %dma_start3A_208 = arith.constant 0 : i32
      %dma_start3A_209 = tpu.memref_slice %arg2[%dma_start3A_207, %dma_start3A_208] : memref<20000x64xf32, #tpu.memory_space<hbm>> -> memref<20000x64xf32, #tpu.memory_space<hbm>>
      tpu.enqueue_indirect_dma source(%dma_start3A_209 : memref<20000x64xf32, #tpu.memory_space<hbm>>) target(%arg10 : memref<125x64xf32, #tpu.memory_space<vmem>>) offsets(%dma_start3A_206 : memref<125xi32, #tpu.memory_space<vmem>>) semaphore(%arg15 : memref<!tpu.dma_semaphore, #tpu.memory_space<semaphore_mem>>)
      %sub3A_210 = arith.constant 2 : i32
      %sub3A_211 = arith.subi %add3A_195, %sub3A_210 : i32
      %dma_wait3A_212 = arith.constant 0 : i32
      %dma_wait3A_213 = tpu.memref_slice %arg7[%sub3A_211, %dma_wait3A_212] : memref<160x125xi32, #tpu.memory_space<vmem>> -> memref<1x125xi32, #tpu.memory_space<vmem>>
      %dma_wait3A_214 = tpu.memref_squeeze %dma_wait3A_213 : memref<1x125xi32, #tpu.memory_space<vmem>> -> memref<125xi32, #tpu.memory_space<vmem>>
      %dma_wait3A_215 = arith.constant 0 : i32
      %dma_wait3A_216 = arith.constant 0 : i32
      %dma_wait3A_217 = tpu.memref_slice %arg2[%dma_wait3A_215, %dma_wait3A_216] : memref<20000x64xf32, #tpu.memory_space<hbm>> -> memref<20000x64xf32, #tpu.memory_space<hbm>>
      tpu.wait_indirect_dma semaphore(%arg17 : memref<!tpu.dma_semaphore, #tpu.memory_space<semaphore_mem>>) src(%dma_wait3A_217 : memref<20000x64xf32, #tpu.memory_space<hbm>>) dst(%arg12 : memref<125x64xf32, #tpu.memory_space<vmem>>)
      %sub3A_218 = arith.constant 2 : i32
      %sub3A_219 = arith.subi %add3A_195, %sub3A_218 : i32
      %dma_start3A_220 = arith.constant 0 : i32
      %dma_start3A_221 = tpu.memref_slice %arg8[%sub3A_219, %dma_start3A_220] : memref<160x125xi32, #tpu.memory_space<vmem>> -> memref<1x125xi32, #tpu.memory_space<vmem>>
      %dma_start3A_222 = tpu.memref_squeeze %dma_start3A_221 : memref<1x125xi32, #tpu.memory_space<vmem>> -> memref<125xi32, #tpu.memory_space<vmem>>
      %dma_start3A_223 = arith.constant 0 : i32
      %dma_start3A_224 = arith.constant 0 : i32
      %dma_start3A_225 = tpu.memref_slice %arg22[%dma_start3A_223, %dma_start3A_224] : memref<10240x64xf32, #tpu.memory_space<vmem_shared>> -> memref<10240x64xf32, #tpu.memory_space<vmem_shared>>
      tpu.enqueue_indirect_dma source(%arg12 : memref<125x64xf32, #tpu.memory_space<vmem>>) target(%dma_start3A_225 : memref<10240x64xf32, #tpu.memory_space<vmem_shared>>) offsets(%dma_start3A_222 : memref<125xi32, #tpu.memory_space<vmem>>) semaphore(%arg21 : memref<!tpu.dma_semaphore, #tpu.memory_space<semaphore_mem>>) {add = true}
      %mul3A_226 = arith.constant 4 : i32
      %mul3A_227 = arith.muli %scan3A_157, %mul3A_226 : i32
      %add3A_228 = arith.constant 2 : i32
      %add3A_229 = arith.addi %mul3A_227, %add3A_228 : i32
      %sub3A_230 = arith.constant 4 : i32
      %sub3A_231 = arith.subi %add3A_229, %sub3A_230 : i32
      %dma_wait3A_232 = arith.constant 0 : i32
      %dma_wait3A_233 = tpu.memref_slice %arg8[%sub3A_231, %dma_wait3A_232] : memref<160x125xi32, #tpu.memory_space<vmem>> -> memref<1x125xi32, #tpu.memory_space<vmem>>
      %dma_wait3A_234 = tpu.memref_squeeze %dma_wait3A_233 : memref<1x125xi32, #tpu.memory_space<vmem>> -> memref<125xi32, #tpu.memory_space<vmem>>
      %dma_wait3A_235 = arith.constant 0 : i32
      %dma_wait3A_236 = arith.constant 0 : i32
      %dma_wait3A_237 = tpu.memref_slice %arg22[%dma_wait3A_235, %dma_wait3A_236] : memref<10240x64xf32, #tpu.memory_space<vmem_shared>> -> memref<10240x64xf32, #tpu.memory_space<vmem_shared>>
      tpu.wait_indirect_dma semaphore(%arg20 : memref<!tpu.dma_semaphore, #tpu.memory_space<semaphore_mem>>) src(%arg11 : memref<125x64xf32, #tpu.memory_space<vmem>>) dst(%dma_wait3A_237 : memref<10240x64xf32, #tpu.memory_space<vmem_shared>>)
      %dma_start3A_238 = arith.constant 0 : i32
      %dma_start3A_239 = tpu.memref_slice %arg7[%add3A_229, %dma_start3A_238] : memref<160x125xi32, #tpu.memory_space<vmem>> -> memref<1x125xi32, #tpu.memory_space<vmem>>
      %dma_start3A_240 = tpu.memref_squeeze %dma_start3A_239 : memref<1x125xi32, #tpu.memory_space<vmem>> -> memref<125xi32, #tpu.memory_space<vmem>>
      %dma_start3A_241 = arith.constant 0 : i32
      %dma_start3A_242 = arith.constant 0 : i32
      %dma_start3A_243 = tpu.memref_slice %arg2[%dma_start3A_241, %dma_start3A_242] : memref<20000x64xf32, #tpu.memory_space<hbm>> -> memref<20000x64xf32, #tpu.memory_space<hbm>>
      tpu.enqueue_indirect_dma source(%dma_start3A_243 : memref<20000x64xf32, #tpu.memory_space<hbm>>) target(%arg11 : memref<125x64xf32, #tpu.memory_space<vmem>>) offsets(%dma_start3A_240 : memref<125xi32, #tpu.memory_space<vmem>>) semaphore(%arg16 : memref<!tpu.dma_semaphore, #tpu.memory_space<semaphore_mem>>)
      %sub3A_244 = arith.constant 2 : i32
      %sub3A_245 = arith.subi %add3A_229, %sub3A_244 : i32
      %dma_wait3A_246 = arith.constant 0 : i32
      %dma_wait3A_247 = tpu.memref_slice %arg7[%sub3A_245, %dma_wait3A_246] : memref<160x125xi32, #tpu.memory_space<vmem>> -> memref<1x125xi32, #tpu.memory_space<vmem>>
      %dma_wait3A_248 = tpu.memref_squeeze %dma_wait3A_247 : memref<1x125xi32, #tpu.memory_space<vmem>> -> memref<125xi32, #tpu.memory_space<vmem>>
      %dma_wait3A_249 = arith.constant 0 : i32
      %dma_wait3A_250 = arith.constant 0 : i32
      %dma_wait3A_251 = tpu.memref_slice %arg2[%dma_wait3A_249, %dma_wait3A_250] : memref<20000x64xf32, #tpu.memory_space<hbm>> -> memref<20000x64xf32, #tpu.memory_space<hbm>>
      tpu.wait_indirect_dma semaphore(%arg14 : memref<!tpu.dma_semaphore, #tpu.memory_space<semaphore_mem>>) src(%dma_wait3A_251 : memref<20000x64xf32, #tpu.memory_space<hbm>>) dst(%arg9 : memref<125x64xf32, #tpu.memory_space<vmem>>)
      %sub3A_252 = arith.constant 2 : i32
      %sub3A_253 = arith.subi %add3A_229, %sub3A_252 : i32
      %dma_start3A_254 = arith.constant 0 : i32
      %dma_start3A_255 = tpu.memref_slice %arg8[%sub3A_253, %dma_start3A_254] : memref<160x125xi32, #tpu.memory_space<vmem>> -> memref<1x125xi32, #tpu.memory_space<vmem>>
      %dma_start3A_256 = tpu.memref_squeeze %dma_start3A_255 : memref<1x125xi32, #tpu.memory_space<vmem>> -> memref<125xi32, #tpu.memory_space<vmem>>
      %dma_start3A_257 = arith.constant 0 : i32
      %dma_start3A_258 = arith.constant 0 : i32
      %dma_start3A_259 = tpu.memref_slice %arg22[%dma_start3A_257, %dma_start3A_258] : memref<10240x64xf32, #tpu.memory_space<vmem_shared>> -> memref<10240x64xf32, #tpu.memory_space<vmem_shared>>
      tpu.enqueue_indirect_dma source(%arg9 : memref<125x64xf32, #tpu.memory_space<vmem>>) target(%dma_start3A_259 : memref<10240x64xf32, #tpu.memory_space<vmem_shared>>) offsets(%dma_start3A_256 : memref<125xi32, #tpu.memory_space<vmem>>) semaphore(%arg18 : memref<!tpu.dma_semaphore, #tpu.memory_space<semaphore_mem>>) {add = true}
      %mul3A_260 = arith.constant 4 : i32
      %mul3A_261 = arith.muli %scan3A_157, %mul3A_260 : i32
      %add3A_262 = arith.constant 3 : i32
      %add3A_263 = arith.addi %mul3A_261, %add3A_262 : i32
      %sub3A_264 = arith.constant 4 : i32
      %sub3A_265 = arith.subi %add3A_263, %sub3A_264 : i32
      %dma_wait3A_266 = arith.constant 0 : i32
      %dma_wait3A_267 = tpu.memref_slice %arg8[%sub3A_265, %dma_wait3A_266] : memref<160x125xi32, #tpu.memory_space<vmem>> -> memref<1x125xi32, #tpu.memory_space<vmem>>
      %dma_wait3A_268 = tpu.memref_squeeze %dma_wait3A_267 : memref<1x125xi32, #tpu.memory_space<vmem>> -> memref<125xi32, #tpu.memory_space<vmem>>
      %dma_wait3A_269 = arith.constant 0 : i32
      %dma_wait3A_270 = arith.constant 0 : i32
      %dma_wait3A_271 = tpu.memref_slice %arg22[%dma_wait3A_269, %dma_wait3A_270] : memref<10240x64xf32, #tpu.memory_space<vmem_shared>> -> memref<10240x64xf32, #tpu.memory_space<vmem_shared>>
      tpu.wait_indirect_dma semaphore(%arg21 : memref<!tpu.dma_semaphore, #tpu.memory_space<semaphore_mem>>) src(%arg12 : memref<125x64xf32, #tpu.memory_space<vmem>>) dst(%dma_wait3A_271 : memref<10240x64xf32, #tpu.memory_space<vmem_shared>>)
      %dma_start3A_272 = arith.constant 0 : i32
      %dma_start3A_273 = tpu.memref_slice %arg7[%add3A_263, %dma_start3A_272] : memref<160x125xi32, #tpu.memory_space<vmem>> -> memref<1x125xi32, #tpu.memory_space<vmem>>
      %dma_start3A_274 = tpu.memref_squeeze %dma_start3A_273 : memref<1x125xi32, #tpu.memory_space<vmem>> -> memref<125xi32, #tpu.memory_space<vmem>>
      %dma_start3A_275 = arith.constant 0 : i32
      %dma_start3A_276 = arith.constant 0 : i32
      %dma_start3A_277 = tpu.memref_slice %arg2[%dma_start3A_275, %dma_start3A_276] : memref<20000x64xf32, #tpu.memory_space<hbm>> -> memref<20000x64xf32, #tpu.memory_space<hbm>>
      tpu.enqueue_indirect_dma source(%dma_start3A_277 : memref<20000x64xf32, #tpu.memory_space<hbm>>) target(%arg12 : memref<125x64xf32, #tpu.memory_space<vmem>>) offsets(%dma_start3A_274 : memref<125xi32, #tpu.memory_space<vmem>>) semaphore(%arg17 : memref<!tpu.dma_semaphore, #tpu.memory_space<semaphore_mem>>)
      %sub3A_278 = arith.constant 2 : i32
      %sub3A_279 = arith.subi %add3A_263, %sub3A_278 : i32
      %dma_wait3A_280 = arith.constant 0 : i32
      %dma_wait3A_281 = tpu.memref_slice %arg7[%sub3A_279, %dma_wait3A_280] : memref<160x125xi32, #tpu.memory_space<vmem>> -> memref<1x125xi32, #tpu.memory_space<vmem>>
      %dma_wait3A_282 = tpu.memref_squeeze %dma_wait3A_281 : memref<1x125xi32, #tpu.memory_space<vmem>> -> memref<125xi32, #tpu.memory_space<vmem>>
      %dma_wait3A_283 = arith.constant 0 : i32
      %dma_wait3A_284 = arith.constant 0 : i32
      %dma_wait3A_285 = tpu.memref_slice %arg2[%dma_wait3A_283, %dma_wait3A_284] : memref<20000x64xf32, #tpu.memory_space<hbm>> -> memref<20000x64xf32, #tpu.memory_space<hbm>>
      tpu.wait_indirect_dma semaphore(%arg15 : memref<!tpu.dma_semaphore, #tpu.memory_space<semaphore_mem>>) src(%dma_wait3A_285 : memref<20000x64xf32, #tpu.memory_space<hbm>>) dst(%arg10 : memref<125x64xf32, #tpu.memory_space<vmem>>)
      %sub3A_286 = arith.constant 2 : i32
      %sub3A_287 = arith.subi %add3A_263, %sub3A_286 : i32
      %dma_start3A_288 = arith.constant 0 : i32
      %dma_start3A_289 = tpu.memref_slice %arg8[%sub3A_287, %dma_start3A_288] : memref<160x125xi32, #tpu.memory_space<vmem>> -> memref<1x125xi32, #tpu.memory_space<vmem>>
      %dma_start3A_290 = tpu.memref_squeeze %dma_start3A_289 : memref<1x125xi32, #tpu.memory_space<vmem>> -> memref<125xi32, #tpu.memory_space<vmem>>
      %dma_start3A_291 = arith.constant 0 : i32
      %dma_start3A_292 = arith.constant 0 : i32
      %dma_start3A_293 = tpu.memref_slice %arg22[%dma_start3A_291, %dma_start3A_292] : memref<10240x64xf32, #tpu.memory_space<vmem_shared>> -> memref<10240x64xf32, #tpu.memory_space<vmem_shared>>
      tpu.enqueue_indirect_dma source(%arg10 : memref<125x64xf32, #tpu.memory_space<vmem>>) target(%dma_start3A_293 : memref<10240x64xf32, #tpu.memory_space<vmem_shared>>) offsets(%dma_start3A_290 : memref<125xi32, #tpu.memory_space<vmem>>) semaphore(%arg19 : memref<!tpu.dma_semaphore, #tpu.memory_space<semaphore_mem>>) {add = true}
      %scan3A_294 = arith.constant 0 : i32
      scf.yield %scan3A_294 : i32
    }
    %scan3A_93 = arith.constant 39 : i32
    %dma_wait3A_94 = arith.constant 158 : i32
    %dma_wait3A_95 = arith.constant 0 : i32
    %dma_wait3A_96 = tpu.memref_slice %arg7[%dma_wait3A_94, %dma_wait3A_95] : memref<160x125xi32, #tpu.memory_space<vmem>> -> memref<1x125xi32, #tpu.memory_space<vmem>>
    %dma_wait3A_97 = tpu.memref_squeeze %dma_wait3A_96 : memref<1x125xi32, #tpu.memory_space<vmem>> -> memref<125xi32, #tpu.memory_space<vmem>>
    %dma_wait3A_98 = arith.constant 0 : i32
    %dma_wait3A_99 = arith.constant 0 : i32
    %dma_wait3A_100 = tpu.memref_slice %arg2[%dma_wait3A_98, %dma_wait3A_99] : memref<20000x64xf32, #tpu.memory_space<hbm>> -> memref<20000x64xf32, #tpu.memory_space<hbm>>
    tpu.wait_indirect_dma semaphore(%arg16 : memref<!tpu.dma_semaphore, #tpu.memory_space<semaphore_mem>>) src(%dma_wait3A_100 : memref<20000x64xf32, #tpu.memory_space<hbm>>) dst(%arg11 : memref<125x64xf32, #tpu.memory_space<vmem>>)
    %dma_start3A_101 = arith.constant 158 : i32
    %dma_start3A_102 = arith.constant 0 : i32
    %dma_start3A_103 = tpu.memref_slice %arg8[%dma_start3A_101, %dma_start3A_102] : memref<160x125xi32, #tpu.memory_space<vmem>> -> memref<1x125xi32, #tpu.memory_space<vmem>>
    %dma_start3A_104 = tpu.memref_squeeze %dma_start3A_103 : memref<1x125xi32, #tpu.memory_space<vmem>> -> memref<125xi32, #tpu.memory_space<vmem>>
    %dma_start3A_105 = arith.constant 0 : i32
    %dma_start3A_106 = arith.constant 0 : i32
    %dma_start3A_107 = tpu.memref_slice %arg22[%dma_start3A_105, %dma_start3A_106] : memref<10240x64xf32, #tpu.memory_space<vmem_shared>> -> memref<10240x64xf32, #tpu.memory_space<vmem_shared>>
    tpu.enqueue_indirect_dma source(%arg11 : memref<125x64xf32, #tpu.memory_space<vmem>>) target(%dma_start3A_107 : memref<10240x64xf32, #tpu.memory_space<vmem_shared>>) offsets(%dma_start3A_104 : memref<125xi32, #tpu.memory_space<vmem>>) semaphore(%arg20 : memref<!tpu.dma_semaphore, #tpu.memory_space<semaphore_mem>>) {add = true}
    %dma_wait3A_108 = arith.constant 159 : i32
    %dma_wait3A_109 = arith.constant 0 : i32
    %dma_wait3A_110 = tpu.memref_slice %arg7[%dma_wait3A_108, %dma_wait3A_109] : memref<160x125xi32, #tpu.memory_space<vmem>> -> memref<1x125xi32, #tpu.memory_space<vmem>>
    %dma_wait3A_111 = tpu.memref_squeeze %dma_wait3A_110 : memref<1x125xi32, #tpu.memory_space<vmem>> -> memref<125xi32, #tpu.memory_space<vmem>>
    %dma_wait3A_112 = arith.constant 0 : i32
    %dma_wait3A_113 = arith.constant 0 : i32
    %dma_wait3A_114 = tpu.memref_slice %arg2[%dma_wait3A_112, %dma_wait3A_113] : memref<20000x64xf32, #tpu.memory_space<hbm>> -> memref<20000x64xf32, #tpu.memory_space<hbm>>
    tpu.wait_indirect_dma semaphore(%arg17 : memref<!tpu.dma_semaphore, #tpu.memory_space<semaphore_mem>>) src(%dma_wait3A_114 : memref<20000x64xf32, #tpu.memory_space<hbm>>) dst(%arg12 : memref<125x64xf32, #tpu.memory_space<vmem>>)
    %dma_start3A_115 = arith.constant 159 : i32
    %dma_start3A_116 = arith.constant 0 : i32
    %dma_start3A_117 = tpu.memref_slice %arg8[%dma_start3A_115, %dma_start3A_116] : memref<160x125xi32, #tpu.memory_space<vmem>> -> memref<1x125xi32, #tpu.memory_space<vmem>>
    %dma_start3A_118 = tpu.memref_squeeze %dma_start3A_117 : memref<1x125xi32, #tpu.memory_space<vmem>> -> memref<125xi32, #tpu.memory_space<vmem>>
    %dma_start3A_119 = arith.constant 0 : i32
    %dma_start3A_120 = arith.constant 0 : i32
    %dma_start3A_121 = tpu.memref_slice %arg22[%dma_start3A_119, %dma_start3A_120] : memref<10240x64xf32, #tpu.memory_space<vmem_shared>> -> memref<10240x64xf32, #tpu.memory_space<vmem_shared>>
    tpu.enqueue_indirect_dma source(%arg12 : memref<125x64xf32, #tpu.memory_space<vmem>>) target(%dma_start3A_121 : memref<10240x64xf32, #tpu.memory_space<vmem_shared>>) offsets(%dma_start3A_118 : memref<125xi32, #tpu.memory_space<vmem>>) semaphore(%arg21 : memref<!tpu.dma_semaphore, #tpu.memory_space<semaphore_mem>>) {add = true}
    %dma_wait3A_122 = arith.constant 156 : i32
    %dma_wait3A_123 = arith.constant 0 : i32
    %dma_wait3A_124 = tpu.memref_slice %arg8[%dma_wait3A_122, %dma_wait3A_123] : memref<160x125xi32, #tpu.memory_space<vmem>> -> memref<1x125xi32, #tpu.memory_space<vmem>>
    %dma_wait3A_125 = tpu.memref_squeeze %dma_wait3A_124 : memref<1x125xi32, #tpu.memory_space<vmem>> -> memref<125xi32, #tpu.memory_space<vmem>>
    %dma_wait3A_126 = arith.constant 0 : i32
    %dma_wait3A_127 = arith.constant 0 : i32
    %dma_wait3A_128 = tpu.memref_slice %arg22[%dma_wait3A_126, %dma_wait3A_127] : memref<10240x64xf32, #tpu.memory_space<vmem_shared>> -> memref<10240x64xf32, #tpu.memory_space<vmem_shared>>
    tpu.wait_indirect_dma semaphore(%arg18 : memref<!tpu.dma_semaphore, #tpu.memory_space<semaphore_mem>>) src(%arg9 : memref<125x64xf32, #tpu.memory_space<vmem>>) dst(%dma_wait3A_128 : memref<10240x64xf32, #tpu.memory_space<vmem_shared>>)
    %dma_wait3A_129 = arith.constant 157 : i32
    %dma_wait3A_130 = arith.constant 0 : i32
    %dma_wait3A_131 = tpu.memref_slice %arg8[%dma_wait3A_129, %dma_wait3A_130] : memref<160x125xi32, #tpu.memory_space<vmem>> -> memref<1x125xi32, #tpu.memory_space<vmem>>
    %dma_wait3A_132 = tpu.memref_squeeze %dma_wait3A_131 : memref<1x125xi32, #tpu.memory_space<vmem>> -> memref<125xi32, #tpu.memory_space<vmem>>
    %dma_wait3A_133 = arith.constant 0 : i32
    %dma_wait3A_134 = arith.constant 0 : i32
    %dma_wait3A_135 = tpu.memref_slice %arg22[%dma_wait3A_133, %dma_wait3A_134] : memref<10240x64xf32, #tpu.memory_space<vmem_shared>> -> memref<10240x64xf32, #tpu.memory_space<vmem_shared>>
    tpu.wait_indirect_dma semaphore(%arg19 : memref<!tpu.dma_semaphore, #tpu.memory_space<semaphore_mem>>) src(%arg10 : memref<125x64xf32, #tpu.memory_space<vmem>>) dst(%dma_wait3A_135 : memref<10240x64xf32, #tpu.memory_space<vmem_shared>>)
    %dma_wait3A_136 = arith.constant 158 : i32
    %dma_wait3A_137 = arith.constant 0 : i32
    %dma_wait3A_138 = tpu.memref_slice %arg8[%dma_wait3A_136, %dma_wait3A_137] : memref<160x125xi32, #tpu.memory_space<vmem>> -> memref<1x125xi32, #tpu.memory_space<vmem>>
    %dma_wait3A_139 = tpu.memref_squeeze %dma_wait3A_138 : memref<1x125xi32, #tpu.memory_space<vmem>> -> memref<125xi32, #tpu.memory_space<vmem>>
    %dma_wait3A_140 = arith.constant 0 : i32
    %dma_wait3A_141 = arith.constant 0 : i32
    %dma_wait3A_142 = tpu.memref_slice %arg22[%dma_wait3A_140, %dma_wait3A_141] : memref<10240x64xf32, #tpu.memory_space<vmem_shared>> -> memref<10240x64xf32, #tpu.memory_space<vmem_shared>>
    tpu.wait_indirect_dma semaphore(%arg20 : memref<!tpu.dma_semaphore, #tpu.memory_space<semaphore_mem>>) src(%arg11 : memref<125x64xf32, #tpu.memory_space<vmem>>) dst(%dma_wait3A_142 : memref<10240x64xf32, #tpu.memory_space<vmem_shared>>)
    %dma_wait3A_143 = arith.constant 159 : i32
    %dma_wait3A_144 = arith.constant 0 : i32
    %dma_wait3A_145 = tpu.memref_slice %arg8[%dma_wait3A_143, %dma_wait3A_144] : memref<160x125xi32, #tpu.memory_space<vmem>> -> memref<1x125xi32, #tpu.memory_space<vmem>>
    %dma_wait3A_146 = tpu.memref_squeeze %dma_wait3A_145 : memref<1x125xi32, #tpu.memory_space<vmem>> -> memref<125xi32, #tpu.memory_space<vmem>>
    %dma_wait3A_147 = arith.constant 0 : i32
    %dma_wait3A_148 = arith.constant 0 : i32
    %dma_wait3A_149 = tpu.memref_slice %arg22[%dma_wait3A_147, %dma_wait3A_148] : memref<10240x64xf32, #tpu.memory_space<vmem_shared>> -> memref<10240x64xf32, #tpu.memory_space<vmem_shared>>
    tpu.wait_indirect_dma semaphore(%arg21 : memref<!tpu.dma_semaphore, #tpu.memory_space<semaphore_mem>>) src(%arg12 : memref<125x64xf32, #tpu.memory_space<vmem>>) dst(%dma_wait3A_149 : memref<10240x64xf32, #tpu.memory_space<vmem_shared>>)
    %barrier3A_150 = arith.constant 0 : index
    tpu.barrier barrier_id(%barrier3A_150)
    %mul3A_151 = arith.constant 640 : i32
    %mul3A_152 = arith.muli %arg1, %mul3A_151 : i32
    %mul3A_153 = arith.constant 640 : i32
    %mul3A_154 = arith.muli %arg1, %mul3A_153 : i32
    %mul3A_155 = arith.constant 64 : i32
    %mul3A_156 = arith.muli %arg0, %mul3A_155 : i32
    "tpu.region"() ({
      %run_scoped3A = tpu.sem_alloc : memref<!tpu.dma_semaphore, #tpu.memory_space<semaphore_mem>>
      %dma_start3A_157 = tpu.memref_slice %arg6[%mul3A_154, %mul3A_156] : memref<10240x128xf32, #tpu.memory_space<hbm>> -> memref<640x64xf32, #tpu.memory_space<hbm>>
      %dma_start3A_158 = arith.constant 0 : i32
      %dma_start3A_159 = tpu.memref_slice %arg22[%mul3A_152, %dma_start3A_158] : memref<10240x64xf32, #tpu.memory_space<vmem_shared>> -> memref<640x64xf32, #tpu.memory_space<vmem_shared>>
      tpu.enqueue_dma source(%dma_start3A_159 : memref<640x64xf32, #tpu.memory_space<vmem_shared>>) target(%dma_start3A_157 : memref<640x64xf32, #tpu.memory_space<hbm>>) target_semaphore(%run_scoped3A : memref<!tpu.dma_semaphore, #tpu.memory_space<semaphore_mem>>)
      %dma_wait3A_160 = tpu.memref_slice %arg6[%mul3A_154, %mul3A_156] : memref<10240x128xf32, #tpu.memory_space<hbm>> -> memref<640x64xf32, #tpu.memory_space<hbm>>
      %dma_wait3A_161 = arith.constant 0 : i32
      %dma_wait3A_162 = tpu.memref_slice %arg22[%mul3A_152, %dma_wait3A_161] : memref<10240x64xf32, #tpu.memory_space<vmem_shared>> -> memref<640x64xf32, #tpu.memory_space<vmem_shared>>
      tpu.wait_dma2 semaphore(%run_scoped3A : memref<!tpu.dma_semaphore, #tpu.memory_space<semaphore_mem>>) src(%dma_wait3A_162 : memref<640x64xf32, #tpu.memory_space<vmem_shared>>) dst(%dma_wait3A_160 : memref<640x64xf32, #tpu.memory_space<hbm>>)
      tpu.yield
    }) : () -> ()
    return
  }
}

#map = affine_map<(d0, d1) -> (0, 0)>
module attributes {stable_mosaic.version = 14 : i64} {
  func.func @_sc_agg(%arg0: i32, %arg1: i32, %arg2: memref<20000x64xf32, #tpu.memory_space<hbm>>, %arg3: memref<2560x125xi32, #tpu.memory_space<hbm>>, %arg4: memref<2560x125xi32, #tpu.memory_space<hbm>>, %arg5: memref<2560x125xi32, #tpu.memory_space<hbm>>, %arg6: memref<10240x128xf32, #tpu.memory_space<hbm>>, %arg7: memref<160x125xi32, #tpu.memory_space<vmem>>, %arg8: memref<160x125xi32, #tpu.memory_space<vmem>>, %arg9: memref<125x64xf32, #tpu.memory_space<vmem>>, %arg10: memref<125x64xf32, #tpu.memory_space<vmem>>, %arg11: memref<125x64xf32, #tpu.memory_space<vmem>>, %arg12: memref<125x64xf32, #tpu.memory_space<vmem>>, %arg13: memref<128x64xf32, #tpu.memory_space<vmem>>, %arg14: memref<!tpu.dma_semaphore, #tpu.memory_space<semaphore_mem>>, %arg15: memref<!tpu.dma_semaphore, #tpu.memory_space<semaphore_mem>>, %arg16: memref<!tpu.dma_semaphore, #tpu.memory_space<semaphore_mem>>, %arg17: memref<!tpu.dma_semaphore, #tpu.memory_space<semaphore_mem>>, %arg18: memref<!tpu.dma_semaphore, #tpu.memory_space<semaphore_mem>>, %arg19: memref<!tpu.dma_semaphore, #tpu.memory_space<semaphore_mem>>, %arg20: memref<!tpu.dma_semaphore, #tpu.memory_space<semaphore_mem>>, %arg21: memref<!tpu.dma_semaphore, #tpu.memory_space<semaphore_mem>>, %arg22: memref<10240x64xf32, #tpu.memory_space<vmem_shared>>) attributes {dimension_semantics = [#tpu.dimension_semantics<core_parallel>, #tpu.dimension_semantics<subcore_parallel>], iteration_bounds = array<i64: 2, 16>, scalar_prefetch = 0 : i64, scratch_operands = 16 : i64, tpu.core_type = #tpu.core_type<sc_vector_subcore>, window_params = [{transform_indices = #map}, {transform_indices = #map}, {transform_indices = #map}, {transform_indices = #map}, {transform_indices = #map}]} {
    %scan3A = arith.constant 0 : i32
    %scan3A_0 = arith.constant 0 : i32
    %scan3A_1 = arith.constant 128 : i32
    %scan3A_2 = arith.addi %scan3A_0, %scan3A_1 : i32
    %scan3A_3 = arith.constant 1 : i32
    %scan3A_4 = scf.for %scan3A_157 = %scan3A_0 to %scan3A_2 step %scan3A_3 iter_args(%scan3A_158 = %scan3A) -> (i32)  : i32 {
      %broadcast_in_dim3A = arith.constant 0.000000e+00 : f32
      %broadcast_in_dim3A_159 = vector.broadcast %broadcast_in_dim3A : f32 to vector<16xf32>
      %swap3A = arith.index_cast %scan3A_157 : i32 to index
      %swap3A_160 = arith.constant 0 : index
      %swap3A_161 = tpu.vector_load %arg13[%swap3A, %swap3A_160] {strides = array<i32>} : memref<128x64xf32, #tpu.memory_space<vmem>>, vector<1x16xf32>,
      %swap3A_162 = vector.shape_cast %swap3A_161 : vector<1x16xf32> to vector<16xf32>
      %swap3A_163 = vector.shape_cast %broadcast_in_dim3A_159 : vector<16xf32> to vector<1x16xf32>
      tpu.vector_store %arg13[%swap3A, %swap3A_160], %swap3A_163 {strides = array<i32>} : memref<128x64xf32, #tpu.memory_space<vmem>>, vector<1x16xf32>,
      %broadcast_in_dim3A_164 = arith.constant 0.000000e+00 : f32
      %broadcast_in_dim3A_165 = vector.broadcast %broadcast_in_dim3A_164 : f32 to vector<16xf32>
      %swap3A_166 = arith.index_cast %scan3A_157 : i32 to index
      %swap3A_167 = arith.constant 16 : index
      %swap3A_168 = tpu.vector_load %arg13[%swap3A_166, %swap3A_167] {strides = array<i32>} : memref<128x64xf32, #tpu.memory_space<vmem>>, vector<1x16xf32>,
      %swap3A_169 = vector.shape_cast %swap3A_168 : vector<1x16xf32> to vector<16xf32>
      %swap3A_170 = vector.shape_cast %broadcast_in_dim3A_165 : vector<16xf32> to vector<1x16xf32>
      tpu.vector_store %arg13[%swap3A_166, %swap3A_167], %swap3A_170 {strides = array<i32>} : memref<128x64xf32, #tpu.memory_space<vmem>>, vector<1x16xf32>,
      %broadcast_in_dim3A_171 = arith.constant 0.000000e+00 : f32
      %broadcast_in_dim3A_172 = vector.broadcast %broadcast_in_dim3A_171 : f32 to vector<16xf32>
      %swap3A_173 = arith.index_cast %scan3A_157 : i32 to index
      %swap3A_174 = arith.constant 32 : index
      %swap3A_175 = tpu.vector_load %arg13[%swap3A_173, %swap3A_174] {strides = array<i32>} : memref<128x64xf32, #tpu.memory_space<vmem>>, vector<1x16xf32>,
      %swap3A_176 = vector.shape_cast %swap3A_175 : vector<1x16xf32> to vector<16xf32>
      %swap3A_177 = vector.shape_cast %broadcast_in_dim3A_172 : vector<16xf32> to vector<1x16xf32>
      tpu.vector_store %arg13[%swap3A_173, %swap3A_174], %swap3A_177 {strides = array<i32>} : memref<128x64xf32, #tpu.memory_space<vmem>>, vector<1x16xf32>,
      %broadcast_in_dim3A_178 = arith.constant 0.000000e+00 : f32
      %broadcast_in_dim3A_179 = vector.broadcast %broadcast_in_dim3A_178 : f32 to vector<16xf32>
      %swap3A_180 = arith.index_cast %scan3A_157 : i32 to index
      %swap3A_181 = arith.constant 48 : index
      %swap3A_182 = tpu.vector_load %arg13[%swap3A_180, %swap3A_181] {strides = array<i32>} : memref<128x64xf32, #tpu.memory_space<vmem>>, vector<1x16xf32>,
      %swap3A_183 = vector.shape_cast %swap3A_182 : vector<1x16xf32> to vector<16xf32>
      %swap3A_184 = vector.shape_cast %broadcast_in_dim3A_179 : vector<16xf32> to vector<1x16xf32>
      tpu.vector_store %arg13[%swap3A_180, %swap3A_181], %swap3A_184 {strides = array<i32>} : memref<128x64xf32, #tpu.memory_space<vmem>>, vector<1x16xf32>,
      %scan3A_185 = arith.constant 0 : i32
      scf.yield %scan3A_185 : i32
    }
    %scan3A_5 = arith.constant 128 : i32
    %mul3A = arith.constant 640 : i32
    %mul3A_6 = arith.muli %arg1, %mul3A : i32
    %add3A = arith.constant 0 : i32
    %add3A_7 = arith.addi %mul3A_6, %add3A : i32
    "tpu.region"() ({
      %run_scoped3A = tpu.sem_alloc : memref<!tpu.dma_semaphore, #tpu.memory_space<semaphore_mem>>
      %dma_start3A_157 = arith.constant 0 : i32
      %dma_start3A_158 = tpu.memref_slice %arg22[%add3A_7, %dma_start3A_157] : memref<10240x64xf32, #tpu.memory_space<vmem_shared>> -> memref<128x64xf32, #tpu.memory_space<vmem_shared>>
      %dma_start3A_159 = arith.constant 0 : i32
      %dma_start3A_160 = tpu.memref_slice %arg22[%add3A_7, %dma_start3A_159] : memref<10240x64xf32, #tpu.memory_space<vmem_shared>> -> memref<128x64xf32, #tpu.memory_space<vmem_shared>>
      tpu.enqueue_dma source(%arg13 : memref<128x64xf32, #tpu.memory_space<vmem>>) target(%dma_start3A_160 : memref<128x64xf32, #tpu.memory_space<vmem_shared>>) target_semaphore(%run_scoped3A : memref<!tpu.dma_semaphore, #tpu.memory_space<semaphore_mem>>)
      %dma_wait3A_161 = arith.constant 0 : i32
      %dma_wait3A_162 = tpu.memref_slice %arg22[%add3A_7, %dma_wait3A_161] : memref<10240x64xf32, #tpu.memory_space<vmem_shared>> -> memref<128x64xf32, #tpu.memory_space<vmem_shared>>
      %dma_wait3A_163 = arith.constant 0 : i32
      %dma_wait3A_164 = tpu.memref_slice %arg22[%add3A_7, %dma_wait3A_163] : memref<10240x64xf32, #tpu.memory_space<vmem_shared>> -> memref<128x64xf32, #tpu.memory_space<vmem_shared>>
      tpu.wait_dma2 semaphore(%run_scoped3A : memref<!tpu.dma_semaphore, #tpu.memory_space<semaphore_mem>>) src(%arg13 : memref<128x64xf32, #tpu.memory_space<vmem>>) dst(%dma_wait3A_164 : memref<128x64xf32, #tpu.memory_space<vmem_shared>>)
      tpu.yield
    }) : () -> ()
    %mul3A_8 = arith.constant 640 : i32
    %mul3A_9 = arith.muli %arg1, %mul3A_8 : i32
    %add3A_10 = arith.constant 128 : i32
    %add3A_11 = arith.addi %mul3A_9, %add3A_10 : i32
    "tpu.region"() ({
      %run_scoped3A = tpu.sem_alloc : memref<!tpu.dma_semaphore, #tpu.memory_space<semaphore_mem>>
      %dma_start3A_157 = arith.constant 0 : i32
      %dma_start3A_158 = tpu.memref_slice %arg22[%add3A_11, %dma_start3A_157] : memref<10240x64xf32, #tpu.memory_space<vmem_shared>> -> memref<128x64xf32, #tpu.memory_space<vmem_shared>>
      %dma_start3A_159 = arith.constant 0 : i32
      %dma_start3A_160 = tpu.memref_slice %arg22[%add3A_11, %dma_start3A_159] : memref<10240x64xf32, #tpu.memory_space<vmem_shared>> -> memref<128x64xf32, #tpu.memory_space<vmem_shared>>
      tpu.enqueue_dma source(%arg13 : memref<128x64xf32, #tpu.memory_space<vmem>>) target(%dma_start3A_160 : memref<128x64xf32, #tpu.memory_space<vmem_shared>>) target_semaphore(%run_scoped3A : memref<!tpu.dma_semaphore, #tpu.memory_space<semaphore_mem>>)
      %dma_wait3A_161 = arith.constant 0 : i32
      %dma_wait3A_162 = tpu.memref_slice %arg22[%add3A_11, %dma_wait3A_161] : memref<10240x64xf32, #tpu.memory_space<vmem_shared>> -> memref<128x64xf32, #tpu.memory_space<vmem_shared>>
      %dma_wait3A_163 = arith.constant 0 : i32
      %dma_wait3A_164 = tpu.memref_slice %arg22[%add3A_11, %dma_wait3A_163] : memref<10240x64xf32, #tpu.memory_space<vmem_shared>> -> memref<128x64xf32, #tpu.memory_space<vmem_shared>>
      tpu.wait_dma2 semaphore(%run_scoped3A : memref<!tpu.dma_semaphore, #tpu.memory_space<semaphore_mem>>) src(%arg13 : memref<128x64xf32, #tpu.memory_space<vmem>>) dst(%dma_wait3A_164 : memref<128x64xf32, #tpu.memory_space<vmem_shared>>)
      tpu.yield
    }) : () -> ()
    %mul3A_12 = arith.constant 640 : i32
    %mul3A_13 = arith.muli %arg1, %mul3A_12 : i32
    %add3A_14 = arith.constant 256 : i32
    %add3A_15 = arith.addi %mul3A_13, %add3A_14 : i32
    "tpu.region"() ({
      %run_scoped3A = tpu.sem_alloc : memref<!tpu.dma_semaphore, #tpu.memory_space<semaphore_mem>>
      %dma_start3A_157 = arith.constant 0 : i32
      %dma_start3A_158 = tpu.memref_slice %arg22[%add3A_15, %dma_start3A_157] : memref<10240x64xf32, #tpu.memory_space<vmem_shared>> -> memref<128x64xf32, #tpu.memory_space<vmem_shared>>
      %dma_start3A_159 = arith.constant 0 : i32
      %dma_start3A_160 = tpu.memref_slice %arg22[%add3A_15, %dma_start3A_159] : memref<10240x64xf32, #tpu.memory_space<vmem_shared>> -> memref<128x64xf32, #tpu.memory_space<vmem_shared>>
      tpu.enqueue_dma source(%arg13 : memref<128x64xf32, #tpu.memory_space<vmem>>) target(%dma_start3A_160 : memref<128x64xf32, #tpu.memory_space<vmem_shared>>) target_semaphore(%run_scoped3A : memref<!tpu.dma_semaphore, #tpu.memory_space<semaphore_mem>>)
      %dma_wait3A_161 = arith.constant 0 : i32
      %dma_wait3A_162 = tpu.memref_slice %arg22[%add3A_15, %dma_wait3A_161] : memref<10240x64xf32, #tpu.memory_space<vmem_shared>> -> memref<128x64xf32, #tpu.memory_space<vmem_shared>>
      %dma_wait3A_163 = arith.constant 0 : i32
      %dma_wait3A_164 = tpu.memref_slice %arg22[%add3A_15, %dma_wait3A_163] : memref<10240x64xf32, #tpu.memory_space<vmem_shared>> -> memref<128x64xf32, #tpu.memory_space<vmem_shared>>
      tpu.wait_dma2 semaphore(%run_scoped3A : memref<!tpu.dma_semaphore, #tpu.memory_space<semaphore_mem>>) src(%arg13 : memref<128x64xf32, #tpu.memory_space<vmem>>) dst(%dma_wait3A_164 : memref<128x64xf32, #tpu.memory_space<vmem_shared>>)
      tpu.yield
    }) : () -> ()
    %mul3A_16 = arith.constant 640 : i32
    %mul3A_17 = arith.muli %arg1, %mul3A_16 : i32
    %add3A_18 = arith.constant 384 : i32
    %add3A_19 = arith.addi %mul3A_17, %add3A_18 : i32
    "tpu.region"() ({
      %run_scoped3A = tpu.sem_alloc : memref<!tpu.dma_semaphore, #tpu.memory_space<semaphore_mem>>
      %dma_start3A_157 = arith.constant 0 : i32
      %dma_start3A_158 = tpu.memref_slice %arg22[%add3A_19, %dma_start3A_157] : memref<10240x64xf32, #tpu.memory_space<vmem_shared>> -> memref<128x64xf32, #tpu.memory_space<vmem_shared>>
      %dma_start3A_159 = arith.constant 0 : i32
      %dma_start3A_160 = tpu.memref_slice %arg22[%add3A_19, %dma_start3A_159] : memref<10240x64xf32, #tpu.memory_space<vmem_shared>> -> memref<128x64xf32, #tpu.memory_space<vmem_shared>>
      tpu.enqueue_dma source(%arg13 : memref<128x64xf32, #tpu.memory_space<vmem>>) target(%dma_start3A_160 : memref<128x64xf32, #tpu.memory_space<vmem_shared>>) target_semaphore(%run_scoped3A : memref<!tpu.dma_semaphore, #tpu.memory_space<semaphore_mem>>)
      %dma_wait3A_161 = arith.constant 0 : i32
      %dma_wait3A_162 = tpu.memref_slice %arg22[%add3A_19, %dma_wait3A_161] : memref<10240x64xf32, #tpu.memory_space<vmem_shared>> -> memref<128x64xf32, #tpu.memory_space<vmem_shared>>
      %dma_wait3A_163 = arith.constant 0 : i32
      %dma_wait3A_164 = tpu.memref_slice %arg22[%add3A_19, %dma_wait3A_163] : memref<10240x64xf32, #tpu.memory_space<vmem_shared>> -> memref<128x64xf32, #tpu.memory_space<vmem_shared>>
      tpu.wait_dma2 semaphore(%run_scoped3A : memref<!tpu.dma_semaphore, #tpu.memory_space<semaphore_mem>>) src(%arg13 : memref<128x64xf32, #tpu.memory_space<vmem>>) dst(%dma_wait3A_164 : memref<128x64xf32, #tpu.memory_space<vmem_shared>>)
      tpu.yield
    }) : () -> ()
    %mul3A_20 = arith.constant 640 : i32
    %mul3A_21 = arith.muli %arg1, %mul3A_20 : i32
    %add3A_22 = arith.constant 512 : i32
    %add3A_23 = arith.addi %mul3A_21, %add3A_22 : i32
    "tpu.region"() ({
      %run_scoped3A = tpu.sem_alloc : memref<!tpu.dma_semaphore, #tpu.memory_space<semaphore_mem>>
      %dma_start3A_157 = arith.constant 0 : i32
      %dma_start3A_158 = tpu.memref_slice %arg22[%add3A_23, %dma_start3A_157] : memref<10240x64xf32, #tpu.memory_space<vmem_shared>> -> memref<128x64xf32, #tpu.memory_space<vmem_shared>>
      %dma_start3A_159 = arith.constant 0 : i32
      %dma_start3A_160 = tpu.memref_slice %arg22[%add3A_23, %dma_start3A_159] : memref<10240x64xf32, #tpu.memory_space<vmem_shared>> -> memref<128x64xf32, #tpu.memory_space<vmem_shared>>
      tpu.enqueue_dma source(%arg13 : memref<128x64xf32, #tpu.memory_space<vmem>>) target(%dma_start3A_160 : memref<128x64xf32, #tpu.memory_space<vmem_shared>>) target_semaphore(%run_scoped3A : memref<!tpu.dma_semaphore, #tpu.memory_space<semaphore_mem>>)
      %dma_wait3A_161 = arith.constant 0 : i32
      %dma_wait3A_162 = tpu.memref_slice %arg22[%add3A_23, %dma_wait3A_161] : memref<10240x64xf32, #tpu.memory_space<vmem_shared>> -> memref<128x64xf32, #tpu.memory_space<vmem_shared>>
      %dma_wait3A_163 = arith.constant 0 : i32
      %dma_wait3A_164 = tpu.memref_slice %arg22[%add3A_23, %dma_wait3A_163] : memref<10240x64xf32, #tpu.memory_space<vmem_shared>> -> memref<128x64xf32, #tpu.memory_space<vmem_shared>>
      tpu.wait_dma2 semaphore(%run_scoped3A : memref<!tpu.dma_semaphore, #tpu.memory_space<semaphore_mem>>) src(%arg13 : memref<128x64xf32, #tpu.memory_space<vmem>>) dst(%dma_wait3A_164 : memref<128x64xf32, #tpu.memory_space<vmem_shared>>)
      tpu.yield
    }) : () -> ()
    %eq3A = arith.constant 0 : i32
    %eq3A_24 = arith.cmpi eq, %arg0, %eq3A : i32
    %convert_element_type3A = arith.extui %eq3A_24 : i1 to i32
    %cond3A = arith.constant 0 : i32
    %cond3A_25 = arith.cmpi ne, %convert_element_type3A, %cond3A : i32
    scf.if %cond3A_25 {
      %mul3A_157 = arith.constant 160 : i32
      %mul3A_158 = arith.muli %arg1, %mul3A_157 : i32
      "tpu.region"() ({
        %run_scoped3A = tpu.sem_alloc : memref<!tpu.dma_semaphore, #tpu.memory_space<semaphore_mem>>
        %dma_start3A_159 = arith.constant 0 : i32
        %dma_start3A_160 = tpu.memref_slice %arg3[%mul3A_158, %dma_start3A_159] : memref<2560x125xi32, #tpu.memory_space<hbm>> -> memref<160x125xi32, #tpu.memory_space<hbm>>
        %dma_start3A_161 = arith.constant 0 : i32
        %dma_start3A_162 = tpu.memref_slice %arg3[%mul3A_158, %dma_start3A_161] : memref<2560x125xi32, #tpu.memory_space<hbm>> -> memref<160x125xi32, #tpu.memory_space<hbm>>
        tpu.enqueue_dma source(%dma_start3A_162 : memref<160x125xi32, #tpu.memory_space<hbm>>) target(%arg7 : memref<160x125xi32, #tpu.memory_space<vmem>>) target_semaphore(%run_scoped3A : memref<!tpu.dma_semaphore, #tpu.memory_space<semaphore_mem>>)
        %dma_wait3A_163 = arith.constant 0 : i32
        %dma_wait3A_164 = tpu.memref_slice %arg3[%mul3A_158, %dma_wait3A_163] : memref<2560x125xi32, #tpu.memory_space<hbm>> -> memref<160x125xi32, #tpu.memory_space<hbm>>
        %dma_wait3A_165 = arith.constant 0 : i32
        %dma_wait3A_166 = tpu.memref_slice %arg3[%mul3A_158, %dma_wait3A_165] : memref<2560x125xi32, #tpu.memory_space<hbm>> -> memref<160x125xi32, #tpu.memory_space<hbm>>
        tpu.wait_dma2 semaphore(%run_scoped3A : memref<!tpu.dma_semaphore, #tpu.memory_space<semaphore_mem>>) src(%dma_wait3A_166 : memref<160x125xi32, #tpu.memory_space<hbm>>) dst(%arg7 : memref<160x125xi32, #tpu.memory_space<vmem>>)
        tpu.yield
      }) : () -> ()
    } else {
    }
    %eq3A_26 = arith.constant 1 : i32
    %eq3A_27 = arith.cmpi eq, %arg0, %eq3A_26 : i32
    %convert_element_type3A_28 = arith.extui %eq3A_27 : i1 to i32
    %cond3A_29 = arith.constant 0 : i32
    %cond3A_30 = arith.cmpi ne, %convert_element_type3A_28, %cond3A_29 : i32
    scf.if %cond3A_30 {
      %mul3A_157 = arith.constant 160 : i32
      %mul3A_158 = arith.muli %arg1, %mul3A_157 : i32
      "tpu.region"() ({
        %run_scoped3A = tpu.sem_alloc : memref<!tpu.dma_semaphore, #tpu.memory_space<semaphore_mem>>
        %dma_start3A_159 = arith.constant 0 : i32
        %dma_start3A_160 = tpu.memref_slice %arg4[%mul3A_158, %dma_start3A_159] : memref<2560x125xi32, #tpu.memory_space<hbm>> -> memref<160x125xi32, #tpu.memory_space<hbm>>
        %dma_start3A_161 = arith.constant 0 : i32
        %dma_start3A_162 = tpu.memref_slice %arg4[%mul3A_158, %dma_start3A_161] : memref<2560x125xi32, #tpu.memory_space<hbm>> -> memref<160x125xi32, #tpu.memory_space<hbm>>
        tpu.enqueue_dma source(%dma_start3A_162 : memref<160x125xi32, #tpu.memory_space<hbm>>) target(%arg7 : memref<160x125xi32, #tpu.memory_space<vmem>>) target_semaphore(%run_scoped3A : memref<!tpu.dma_semaphore, #tpu.memory_space<semaphore_mem>>)
        %dma_wait3A_163 = arith.constant 0 : i32
        %dma_wait3A_164 = tpu.memref_slice %arg4[%mul3A_158, %dma_wait3A_163] : memref<2560x125xi32, #tpu.memory_space<hbm>> -> memref<160x125xi32, #tpu.memory_space<hbm>>
        %dma_wait3A_165 = arith.constant 0 : i32
        %dma_wait3A_166 = tpu.memref_slice %arg4[%mul3A_158, %dma_wait3A_165] : memref<2560x125xi32, #tpu.memory_space<hbm>> -> memref<160x125xi32, #tpu.memory_space<hbm>>
        tpu.wait_dma2 semaphore(%run_scoped3A : memref<!tpu.dma_semaphore, #tpu.memory_space<semaphore_mem>>) src(%dma_wait3A_166 : memref<160x125xi32, #tpu.memory_space<hbm>>) dst(%arg7 : memref<160x125xi32, #tpu.memory_space<vmem>>)
        tpu.yield
      }) : () -> ()
    } else {
    }
    %mul3A_31 = arith.constant 160 : i32
    %mul3A_32 = arith.muli %arg1, %mul3A_31 : i32
    "tpu.region"() ({
      %run_scoped3A = tpu.sem_alloc : memref<!tpu.dma_semaphore, #tpu.memory_space<semaphore_mem>>
      %dma_start3A_157 = arith.constant 0 : i32
      %dma_start3A_158 = tpu.memref_slice %arg5[%mul3A_32, %dma_start3A_157] : memref<2560x125xi32, #tpu.memory_space<hbm>> -> memref<160x125xi32, #tpu.memory_space<hbm>>
      %dma_start3A_159 = arith.constant 0 : i32
      %dma_start3A_160 = tpu.memref_slice %arg5[%mul3A_32, %dma_start3A_159] : memref<2560x125xi32, #tpu.memory_space<hbm>> -> memref<160x125xi32, #tpu.memory_space<hbm>>
      tpu.enqueue_dma source(%dma_start3A_160 : memref<160x125xi32, #tpu.memory_space<hbm>>) target(%arg8 : memref<160x125xi32, #tpu.memory_space<vmem>>) target_semaphore(%run_scoped3A : memref<!tpu.dma_semaphore, #tpu.memory_space<semaphore_mem>>)
      %dma_wait3A_161 = arith.constant 0 : i32
      %dma_wait3A_162 = tpu.memref_slice %arg5[%mul3A_32, %dma_wait3A_161] : memref<2560x125xi32, #tpu.memory_space<hbm>> -> memref<160x125xi32, #tpu.memory_space<hbm>>
      %dma_wait3A_163 = arith.constant 0 : i32
      %dma_wait3A_164 = tpu.memref_slice %arg5[%mul3A_32, %dma_wait3A_163] : memref<2560x125xi32, #tpu.memory_space<hbm>> -> memref<160x125xi32, #tpu.memory_space<hbm>>
      tpu.wait_dma2 semaphore(%run_scoped3A : memref<!tpu.dma_semaphore, #tpu.memory_space<semaphore_mem>>) src(%dma_wait3A_164 : memref<160x125xi32, #tpu.memory_space<hbm>>) dst(%arg8 : memref<160x125xi32, #tpu.memory_space<vmem>>)
      tpu.yield
    }) : () -> ()
    %barrier3A = arith.constant 0 : index
    tpu.barrier barrier_id(%barrier3A)
    %dma_start3A = arith.constant 0 : i32
    %dma_start3A_33 = arith.constant 0 : i32
    %dma_start3A_34 = tpu.memref_slice %arg7[%dma_start3A, %dma_start3A_33] : memref<160x125xi32, #tpu.memory_space<vmem>> -> memref<1x125xi32, #tpu.memory_space<vmem>>
    %dma_start3A_35 = tpu.memref_squeeze %dma_start3A_34 : memref<1x125xi32, #tpu.memory_space<vmem>> -> memref<125xi32, #tpu.memory_space<vmem>>
    %dma_start3A_36 = arith.constant 0 : i32
    %dma_start3A_37 = arith.constant 0 : i32
    %dma_start3A_38 = tpu.memref_slice %arg2[%dma_start3A_36, %dma_start3A_37] : memref<20000x64xf32, #tpu.memory_space<hbm>> -> memref<20000x64xf32, #tpu.memory_space<hbm>>
    tpu.enqueue_indirect_dma source(%dma_start3A_38 : memref<20000x64xf32, #tpu.memory_space<hbm>>) target(%arg9 : memref<125x64xf32, #tpu.memory_space<vmem>>) offsets(%dma_start3A_35 : memref<125xi32, #tpu.memory_space<vmem>>) semaphore(%arg14 : memref<!tpu.dma_semaphore, #tpu.memory_space<semaphore_mem>>)
    %dma_start3A_39 = arith.constant 1 : i32
    %dma_start3A_40 = arith.constant 0 : i32
    %dma_start3A_41 = tpu.memref_slice %arg7[%dma_start3A_39, %dma_start3A_40] : memref<160x125xi32, #tpu.memory_space<vmem>> -> memref<1x125xi32, #tpu.memory_space<vmem>>
    %dma_start3A_42 = tpu.memref_squeeze %dma_start3A_41 : memref<1x125xi32, #tpu.memory_space<vmem>> -> memref<125xi32, #tpu.memory_space<vmem>>
    %dma_start3A_43 = arith.constant 0 : i32
    %dma_start3A_44 = arith.constant 0 : i32
    %dma_start3A_45 = tpu.memref_slice %arg2[%dma_start3A_43, %dma_start3A_44] : memref<20000x64xf32, #tpu.memory_space<hbm>> -> memref<20000x64xf32, #tpu.memory_space<hbm>>
    tpu.enqueue_indirect_dma source(%dma_start3A_45 : memref<20000x64xf32, #tpu.memory_space<hbm>>) target(%arg10 : memref<125x64xf32, #tpu.memory_space<vmem>>) offsets(%dma_start3A_42 : memref<125xi32, #tpu.memory_space<vmem>>) semaphore(%arg15 : memref<!tpu.dma_semaphore, #tpu.memory_space<semaphore_mem>>)
    %dma_start3A_46 = arith.constant 2 : i32
    %dma_start3A_47 = arith.constant 0 : i32
    %dma_start3A_48 = tpu.memref_slice %arg7[%dma_start3A_46, %dma_start3A_47] : memref<160x125xi32, #tpu.memory_space<vmem>> -> memref<1x125xi32, #tpu.memory_space<vmem>>
    %dma_start3A_49 = tpu.memref_squeeze %dma_start3A_48 : memref<1x125xi32, #tpu.memory_space<vmem>> -> memref<125xi32, #tpu.memory_space<vmem>>
    %dma_start3A_50 = arith.constant 0 : i32
    %dma_start3A_51 = arith.constant 0 : i32
    %dma_start3A_52 = tpu.memref_slice %arg2[%dma_start3A_50, %dma_start3A_51] : memref<20000x64xf32, #tpu.memory_space<hbm>> -> memref<20000x64xf32, #tpu.memory_space<hbm>>
    tpu.enqueue_indirect_dma source(%dma_start3A_52 : memref<20000x64xf32, #tpu.memory_space<hbm>>) target(%arg11 : memref<125x64xf32, #tpu.memory_space<vmem>>) offsets(%dma_start3A_49 : memref<125xi32, #tpu.memory_space<vmem>>) semaphore(%arg16 : memref<!tpu.dma_semaphore, #tpu.memory_space<semaphore_mem>>)
    %dma_wait3A = arith.constant 0 : i32
    %dma_wait3A_53 = arith.constant 0 : i32
    %dma_wait3A_54 = tpu.memref_slice %arg7[%dma_wait3A, %dma_wait3A_53] : memref<160x125xi32, #tpu.memory_space<vmem>> -> memref<1x125xi32, #tpu.memory_space<vmem>>
    %dma_wait3A_55 = tpu.memref_squeeze %dma_wait3A_54 : memref<1x125xi32, #tpu.memory_space<vmem>> -> memref<125xi32, #tpu.memory_space<vmem>>
    %dma_wait3A_56 = arith.constant 0 : i32
    %dma_wait3A_57 = arith.constant 0 : i32
    %dma_wait3A_58 = tpu.memref_slice %arg2[%dma_wait3A_56, %dma_wait3A_57] : memref<20000x64xf32, #tpu.memory_space<hbm>> -> memref<20000x64xf32, #tpu.memory_space<hbm>>
    tpu.wait_indirect_dma semaphore(%arg14 : memref<!tpu.dma_semaphore, #tpu.memory_space<semaphore_mem>>) src(%dma_wait3A_58 : memref<20000x64xf32, #tpu.memory_space<hbm>>) dst(%arg9 : memref<125x64xf32, #tpu.memory_space<vmem>>)
    %dma_start3A_59 = arith.constant 0 : i32
    %dma_start3A_60 = arith.constant 0 : i32
    %dma_start3A_61 = tpu.memref_slice %arg8[%dma_start3A_59, %dma_start3A_60] : memref<160x125xi32, #tpu.memory_space<vmem>> -> memref<1x125xi32, #tpu.memory_space<vmem>>
    %dma_start3A_62 = tpu.memref_squeeze %dma_start3A_61 : memref<1x125xi32, #tpu.memory_space<vmem>> -> memref<125xi32, #tpu.memory_space<vmem>>
    %dma_start3A_63 = arith.constant 0 : i32
    %dma_start3A_64 = arith.constant 0 : i32
    %dma_start3A_65 = tpu.memref_slice %arg22[%dma_start3A_63, %dma_start3A_64] : memref<10240x64xf32, #tpu.memory_space<vmem_shared>> -> memref<10240x64xf32, #tpu.memory_space<vmem_shared>>
    tpu.enqueue_indirect_dma source(%arg9 : memref<125x64xf32, #tpu.memory_space<vmem>>) target(%dma_start3A_65 : memref<10240x64xf32, #tpu.memory_space<vmem_shared>>) offsets(%dma_start3A_62 : memref<125xi32, #tpu.memory_space<vmem>>) semaphore(%arg18 : memref<!tpu.dma_semaphore, #tpu.memory_space<semaphore_mem>>) {add = true}
    %dma_start3A_66 = arith.constant 3 : i32
    %dma_start3A_67 = arith.constant 0 : i32
    %dma_start3A_68 = tpu.memref_slice %arg7[%dma_start3A_66, %dma_start3A_67] : memref<160x125xi32, #tpu.memory_space<vmem>> -> memref<1x125xi32, #tpu.memory_space<vmem>>
    %dma_start3A_69 = tpu.memref_squeeze %dma_start3A_68 : memref<1x125xi32, #tpu.memory_space<vmem>> -> memref<125xi32, #tpu.memory_space<vmem>>
    %dma_start3A_70 = arith.constant 0 : i32
    %dma_start3A_71 = arith.constant 0 : i32
    %dma_start3A_72 = tpu.memref_slice %arg2[%dma_start3A_70, %dma_start3A_71] : memref<20000x64xf32, #tpu.memory_space<hbm>> -> memref<20000x64xf32, #tpu.memory_space<hbm>>
    tpu.enqueue_indirect_dma source(%dma_start3A_72 : memref<20000x64xf32, #tpu.memory_space<hbm>>) target(%arg12 : memref<125x64xf32, #tpu.memory_space<vmem>>) offsets(%dma_start3A_69 : memref<125xi32, #tpu.memory_space<vmem>>) semaphore(%arg17 : memref<!tpu.dma_semaphore, #tpu.memory_space<semaphore_mem>>)
    %dma_wait3A_73 = arith.constant 1 : i32
    %dma_wait3A_74 = arith.constant 0 : i32
    %dma_wait3A_75 = tpu.memref_slice %arg7[%dma_wait3A_73, %dma_wait3A_74] : memref<160x125xi32, #tpu.memory_space<vmem>> -> memref<1x125xi32, #tpu.memory_space<vmem>>
    %dma_wait3A_76 = tpu.memref_squeeze %dma_wait3A_75 : memref<1x125xi32, #tpu.memory_space<vmem>> -> memref<125xi32, #tpu.memory_space<vmem>>
    %dma_wait3A_77 = arith.constant 0 : i32
    %dma_wait3A_78 = arith.constant 0 : i32
    %dma_wait3A_79 = tpu.memref_slice %arg2[%dma_wait3A_77, %dma_wait3A_78] : memref<20000x64xf32, #tpu.memory_space<hbm>> -> memref<20000x64xf32, #tpu.memory_space<hbm>>
    tpu.wait_indirect_dma semaphore(%arg15 : memref<!tpu.dma_semaphore, #tpu.memory_space<semaphore_mem>>) src(%dma_wait3A_79 : memref<20000x64xf32, #tpu.memory_space<hbm>>) dst(%arg10 : memref<125x64xf32, #tpu.memory_space<vmem>>)
    %dma_start3A_80 = arith.constant 1 : i32
    %dma_start3A_81 = arith.constant 0 : i32
    %dma_start3A_82 = tpu.memref_slice %arg8[%dma_start3A_80, %dma_start3A_81] : memref<160x125xi32, #tpu.memory_space<vmem>> -> memref<1x125xi32, #tpu.memory_space<vmem>>
    %dma_start3A_83 = tpu.memref_squeeze %dma_start3A_82 : memref<1x125xi32, #tpu.memory_space<vmem>> -> memref<125xi32, #tpu.memory_space<vmem>>
    %dma_start3A_84 = arith.constant 0 : i32
    %dma_start3A_85 = arith.constant 0 : i32
    %dma_start3A_86 = tpu.memref_slice %arg22[%dma_start3A_84, %dma_start3A_85] : memref<10240x64xf32, #tpu.memory_space<vmem_shared>> -> memref<10240x64xf32, #tpu.memory_space<vmem_shared>>
    tpu.enqueue_indirect_dma source(%arg10 : memref<125x64xf32, #tpu.memory_space<vmem>>) target(%dma_start3A_86 : memref<10240x64xf32, #tpu.memory_space<vmem_shared>>) offsets(%dma_start3A_83 : memref<125xi32, #tpu.memory_space<vmem>>) semaphore(%arg19 : memref<!tpu.dma_semaphore, #tpu.memory_space<semaphore_mem>>) {add = true}
    %scan3A_87 = arith.constant 0 : i32
    %scan3A_88 = arith.constant 1 : i32
    %scan3A_89 = arith.constant 39 : i32
    %scan3A_90 = arith.addi %scan3A_88, %scan3A_89 : i32
    %scan3A_91 = arith.constant 1 : i32
    %scan3A_92 = scf.for %scan3A_157 = %scan3A_88 to %scan3A_90 step %scan3A_91 iter_args(%scan3A_158 = %scan3A_87) -> (i32)  : i32 {
      %mul3A_159 = arith.constant 4 : i32
      %mul3A_160 = arith.muli %scan3A_157, %mul3A_159 : i32
      %add3A_161 = arith.constant 0 : i32
      %add3A_162 = arith.addi %mul3A_160, %add3A_161 : i32
      %sub3A = arith.constant 4 : i32
      %sub3A_163 = arith.subi %add3A_162, %sub3A : i32
      %dma_wait3A_164 = arith.constant 0 : i32
      %dma_wait3A_165 = tpu.memref_slice %arg8[%sub3A_163, %dma_wait3A_164] : memref<160x125xi32, #tpu.memory_space<vmem>> -> memref<1x125xi32, #tpu.memory_space<vmem>>
      %dma_wait3A_166 = tpu.memref_squeeze %dma_wait3A_165 : memref<1x125xi32, #tpu.memory_space<vmem>> -> memref<125xi32, #tpu.memory_space<vmem>>
      %dma_wait3A_167 = arith.constant 0 : i32
      %dma_wait3A_168 = arith.constant 0 : i32
      %dma_wait3A_169 = tpu.memref_slice %arg22[%dma_wait3A_167, %dma_wait3A_168] : memref<10240x64xf32, #tpu.memory_space<vmem_shared>> -> memref<10240x64xf32, #tpu.memory_space<vmem_shared>>
      tpu.wait_indirect_dma semaphore(%arg18 : memref<!tpu.dma_semaphore, #tpu.memory_space<semaphore_mem>>) src(%arg9 : memref<125x64xf32, #tpu.memory_space<vmem>>) dst(%dma_wait3A_169 : memref<10240x64xf32, #tpu.memory_space<vmem_shared>>)
      %dma_start3A_170 = arith.constant 0 : i32
      %dma_start3A_171 = tpu.memref_slice %arg7[%add3A_162, %dma_start3A_170] : memref<160x125xi32, #tpu.memory_space<vmem>> -> memref<1x125xi32, #tpu.memory_space<vmem>>
      %dma_start3A_172 = tpu.memref_squeeze %dma_start3A_171 : memref<1x125xi32, #tpu.memory_space<vmem>> -> memref<125xi32, #tpu.memory_space<vmem>>
      %dma_start3A_173 = arith.constant 0 : i32
      %dma_start3A_174 = arith.constant 0 : i32
      %dma_start3A_175 = tpu.memref_slice %arg2[%dma_start3A_173, %dma_start3A_174] : memref<20000x64xf32, #tpu.memory_space<hbm>> -> memref<20000x64xf32, #tpu.memory_space<hbm>>
      tpu.enqueue_indirect_dma source(%dma_start3A_175 : memref<20000x64xf32, #tpu.memory_space<hbm>>) target(%arg9 : memref<125x64xf32, #tpu.memory_space<vmem>>) offsets(%dma_start3A_172 : memref<125xi32, #tpu.memory_space<vmem>>) semaphore(%arg14 : memref<!tpu.dma_semaphore, #tpu.memory_space<semaphore_mem>>)
      %sub3A_176 = arith.constant 2 : i32
      %sub3A_177 = arith.subi %add3A_162, %sub3A_176 : i32
      %dma_wait3A_178 = arith.constant 0 : i32
      %dma_wait3A_179 = tpu.memref_slice %arg7[%sub3A_177, %dma_wait3A_178] : memref<160x125xi32, #tpu.memory_space<vmem>> -> memref<1x125xi32, #tpu.memory_space<vmem>>
      %dma_wait3A_180 = tpu.memref_squeeze %dma_wait3A_179 : memref<1x125xi32, #tpu.memory_space<vmem>> -> memref<125xi32, #tpu.memory_space<vmem>>
      %dma_wait3A_181 = arith.constant 0 : i32
      %dma_wait3A_182 = arith.constant 0 : i32
      %dma_wait3A_183 = tpu.memref_slice %arg2[%dma_wait3A_181, %dma_wait3A_182] : memref<20000x64xf32, #tpu.memory_space<hbm>> -> memref<20000x64xf32, #tpu.memory_space<hbm>>
      tpu.wait_indirect_dma semaphore(%arg16 : memref<!tpu.dma_semaphore, #tpu.memory_space<semaphore_mem>>) src(%dma_wait3A_183 : memref<20000x64xf32, #tpu.memory_space<hbm>>) dst(%arg11 : memref<125x64xf32, #tpu.memory_space<vmem>>)
      %sub3A_184 = arith.constant 2 : i32
      %sub3A_185 = arith.subi %add3A_162, %sub3A_184 : i32
      %dma_start3A_186 = arith.constant 0 : i32
      %dma_start3A_187 = tpu.memref_slice %arg8[%sub3A_185, %dma_start3A_186] : memref<160x125xi32, #tpu.memory_space<vmem>> -> memref<1x125xi32, #tpu.memory_space<vmem>>
      %dma_start3A_188 = tpu.memref_squeeze %dma_start3A_187 : memref<1x125xi32, #tpu.memory_space<vmem>> -> memref<125xi32, #tpu.memory_space<vmem>>
      %dma_start3A_189 = arith.constant 0 : i32
      %dma_start3A_190 = arith.constant 0 : i32
      %dma_start3A_191 = tpu.memref_slice %arg22[%dma_start3A_189, %dma_start3A_190] : memref<10240x64xf32, #tpu.memory_space<vmem_shared>> -> memref<10240x64xf32, #tpu.memory_space<vmem_shared>>
      tpu.enqueue_indirect_dma source(%arg11 : memref<125x64xf32, #tpu.memory_space<vmem>>) target(%dma_start3A_191 : memref<10240x64xf32, #tpu.memory_space<vmem_shared>>) offsets(%dma_start3A_188 : memref<125xi32, #tpu.memory_space<vmem>>) semaphore(%arg20 : memref<!tpu.dma_semaphore, #tpu.memory_space<semaphore_mem>>) {add = true}
      %mul3A_192 = arith.constant 4 : i32
      %mul3A_193 = arith.muli %scan3A_157, %mul3A_192 : i32
      %add3A_194 = arith.constant 1 : i32
      %add3A_195 = arith.addi %mul3A_193, %add3A_194 : i32
      %sub3A_196 = arith.constant 4 : i32
      %sub3A_197 = arith.subi %add3A_195, %sub3A_196 : i32
      %dma_wait3A_198 = arith.constant 0 : i32
      %dma_wait3A_199 = tpu.memref_slice %arg8[%sub3A_197, %dma_wait3A_198] : memref<160x125xi32, #tpu.memory_space<vmem>> -> memref<1x125xi32, #tpu.memory_space<vmem>>
      %dma_wait3A_200 = tpu.memref_squeeze %dma_wait3A_199 : memref<1x125xi32, #tpu.memory_space<vmem>> -> memref<125xi32, #tpu.memory_space<vmem>>
      %dma_wait3A_201 = arith.constant 0 : i32
      %dma_wait3A_202 = arith.constant 0 : i32
      %dma_wait3A_203 = tpu.memref_slice %arg22[%dma_wait3A_201, %dma_wait3A_202] : memref<10240x64xf32, #tpu.memory_space<vmem_shared>> -> memref<10240x64xf32, #tpu.memory_space<vmem_shared>>
      tpu.wait_indirect_dma semaphore(%arg19 : memref<!tpu.dma_semaphore, #tpu.memory_space<semaphore_mem>>) src(%arg10 : memref<125x64xf32, #tpu.memory_space<vmem>>) dst(%dma_wait3A_203 : memref<10240x64xf32, #tpu.memory_space<vmem_shared>>)
      %dma_start3A_204 = arith.constant 0 : i32
      %dma_start3A_205 = tpu.memref_slice %arg7[%add3A_195, %dma_start3A_204] : memref<160x125xi32, #tpu.memory_space<vmem>> -> memref<1x125xi32, #tpu.memory_space<vmem>>
      %dma_start3A_206 = tpu.memref_squeeze %dma_start3A_205 : memref<1x125xi32, #tpu.memory_space<vmem>> -> memref<125xi32, #tpu.memory_space<vmem>>
      %dma_start3A_207 = arith.constant 0 : i32
      %dma_start3A_208 = arith.constant 0 : i32
      %dma_start3A_209 = tpu.memref_slice %arg2[%dma_start3A_207, %dma_start3A_208] : memref<20000x64xf32, #tpu.memory_space<hbm>> -> memref<20000x64xf32, #tpu.memory_space<hbm>>
      tpu.enqueue_indirect_dma source(%dma_start3A_209 : memref<20000x64xf32, #tpu.memory_space<hbm>>) target(%arg10 : memref<125x64xf32, #tpu.memory_space<vmem>>) offsets(%dma_start3A_206 : memref<125xi32, #tpu.memory_space<vmem>>) semaphore(%arg15 : memref<!tpu.dma_semaphore, #tpu.memory_space<semaphore_mem>>)
      %sub3A_210 = arith.constant 2 : i32
      %sub3A_211 = arith.subi %add3A_195, %sub3A_210 : i32
      %dma_wait3A_212 = arith.constant 0 : i32
      %dma_wait3A_213 = tpu.memref_slice %arg7[%sub3A_211, %dma_wait3A_212] : memref<160x125xi32, #tpu.memory_space<vmem>> -> memref<1x125xi32, #tpu.memory_space<vmem>>
      %dma_wait3A_214 = tpu.memref_squeeze %dma_wait3A_213 : memref<1x125xi32, #tpu.memory_space<vmem>> -> memref<125xi32, #tpu.memory_space<vmem>>
      %dma_wait3A_215 = arith.constant 0 : i32
      %dma_wait3A_216 = arith.constant 0 : i32
      %dma_wait3A_217 = tpu.memref_slice %arg2[%dma_wait3A_215, %dma_wait3A_216] : memref<20000x64xf32, #tpu.memory_space<hbm>> -> memref<20000x64xf32, #tpu.memory_space<hbm>>
      tpu.wait_indirect_dma semaphore(%arg17 : memref<!tpu.dma_semaphore, #tpu.memory_space<semaphore_mem>>) src(%dma_wait3A_217 : memref<20000x64xf32, #tpu.memory_space<hbm>>) dst(%arg12 : memref<125x64xf32, #tpu.memory_space<vmem>>)
      %sub3A_218 = arith.constant 2 : i32
      %sub3A_219 = arith.subi %add3A_195, %sub3A_218 : i32
      %dma_start3A_220 = arith.constant 0 : i32
      %dma_start3A_221 = tpu.memref_slice %arg8[%sub3A_219, %dma_start3A_220] : memref<160x125xi32, #tpu.memory_space<vmem>> -> memref<1x125xi32, #tpu.memory_space<vmem>>
      %dma_start3A_222 = tpu.memref_squeeze %dma_start3A_221 : memref<1x125xi32, #tpu.memory_space<vmem>> -> memref<125xi32, #tpu.memory_space<vmem>>
      %dma_start3A_223 = arith.constant 0 : i32
      %dma_start3A_224 = arith.constant 0 : i32
      %dma_start3A_225 = tpu.memref_slice %arg22[%dma_start3A_223, %dma_start3A_224] : memref<10240x64xf32, #tpu.memory_space<vmem_shared>> -> memref<10240x64xf32, #tpu.memory_space<vmem_shared>>
      tpu.enqueue_indirect_dma source(%arg12 : memref<125x64xf32, #tpu.memory_space<vmem>>) target(%dma_start3A_225 : memref<10240x64xf32, #tpu.memory_space<vmem_shared>>) offsets(%dma_start3A_222 : memref<125xi32, #tpu.memory_space<vmem>>) semaphore(%arg21 : memref<!tpu.dma_semaphore, #tpu.memory_space<semaphore_mem>>) {add = true}
      %mul3A_226 = arith.constant 4 : i32
      %mul3A_227 = arith.muli %scan3A_157, %mul3A_226 : i32
      %add3A_228 = arith.constant 2 : i32
      %add3A_229 = arith.addi %mul3A_227, %add3A_228 : i32
      %sub3A_230 = arith.constant 4 : i32
      %sub3A_231 = arith.subi %add3A_229, %sub3A_230 : i32
      %dma_wait3A_232 = arith.constant 0 : i32
      %dma_wait3A_233 = tpu.memref_slice %arg8[%sub3A_231, %dma_wait3A_232] : memref<160x125xi32, #tpu.memory_space<vmem>> -> memref<1x125xi32, #tpu.memory_space<vmem>>
      %dma_wait3A_234 = tpu.memref_squeeze %dma_wait3A_233 : memref<1x125xi32, #tpu.memory_space<vmem>> -> memref<125xi32, #tpu.memory_space<vmem>>
      %dma_wait3A_235 = arith.constant 0 : i32
      %dma_wait3A_236 = arith.constant 0 : i32
      %dma_wait3A_237 = tpu.memref_slice %arg22[%dma_wait3A_235, %dma_wait3A_236] : memref<10240x64xf32, #tpu.memory_space<vmem_shared>> -> memref<10240x64xf32, #tpu.memory_space<vmem_shared>>
      tpu.wait_indirect_dma semaphore(%arg20 : memref<!tpu.dma_semaphore, #tpu.memory_space<semaphore_mem>>) src(%arg11 : memref<125x64xf32, #tpu.memory_space<vmem>>) dst(%dma_wait3A_237 : memref<10240x64xf32, #tpu.memory_space<vmem_shared>>)
      %dma_start3A_238 = arith.constant 0 : i32
      %dma_start3A_239 = tpu.memref_slice %arg7[%add3A_229, %dma_start3A_238] : memref<160x125xi32, #tpu.memory_space<vmem>> -> memref<1x125xi32, #tpu.memory_space<vmem>>
      %dma_start3A_240 = tpu.memref_squeeze %dma_start3A_239 : memref<1x125xi32, #tpu.memory_space<vmem>> -> memref<125xi32, #tpu.memory_space<vmem>>
      %dma_start3A_241 = arith.constant 0 : i32
      %dma_start3A_242 = arith.constant 0 : i32
      %dma_start3A_243 = tpu.memref_slice %arg2[%dma_start3A_241, %dma_start3A_242] : memref<20000x64xf32, #tpu.memory_space<hbm>> -> memref<20000x64xf32, #tpu.memory_space<hbm>>
      tpu.enqueue_indirect_dma source(%dma_start3A_243 : memref<20000x64xf32, #tpu.memory_space<hbm>>) target(%arg11 : memref<125x64xf32, #tpu.memory_space<vmem>>) offsets(%dma_start3A_240 : memref<125xi32, #tpu.memory_space<vmem>>) semaphore(%arg16 : memref<!tpu.dma_semaphore, #tpu.memory_space<semaphore_mem>>)
      %sub3A_244 = arith.constant 2 : i32
      %sub3A_245 = arith.subi %add3A_229, %sub3A_244 : i32
      %dma_wait3A_246 = arith.constant 0 : i32
      %dma_wait3A_247 = tpu.memref_slice %arg7[%sub3A_245, %dma_wait3A_246] : memref<160x125xi32, #tpu.memory_space<vmem>> -> memref<1x125xi32, #tpu.memory_space<vmem>>
      %dma_wait3A_248 = tpu.memref_squeeze %dma_wait3A_247 : memref<1x125xi32, #tpu.memory_space<vmem>> -> memref<125xi32, #tpu.memory_space<vmem>>
      %dma_wait3A_249 = arith.constant 0 : i32
      %dma_wait3A_250 = arith.constant 0 : i32
      %dma_wait3A_251 = tpu.memref_slice %arg2[%dma_wait3A_249, %dma_wait3A_250] : memref<20000x64xf32, #tpu.memory_space<hbm>> -> memref<20000x64xf32, #tpu.memory_space<hbm>>
      tpu.wait_indirect_dma semaphore(%arg14 : memref<!tpu.dma_semaphore, #tpu.memory_space<semaphore_mem>>) src(%dma_wait3A_251 : memref<20000x64xf32, #tpu.memory_space<hbm>>) dst(%arg9 : memref<125x64xf32, #tpu.memory_space<vmem>>)
      %sub3A_252 = arith.constant 2 : i32
      %sub3A_253 = arith.subi %add3A_229, %sub3A_252 : i32
      %dma_start3A_254 = arith.constant 0 : i32
      %dma_start3A_255 = tpu.memref_slice %arg8[%sub3A_253, %dma_start3A_254] : memref<160x125xi32, #tpu.memory_space<vmem>> -> memref<1x125xi32, #tpu.memory_space<vmem>>
      %dma_start3A_256 = tpu.memref_squeeze %dma_start3A_255 : memref<1x125xi32, #tpu.memory_space<vmem>> -> memref<125xi32, #tpu.memory_space<vmem>>
      %dma_start3A_257 = arith.constant 0 : i32
      %dma_start3A_258 = arith.constant 0 : i32
      %dma_start3A_259 = tpu.memref_slice %arg22[%dma_start3A_257, %dma_start3A_258] : memref<10240x64xf32, #tpu.memory_space<vmem_shared>> -> memref<10240x64xf32, #tpu.memory_space<vmem_shared>>
      tpu.enqueue_indirect_dma source(%arg9 : memref<125x64xf32, #tpu.memory_space<vmem>>) target(%dma_start3A_259 : memref<10240x64xf32, #tpu.memory_space<vmem_shared>>) offsets(%dma_start3A_256 : memref<125xi32, #tpu.memory_space<vmem>>) semaphore(%arg18 : memref<!tpu.dma_semaphore, #tpu.memory_space<semaphore_mem>>) {add = true}
      %mul3A_260 = arith.constant 4 : i32
      %mul3A_261 = arith.muli %scan3A_157, %mul3A_260 : i32
      %add3A_262 = arith.constant 3 : i32
      %add3A_263 = arith.addi %mul3A_261, %add3A_262 : i32
      %sub3A_264 = arith.constant 4 : i32
      %sub3A_265 = arith.subi %add3A_263, %sub3A_264 : i32
      %dma_wait3A_266 = arith.constant 0 : i32
      %dma_wait3A_267 = tpu.memref_slice %arg8[%sub3A_265, %dma_wait3A_266] : memref<160x125xi32, #tpu.memory_space<vmem>> -> memref<1x125xi32, #tpu.memory_space<vmem>>
      %dma_wait3A_268 = tpu.memref_squeeze %dma_wait3A_267 : memref<1x125xi32, #tpu.memory_space<vmem>> -> memref<125xi32, #tpu.memory_space<vmem>>
      %dma_wait3A_269 = arith.constant 0 : i32
      %dma_wait3A_270 = arith.constant 0 : i32
      %dma_wait3A_271 = tpu.memref_slice %arg22[%dma_wait3A_269, %dma_wait3A_270] : memref<10240x64xf32, #tpu.memory_space<vmem_shared>> -> memref<10240x64xf32, #tpu.memory_space<vmem_shared>>
      tpu.wait_indirect_dma semaphore(%arg21 : memref<!tpu.dma_semaphore, #tpu.memory_space<semaphore_mem>>) src(%arg12 : memref<125x64xf32, #tpu.memory_space<vmem>>) dst(%dma_wait3A_271 : memref<10240x64xf32, #tpu.memory_space<vmem_shared>>)
      %dma_start3A_272 = arith.constant 0 : i32
      %dma_start3A_273 = tpu.memref_slice %arg7[%add3A_263, %dma_start3A_272] : memref<160x125xi32, #tpu.memory_space<vmem>> -> memref<1x125xi32, #tpu.memory_space<vmem>>
      %dma_start3A_274 = tpu.memref_squeeze %dma_start3A_273 : memref<1x125xi32, #tpu.memory_space<vmem>> -> memref<125xi32, #tpu.memory_space<vmem>>
      %dma_start3A_275 = arith.constant 0 : i32
      %dma_start3A_276 = arith.constant 0 : i32
      %dma_start3A_277 = tpu.memref_slice %arg2[%dma_start3A_275, %dma_start3A_276] : memref<20000x64xf32, #tpu.memory_space<hbm>> -> memref<20000x64xf32, #tpu.memory_space<hbm>>
      tpu.enqueue_indirect_dma source(%dma_start3A_277 : memref<20000x64xf32, #tpu.memory_space<hbm>>) target(%arg12 : memref<125x64xf32, #tpu.memory_space<vmem>>) offsets(%dma_start3A_274 : memref<125xi32, #tpu.memory_space<vmem>>) semaphore(%arg17 : memref<!tpu.dma_semaphore, #tpu.memory_space<semaphore_mem>>)
      %sub3A_278 = arith.constant 2 : i32
      %sub3A_279 = arith.subi %add3A_263, %sub3A_278 : i32
      %dma_wait3A_280 = arith.constant 0 : i32
      %dma_wait3A_281 = tpu.memref_slice %arg7[%sub3A_279, %dma_wait3A_280] : memref<160x125xi32, #tpu.memory_space<vmem>> -> memref<1x125xi32, #tpu.memory_space<vmem>>
      %dma_wait3A_282 = tpu.memref_squeeze %dma_wait3A_281 : memref<1x125xi32, #tpu.memory_space<vmem>> -> memref<125xi32, #tpu.memory_space<vmem>>
      %dma_wait3A_283 = arith.constant 0 : i32
      %dma_wait3A_284 = arith.constant 0 : i32
      %dma_wait3A_285 = tpu.memref_slice %arg2[%dma_wait3A_283, %dma_wait3A_284] : memref<20000x64xf32, #tpu.memory_space<hbm>> -> memref<20000x64xf32, #tpu.memory_space<hbm>>
      tpu.wait_indirect_dma semaphore(%arg15 : memref<!tpu.dma_semaphore, #tpu.memory_space<semaphore_mem>>) src(%dma_wait3A_285 : memref<20000x64xf32, #tpu.memory_space<hbm>>) dst(%arg10 : memref<125x64xf32, #tpu.memory_space<vmem>>)
      %sub3A_286 = arith.constant 2 : i32
      %sub3A_287 = arith.subi %add3A_263, %sub3A_286 : i32
      %dma_start3A_288 = arith.constant 0 : i32
      %dma_start3A_289 = tpu.memref_slice %arg8[%sub3A_287, %dma_start3A_288] : memref<160x125xi32, #tpu.memory_space<vmem>> -> memref<1x125xi32, #tpu.memory_space<vmem>>
      %dma_start3A_290 = tpu.memref_squeeze %dma_start3A_289 : memref<1x125xi32, #tpu.memory_space<vmem>> -> memref<125xi32, #tpu.memory_space<vmem>>
      %dma_start3A_291 = arith.constant 0 : i32
      %dma_start3A_292 = arith.constant 0 : i32
      %dma_start3A_293 = tpu.memref_slice %arg22[%dma_start3A_291, %dma_start3A_292] : memref<10240x64xf32, #tpu.memory_space<vmem_shared>> -> memref<10240x64xf32, #tpu.memory_space<vmem_shared>>
      tpu.enqueue_indirect_dma source(%arg10 : memref<125x64xf32, #tpu.memory_space<vmem>>) target(%dma_start3A_293 : memref<10240x64xf32, #tpu.memory_space<vmem_shared>>) offsets(%dma_start3A_290 : memref<125xi32, #tpu.memory_space<vmem>>) semaphore(%arg19 : memref<!tpu.dma_semaphore, #tpu.memory_space<semaphore_mem>>) {add = true}
      %scan3A_294 = arith.constant 0 : i32
      scf.yield %scan3A_294 : i32
    }
    %scan3A_93 = arith.constant 39 : i32
    %dma_wait3A_94 = arith.constant 158 : i32
    %dma_wait3A_95 = arith.constant 0 : i32
    %dma_wait3A_96 = tpu.memref_slice %arg7[%dma_wait3A_94, %dma_wait3A_95] : memref<160x125xi32, #tpu.memory_space<vmem>> -> memref<1x125xi32, #tpu.memory_space<vmem>>
    %dma_wait3A_97 = tpu.memref_squeeze %dma_wait3A_96 : memref<1x125xi32, #tpu.memory_space<vmem>> -> memref<125xi32, #tpu.memory_space<vmem>>
    %dma_wait3A_98 = arith.constant 0 : i32
    %dma_wait3A_99 = arith.constant 0 : i32
    %dma_wait3A_100 = tpu.memref_slice %arg2[%dma_wait3A_98, %dma_wait3A_99] : memref<20000x64xf32, #tpu.memory_space<hbm>> -> memref<20000x64xf32, #tpu.memory_space<hbm>>
    tpu.wait_indirect_dma semaphore(%arg16 : memref<!tpu.dma_semaphore, #tpu.memory_space<semaphore_mem>>) src(%dma_wait3A_100 : memref<20000x64xf32, #tpu.memory_space<hbm>>) dst(%arg11 : memref<125x64xf32, #tpu.memory_space<vmem>>)
    %dma_start3A_101 = arith.constant 158 : i32
    %dma_start3A_102 = arith.constant 0 : i32
    %dma_start3A_103 = tpu.memref_slice %arg8[%dma_start3A_101, %dma_start3A_102] : memref<160x125xi32, #tpu.memory_space<vmem>> -> memref<1x125xi32, #tpu.memory_space<vmem>>
    %dma_start3A_104 = tpu.memref_squeeze %dma_start3A_103 : memref<1x125xi32, #tpu.memory_space<vmem>> -> memref<125xi32, #tpu.memory_space<vmem>>
    %dma_start3A_105 = arith.constant 0 : i32
    %dma_start3A_106 = arith.constant 0 : i32
    %dma_start3A_107 = tpu.memref_slice %arg22[%dma_start3A_105, %dma_start3A_106] : memref<10240x64xf32, #tpu.memory_space<vmem_shared>> -> memref<10240x64xf32, #tpu.memory_space<vmem_shared>>
    tpu.enqueue_indirect_dma source(%arg11 : memref<125x64xf32, #tpu.memory_space<vmem>>) target(%dma_start3A_107 : memref<10240x64xf32, #tpu.memory_space<vmem_shared>>) offsets(%dma_start3A_104 : memref<125xi32, #tpu.memory_space<vmem>>) semaphore(%arg20 : memref<!tpu.dma_semaphore, #tpu.memory_space<semaphore_mem>>) {add = true}
    %dma_wait3A_108 = arith.constant 159 : i32
    %dma_wait3A_109 = arith.constant 0 : i32
    %dma_wait3A_110 = tpu.memref_slice %arg7[%dma_wait3A_108, %dma_wait3A_109] : memref<160x125xi32, #tpu.memory_space<vmem>> -> memref<1x125xi32, #tpu.memory_space<vmem>>
    %dma_wait3A_111 = tpu.memref_squeeze %dma_wait3A_110 : memref<1x125xi32, #tpu.memory_space<vmem>> -> memref<125xi32, #tpu.memory_space<vmem>>
    %dma_wait3A_112 = arith.constant 0 : i32
    %dma_wait3A_113 = arith.constant 0 : i32
    %dma_wait3A_114 = tpu.memref_slice %arg2[%dma_wait3A_112, %dma_wait3A_113] : memref<20000x64xf32, #tpu.memory_space<hbm>> -> memref<20000x64xf32, #tpu.memory_space<hbm>>
    tpu.wait_indirect_dma semaphore(%arg17 : memref<!tpu.dma_semaphore, #tpu.memory_space<semaphore_mem>>) src(%dma_wait3A_114 : memref<20000x64xf32, #tpu.memory_space<hbm>>) dst(%arg12 : memref<125x64xf32, #tpu.memory_space<vmem>>)
    %dma_start3A_115 = arith.constant 159 : i32
    %dma_start3A_116 = arith.constant 0 : i32
    %dma_start3A_117 = tpu.memref_slice %arg8[%dma_start3A_115, %dma_start3A_116] : memref<160x125xi32, #tpu.memory_space<vmem>> -> memref<1x125xi32, #tpu.memory_space<vmem>>
    %dma_start3A_118 = tpu.memref_squeeze %dma_start3A_117 : memref<1x125xi32, #tpu.memory_space<vmem>> -> memref<125xi32, #tpu.memory_space<vmem>>
    %dma_start3A_119 = arith.constant 0 : i32
    %dma_start3A_120 = arith.constant 0 : i32
    %dma_start3A_121 = tpu.memref_slice %arg22[%dma_start3A_119, %dma_start3A_120] : memref<10240x64xf32, #tpu.memory_space<vmem_shared>> -> memref<10240x64xf32, #tpu.memory_space<vmem_shared>>
    tpu.enqueue_indirect_dma source(%arg12 : memref<125x64xf32, #tpu.memory_space<vmem>>) target(%dma_start3A_121 : memref<10240x64xf32, #tpu.memory_space<vmem_shared>>) offsets(%dma_start3A_118 : memref<125xi32, #tpu.memory_space<vmem>>) semaphore(%arg21 : memref<!tpu.dma_semaphore, #tpu.memory_space<semaphore_mem>>) {add = true}
    %dma_wait3A_122 = arith.constant 156 : i32
    %dma_wait3A_123 = arith.constant 0 : i32
    %dma_wait3A_124 = tpu.memref_slice %arg8[%dma_wait3A_122, %dma_wait3A_123] : memref<160x125xi32, #tpu.memory_space<vmem>> -> memref<1x125xi32, #tpu.memory_space<vmem>>
    %dma_wait3A_125 = tpu.memref_squeeze %dma_wait3A_124 : memref<1x125xi32, #tpu.memory_space<vmem>> -> memref<125xi32, #tpu.memory_space<vmem>>
    %dma_wait3A_126 = arith.constant 0 : i32
    %dma_wait3A_127 = arith.constant 0 : i32
    %dma_wait3A_128 = tpu.memref_slice %arg22[%dma_wait3A_126, %dma_wait3A_127] : memref<10240x64xf32, #tpu.memory_space<vmem_shared>> -> memref<10240x64xf32, #tpu.memory_space<vmem_shared>>
    tpu.wait_indirect_dma semaphore(%arg18 : memref<!tpu.dma_semaphore, #tpu.memory_space<semaphore_mem>>) src(%arg9 : memref<125x64xf32, #tpu.memory_space<vmem>>) dst(%dma_wait3A_128 : memref<10240x64xf32, #tpu.memory_space<vmem_shared>>)
    %dma_wait3A_129 = arith.constant 157 : i32
    %dma_wait3A_130 = arith.constant 0 : i32
    %dma_wait3A_131 = tpu.memref_slice %arg8[%dma_wait3A_129, %dma_wait3A_130] : memref<160x125xi32, #tpu.memory_space<vmem>> -> memref<1x125xi32, #tpu.memory_space<vmem>>
    %dma_wait3A_132 = tpu.memref_squeeze %dma_wait3A_131 : memref<1x125xi32, #tpu.memory_space<vmem>> -> memref<125xi32, #tpu.memory_space<vmem>>
    %dma_wait3A_133 = arith.constant 0 : i32
    %dma_wait3A_134 = arith.constant 0 : i32
    %dma_wait3A_135 = tpu.memref_slice %arg22[%dma_wait3A_133, %dma_wait3A_134] : memref<10240x64xf32, #tpu.memory_space<vmem_shared>> -> memref<10240x64xf32, #tpu.memory_space<vmem_shared>>
    tpu.wait_indirect_dma semaphore(%arg19 : memref<!tpu.dma_semaphore, #tpu.memory_space<semaphore_mem>>) src(%arg10 : memref<125x64xf32, #tpu.memory_space<vmem>>) dst(%dma_wait3A_135 : memref<10240x64xf32, #tpu.memory_space<vmem_shared>>)
    %dma_wait3A_136 = arith.constant 158 : i32
    %dma_wait3A_137 = arith.constant 0 : i32
    %dma_wait3A_138 = tpu.memref_slice %arg8[%dma_wait3A_136, %dma_wait3A_137] : memref<160x125xi32, #tpu.memory_space<vmem>> -> memref<1x125xi32, #tpu.memory_space<vmem>>
    %dma_wait3A_139 = tpu.memref_squeeze %dma_wait3A_138 : memref<1x125xi32, #tpu.memory_space<vmem>> -> memref<125xi32, #tpu.memory_space<vmem>>
    %dma_wait3A_140 = arith.constant 0 : i32
    %dma_wait3A_141 = arith.constant 0 : i32
    %dma_wait3A_142 = tpu.memref_slice %arg22[%dma_wait3A_140, %dma_wait3A_141] : memref<10240x64xf32, #tpu.memory_space<vmem_shared>> -> memref<10240x64xf32, #tpu.memory_space<vmem_shared>>
    tpu.wait_indirect_dma semaphore(%arg20 : memref<!tpu.dma_semaphore, #tpu.memory_space<semaphore_mem>>) src(%arg11 : memref<125x64xf32, #tpu.memory_space<vmem>>) dst(%dma_wait3A_142 : memref<10240x64xf32, #tpu.memory_space<vmem_shared>>)
    %dma_wait3A_143 = arith.constant 159 : i32
    %dma_wait3A_144 = arith.constant 0 : i32
    %dma_wait3A_145 = tpu.memref_slice %arg8[%dma_wait3A_143, %dma_wait3A_144] : memref<160x125xi32, #tpu.memory_space<vmem>> -> memref<1x125xi32, #tpu.memory_space<vmem>>
    %dma_wait3A_146 = tpu.memref_squeeze %dma_wait3A_145 : memref<1x125xi32, #tpu.memory_space<vmem>> -> memref<125xi32, #tpu.memory_space<vmem>>
    %dma_wait3A_147 = arith.constant 0 : i32
    %dma_wait3A_148 = arith.constant 0 : i32
    %dma_wait3A_149 = tpu.memref_slice %arg22[%dma_wait3A_147, %dma_wait3A_148] : memref<10240x64xf32, #tpu.memory_space<vmem_shared>> -> memref<10240x64xf32, #tpu.memory_space<vmem_shared>>
    tpu.wait_indirect_dma semaphore(%arg21 : memref<!tpu.dma_semaphore, #tpu.memory_space<semaphore_mem>>) src(%arg12 : memref<125x64xf32, #tpu.memory_space<vmem>>) dst(%dma_wait3A_149 : memref<10240x64xf32, #tpu.memory_space<vmem_shared>>)
    %barrier3A_150 = arith.constant 0 : index
    tpu.barrier barrier_id(%barrier3A_150)
    %mul3A_151 = arith.constant 640 : i32
    %mul3A_152 = arith.muli %arg1, %mul3A_151 : i32
    %mul3A_153 = arith.constant 640 : i32
    %mul3A_154 = arith.muli %arg1, %mul3A_153 : i32
    %mul3A_155 = arith.constant 64 : i32
    %mul3A_156 = arith.muli %arg0, %mul3A_155 : i32
    "tpu.region"() ({
      %run_scoped3A = tpu.sem_alloc : memref<!tpu.dma_semaphore, #tpu.memory_space<semaphore_mem>>
      %dma_start3A_157 = tpu.memref_slice %arg6[%mul3A_154, %mul3A_156] : memref<10240x128xf32, #tpu.memory_space<hbm>> -> memref<640x64xf32, #tpu.memory_space<hbm>>
      %dma_start3A_158 = arith.constant 0 : i32
      %dma_start3A_159 = tpu.memref_slice %arg22[%mul3A_152, %dma_start3A_158] : memref<10240x64xf32, #tpu.memory_space<vmem_shared>> -> memref<640x64xf32, #tpu.memory_space<vmem_shared>>
      tpu.enqueue_dma source(%dma_start3A_159 : memref<640x64xf32, #tpu.memory_space<vmem_shared>>) target(%dma_start3A_157 : memref<640x64xf32, #tpu.memory_space<hbm>>) target_semaphore(%run_scoped3A : memref<!tpu.dma_semaphore, #tpu.memory_space<semaphore_mem>>)
      %dma_wait3A_160 = tpu.memref_slice %arg6[%mul3A_154, %mul3A_156] : memref<10240x128xf32, #tpu.memory_space<hbm>> -> memref<640x64xf32, #tpu.memory_space<hbm>>
      %dma_wait3A_161 = arith.constant 0 : i32
      %dma_wait3A_162 = tpu.memref_slice %arg22[%mul3A_152, %dma_wait3A_161] : memref<10240x64xf32, #tpu.memory_space<vmem_shared>> -> memref<640x64xf32, #tpu.memory_space<vmem_shared>>
      tpu.wait_dma2 semaphore(%run_scoped3A : memref<!tpu.dma_semaphore, #tpu.memory_space<semaphore_mem>>) src(%dma_wait3A_162 : memref<640x64xf32, #tpu.memory_space<vmem_shared>>) dst(%dma_wait3A_160 : memref<640x64xf32, #tpu.memory_space<hbm>>)
      tpu.yield
    }) : () -> ()
    return
  }
}

module attributes {stable_mosaic.version = 14 : i64} {
  func.func @body(%arg0: i32, %arg1: memref<1000x128xf32, #tpu.memory_space<vmem>>, %arg2: memref<128x128xf32, #tpu.memory_space<vmem>>, %arg3: memref<1000x128xf32, #tpu.memory_space<vmem>>, %arg4: memref<1000x128xf32, #tpu.memory_space<vmem>>) attributes {dimension_semantics = [#tpu.dimension_semantics<arbitrary>], iteration_bounds = array<i64: 10>, scalar_prefetch = 0 : i64, scratch_operands = 0 : i64, tpu.core_type = #tpu.core_type<tc>, window_params = [{transform_indices = @transform_0, window_bounds = array<i64: 1000, 128>}, {pipeline_mode = #tpu.pipeline_mode<synchronous>, transform_indices = @transform_1, window_bounds = array<i64: 128, 128>}, {transform_indices = @transform_2, window_bounds = array<i64: 1000, 128>}, {transform_indices = @transform_3, window_bounds = array<i64: 1000, 128>}]} {
    %get3A = arith.constant 0 : index
    %get3A_0 = arith.constant 0 : index
    %get3A_1 = vector.load %arg1[%get3A, %get3A_0] : memref<1000x128xf32, #tpu.memory_space<vmem>>, vector<1000x128xf32>
    %get3A_2 = arith.constant 0 : index
    %get3A_3 = arith.constant 0 : index
    %get3A_4 = vector.load %arg2[%get3A_2, %get3A_3] : memref<128x128xf32, #tpu.memory_space<vmem>>, vector<128x128xf32>
    %dot_general3A = arith.constant dense<0.000000e+00> : vector<1000x128xf32>
    %dot_general3A_5 = tpu.matmul %get3A_1, %get3A_4, %dot_general3A {dimension_numbers = #tpu.dot_dimension_numbers<[1], [0], [0], [1], [0, 0, 1, 1], [], []>, transpose_lhs_hint = false} : vector<1000x128xf32>, vector<128x128xf32>, vector<1000x128xf32> -> vector<1000x128xf32>
    %get3A_6 = arith.constant 0 : index
    %get3A_7 = arith.constant 0 : index
    %get3A_8 = vector.load %arg3[%get3A_6, %get3A_7] : memref<1000x128xf32, #tpu.memory_space<vmem>>, vector<1000x128xf32>
    %mul3A = arith.mulf %dot_general3A_5, %get3A_8 : vector<1000x128xf32>
    %swap3A = arith.constant 0 : index
    %swap3A_9 = arith.constant 0 : index
    %swap3A_10 = vector.load %arg4[%swap3A, %swap3A_9] : memref<1000x128xf32, #tpu.memory_space<vmem>>, vector<1000x128xf32>
    tpu.vector_store %arg4[%swap3A, %swap3A_9], %mul3A {strides = array<i32>} : memref<1000x128xf32, #tpu.memory_space<vmem>>, vector<1000x128xf32>,
    return
  }
  func.func @transform_0(%arg0: i32) -> (i32, i32) {
    %c0_i32 = arith.constant 0 : i32
    %c0_i32_0 = arith.constant 0 : i32
    return %arg0, %c0_i32 : i32, i32
  }
  func.func @transform_1(%arg0: i32) -> (i32, i32) {
    %c0_i32 = arith.constant 0 : i32
    %c0_i32_0 = arith.constant 0 : i32
    %c0_i32_1 = arith.constant 0 : i32
    return %c0_i32, %c0_i32_0 : i32, i32
  }
  func.func @transform_2(%arg0: i32) -> (i32, i32) {
    %c0_i32 = arith.constant 0 : i32
    %c0_i32_0 = arith.constant 0 : i32
    return %arg0, %c0_i32 : i32, i32
  }
  func.func @transform_3(%arg0: i32) -> (i32, i32) {
    %c0_i32 = arith.constant 0 : i32
    %c0_i32_0 = arith.constant 0 : i32
    return %arg0, %c0_i32 : i32, i32
  }
}

module attributes {stable_mosaic.version = 14 : i64} {
  func.func @body(%arg0: i32, %arg1: memref<1000x128xf32, #tpu.memory_space<vmem>>, %arg2: memref<1000x128xf32, #tpu.memory_space<vmem>>, %arg3: memref<1x128xf32, #tpu.memory_space<vmem>>, %arg4: memref<128x128xf32, #tpu.memory_space<vmem>>, %arg5: memref<1000x128xf32, #tpu.memory_space<vmem>>) attributes {dimension_semantics = [#tpu.dimension_semantics<arbitrary>], iteration_bounds = array<i64: 10>, scalar_prefetch = 0 : i64, scratch_operands = 0 : i64, tpu.core_type = #tpu.core_type<tc>, window_params = [{transform_indices = @transform_0, window_bounds = array<i64: 1000, 128>}, {transform_indices = @transform_1, window_bounds = array<i64: 1000, 128>}, {pipeline_mode = #tpu.pipeline_mode<synchronous>, transform_indices = @transform_2, window_bounds = array<i64: 1, 128>}, {pipeline_mode = #tpu.pipeline_mode<synchronous>, transform_indices = @transform_3, window_bounds = array<i64: 128, 128>}, {transform_indices = @transform_4, window_bounds = array<i64: 1000, 128>}]} {
    %get3A = arith.constant 0 : index
    %get3A_0 = arith.constant 0 : index
    %get3A_1 = vector.load %arg2[%get3A, %get3A_0] : memref<1000x128xf32, #tpu.memory_space<vmem>>, vector<1000x128xf32>
    %get3A_2 = arith.constant 0 : index
    %get3A_3 = arith.constant 0 : index
    %get3A_4 = vector.load %arg1[%get3A_2, %get3A_3] : memref<1000x128xf32, #tpu.memory_space<vmem>>, vector<1000x128xf32>
    %mul3A = arith.mulf %get3A_1, %get3A_4 : vector<1000x128xf32>
    %get3A_5 = arith.constant 0 : index
    %get3A_6 = arith.constant 0 : index
    %get3A_7 = vector.load %arg3[%get3A_5, %get3A_6] : memref<1x128xf32, #tpu.memory_space<vmem>>, vector<1x128xf32>
    %add3A = vector.broadcast %get3A_7 : vector<1x128xf32> to vector<1000x128xf32>
    %add3A_8 = arith.addf %mul3A, %add3A : vector<1000x128xf32>
    %max3A = arith.constant 0.000000e+00 : f32
    %max3A_9 = vector.broadcast %max3A : f32 to vector<1000x128xf32>
    %max3A_10 = arith.maximumf %add3A_8, %max3A_9 : vector<1000x128xf32>
    %get3A_11 = arith.constant 0 : index
    %get3A_12 = arith.constant 0 : index
    %get3A_13 = vector.load %arg4[%get3A_11, %get3A_12] : memref<128x128xf32, #tpu.memory_space<vmem>>, vector<128x128xf32>
    %dot_general3A = arith.constant dense<0.000000e+00> : vector<1000x128xf32>
    %dot_general3A_14 = tpu.matmul %max3A_10, %get3A_13, %dot_general3A {dimension_numbers = #tpu.dot_dimension_numbers<[1], [0], [0], [1], [0, 0, 1, 1], [], []>, transpose_lhs_hint = false} : vector<1000x128xf32>, vector<128x128xf32>, vector<1000x128xf32> -> vector<1000x128xf32>
    %get3A_15 = arith.constant 0 : index
    %get3A_16 = arith.constant 0 : index
    %get3A_17 = vector.load %arg2[%get3A_15, %get3A_16] : memref<1000x128xf32, #tpu.memory_space<vmem>>, vector<1000x128xf32>
    %mul3A_18 = arith.mulf %dot_general3A_14, %get3A_17 : vector<1000x128xf32>
    %swap3A = arith.constant 0 : index
    %swap3A_19 = arith.constant 0 : index
    %swap3A_20 = vector.load %arg5[%swap3A, %swap3A_19] : memref<1000x128xf32, #tpu.memory_space<vmem>>, vector<1000x128xf32>
    tpu.vector_store %arg5[%swap3A, %swap3A_19], %mul3A_18 {strides = array<i32>} : memref<1000x128xf32, #tpu.memory_space<vmem>>, vector<1000x128xf32>,
    return
  }
  func.func @transform_0(%arg0: i32) -> (i32, i32) {
    %c0_i32 = arith.constant 0 : i32
    %c0_i32_0 = arith.constant 0 : i32
    return %arg0, %c0_i32 : i32, i32
  }
  func.func @transform_1(%arg0: i32) -> (i32, i32) {
    %c0_i32 = arith.constant 0 : i32
    %c0_i32_0 = arith.constant 0 : i32
    return %arg0, %c0_i32 : i32, i32
  }
  func.func @transform_2(%arg0: i32) -> (i32, i32) {
    %c0_i32 = arith.constant 0 : i32
    %c0_i32_0 = arith.constant 0 : i32
    %c0_i32_1 = arith.constant 0 : i32
    return %c0_i32, %c0_i32_0 : i32, i32
  }
  func.func @transform_3(%arg0: i32) -> (i32, i32) {
    %c0_i32 = arith.constant 0 : i32
    %c0_i32_0 = arith.constant 0 : i32
    %c0_i32_1 = arith.constant 0 : i32
    return %c0_i32, %c0_i32_0 : i32, i32
  }
  func.func @transform_4(%arg0: i32) -> (i32, i32) {
    %c0_i32 = arith.constant 0 : i32
    %c0_i32_0 = arith.constant 0 : i32
    return %arg0, %c0_i32 : i32, i32
  }
}

module attributes {stable_mosaic.version = 14 : i64} {
  func.func @body(%arg0: i32, %arg1: memref<1000x128xf32, #tpu.memory_space<vmem>>, %arg2: memref<1000x128xf32, #tpu.memory_space<vmem>>, %arg3: memref<1x128xf32, #tpu.memory_space<vmem>>, %arg4: memref<128x128xf32, #tpu.memory_space<vmem>>, %arg5: memref<1x128xf32, #tpu.memory_space<vmem>>, %arg6: memref<128x768xf32, #tpu.memory_space<vmem>>, %arg7: memref<1x768xf32, #tpu.memory_space<vmem>>, %arg8: memref<1000x768xf32, #tpu.memory_space<vmem>>) attributes {dimension_semantics = [#tpu.dimension_semantics<arbitrary>], iteration_bounds = array<i64: 10>, scalar_prefetch = 0 : i64, scratch_operands = 0 : i64, tpu.core_type = #tpu.core_type<tc>, window_params = [{transform_indices = @transform_0, window_bounds = array<i64: 1000, 128>}, {transform_indices = @transform_1, window_bounds = array<i64: 1000, 128>}, {pipeline_mode = #tpu.pipeline_mode<synchronous>, transform_indices = @transform_2, window_bounds = array<i64: 1, 128>}, {pipeline_mode = #tpu.pipeline_mode<synchronous>, transform_indices = @transform_3, window_bounds = array<i64: 128, 128>}, {pipeline_mode = #tpu.pipeline_mode<synchronous>, transform_indices = @transform_4, window_bounds = array<i64: 1, 128>}, {pipeline_mode = #tpu.pipeline_mode<synchronous>, transform_indices = @transform_5, window_bounds = array<i64: 128, 768>}, {pipeline_mode = #tpu.pipeline_mode<synchronous>, transform_indices = @transform_6, window_bounds = array<i64: 1, 768>}, {transform_indices = @transform_7, window_bounds = array<i64: 1000, 768>}]} {
    %get3A = arith.constant 0 : index
    %get3A_0 = arith.constant 0 : index
    %get3A_1 = vector.load %arg2[%get3A, %get3A_0] : memref<1000x128xf32, #tpu.memory_space<vmem>>, vector<1000x128xf32>
    %get3A_2 = arith.constant 0 : index
    %get3A_3 = arith.constant 0 : index
    %get3A_4 = vector.load %arg1[%get3A_2, %get3A_3] : memref<1000x128xf32, #tpu.memory_space<vmem>>, vector<1000x128xf32>
    %mul3A = arith.mulf %get3A_1, %get3A_4 : vector<1000x128xf32>
    %get3A_5 = arith.constant 0 : index
    %get3A_6 = arith.constant 0 : index
    %get3A_7 = vector.load %arg3[%get3A_5, %get3A_6] : memref<1x128xf32, #tpu.memory_space<vmem>>, vector<1x128xf32>
    %add3A = vector.broadcast %get3A_7 : vector<1x128xf32> to vector<1000x128xf32>
    %add3A_8 = arith.addf %mul3A, %add3A : vector<1000x128xf32>
    %get3A_9 = arith.constant 0 : index
    %get3A_10 = arith.constant 0 : index
    %get3A_11 = vector.load %arg4[%get3A_9, %get3A_10] : memref<128x128xf32, #tpu.memory_space<vmem>>, vector<128x128xf32>
    %dot_general3A = arith.constant dense<0.000000e+00> : vector<1000x128xf32>
    %dot_general3A_12 = tpu.matmul %add3A_8, %get3A_11, %dot_general3A {dimension_numbers = #tpu.dot_dimension_numbers<[1], [0], [0], [1], [0, 0, 1, 1], [], []>, transpose_lhs_hint = false} : vector<1000x128xf32>, vector<128x128xf32>, vector<1000x128xf32> -> vector<1000x128xf32>
    %get3A_13 = arith.constant 0 : index
    %get3A_14 = arith.constant 0 : index
    %get3A_15 = vector.load %arg5[%get3A_13, %get3A_14] : memref<1x128xf32, #tpu.memory_space<vmem>>, vector<1x128xf32>
    %add3A_16 = vector.broadcast %get3A_15 : vector<1x128xf32> to vector<1000x128xf32>
    %add3A_17 = arith.addf %dot_general3A_12, %add3A_16 : vector<1000x128xf32>
    %max3A = arith.constant 0.000000e+00 : f32
    %max3A_18 = vector.broadcast %max3A : f32 to vector<1000x128xf32>
    %max3A_19 = arith.maximumf %add3A_17, %max3A_18 : vector<1000x128xf32>
    %get3A_20 = arith.constant 0 : index
    %get3A_21 = arith.constant 0 : index
    %get3A_22 = vector.load %arg6[%get3A_20, %get3A_21] : memref<128x768xf32, #tpu.memory_space<vmem>>, vector<128x768xf32>
    %dot_general3A_23 = arith.constant dense<0.000000e+00> : vector<1000x768xf32>
    %dot_general3A_24 = tpu.matmul %max3A_19, %get3A_22, %dot_general3A_23 {dimension_numbers = #tpu.dot_dimension_numbers<[1], [0], [0], [1], [0, 0, 1, 1], [], []>, transpose_lhs_hint = false} : vector<1000x128xf32>, vector<128x768xf32>, vector<1000x768xf32> -> vector<1000x768xf32>
    %get3A_25 = arith.constant 0 : index
    %get3A_26 = arith.constant 0 : index
    %get3A_27 = vector.load %arg7[%get3A_25, %get3A_26] : memref<1x768xf32, #tpu.memory_space<vmem>>, vector<1x768xf32>
    %add3A_28 = vector.broadcast %get3A_27 : vector<1x768xf32> to vector<1000x768xf32>
    %add3A_29 = arith.addf %dot_general3A_24, %add3A_28 : vector<1000x768xf32>
    %mul3A_30 = arith.mulf %add3A_29, %add3A_29 : vector<1000x768xf32>
    %reduce_sum3A = arith.constant dense<0.000000e+00> : vector<1000xf32>
    %reduce_sum3A_31 = vector.multi_reduction <add>, %mul3A_30, %reduce_sum3A [1] : vector<1000x768xf32> to vector<1000xf32>
    %broadcast_in_dim3A = vector.shape_cast %reduce_sum3A_31 : vector<1000xf32> to vector<1000x1xf32>
    %sqrt3A = math.sqrt %broadcast_in_dim3A : vector<1000x1xf32>
    %max3A_32 = arith.constant 9.99999996E-13 : f32
    %max3A_33 = vector.broadcast %max3A_32 : f32 to vector<1000x1xf32>
    %max3A_34 = arith.maximumf %sqrt3A, %max3A_33 : vector<1000x1xf32>
    %div3A = vector.broadcast %max3A_34 : vector<1000x1xf32> to vector<1000x768xf32>
    %div3A_35 = arith.divf %add3A_29, %div3A : vector<1000x768xf32>
    %swap3A = arith.constant 0 : index
    %swap3A_36 = arith.constant 0 : index
    %swap3A_37 = vector.load %arg8[%swap3A, %swap3A_36] : memref<1000x768xf32, #tpu.memory_space<vmem>>, vector<1000x768xf32>
    tpu.vector_store %arg8[%swap3A, %swap3A_36], %div3A_35 {strides = array<i32>} : memref<1000x768xf32, #tpu.memory_space<vmem>>, vector<1000x768xf32>,
    return
  }
  func.func @transform_0(%arg0: i32) -> (i32, i32) {
    %c0_i32 = arith.constant 0 : i32
    %c0_i32_0 = arith.constant 0 : i32
    return %arg0, %c0_i32 : i32, i32
  }
  func.func @transform_1(%arg0: i32) -> (i32, i32) {
    %c0_i32 = arith.constant 0 : i32
    %c0_i32_0 = arith.constant 0 : i32
    return %arg0, %c0_i32 : i32, i32
  }
  func.func @transform_2(%arg0: i32) -> (i32, i32) {
    %c0_i32 = arith.constant 0 : i32
    %c0_i32_0 = arith.constant 0 : i32
    %c0_i32_1 = arith.constant 0 : i32
    return %c0_i32, %c0_i32_0 : i32, i32
  }
  func.func @transform_3(%arg0: i32) -> (i32, i32) {
    %c0_i32 = arith.constant 0 : i32
    %c0_i32_0 = arith.constant 0 : i32
    %c0_i32_1 = arith.constant 0 : i32
    return %c0_i32, %c0_i32_0 : i32, i32
  }
  func.func @transform_4(%arg0: i32) -> (i32, i32) {
    %c0_i32 = arith.constant 0 : i32
    %c0_i32_0 = arith.constant 0 : i32
    %c0_i32_1 = arith.constant 0 : i32
    return %c0_i32, %c0_i32_0 : i32, i32
  }
  func.func @transform_5(%arg0: i32) -> (i32, i32) {
    %c0_i32 = arith.constant 0 : i32
    %c0_i32_0 = arith.constant 0 : i32
    %c0_i32_1 = arith.constant 0 : i32
    return %c0_i32, %c0_i32_0 : i32, i32
  }
  func.func @transform_6(%arg0: i32) -> (i32, i32) {
    %c0_i32 = arith.constant 0 : i32
    %c0_i32_0 = arith.constant 0 : i32
    %c0_i32_1 = arith.constant 0 : i32
    return %c0_i32, %c0_i32_0 : i32, i32
  }
  func.func @transform_7(%arg0: i32) -> (i32, i32) {
    %c0_i32 = arith.constant 0 : i32
    %c0_i32_0 = arith.constant 0 : i32
    return %arg0, %c0_i32 : i32, i32
  }
}

</mosaic_0001>

<sc_bundles>
// kernel: kernel.11.cloned.1.call-start
scs
__scs_entry_jumppad:
0x0: {  	(pc) =	sbr.rel $0x88, $3  }
0x1: {  	(tag) =	ssettag $0x0;
	lr =	simm.s32 $0x1  }
0x2: {  	[smem:$0x3F97] =	sst lr;
	_ =	strace $0xD0000000  }
0x3: {  	_ = 	snop  }
0x4: {  	_ = 	snop  }
0x5: {  	_ = 	snop  }
0x6: {  	_ = 	snop  }
0x7: {  	_ = 	snop  }
__scs_overlays_trampoline_lowered:
0x8: {  	[smem:$0x3FA6] =	sst s0  }
0x9: {  	[smem:$0x3FA7] =	sst s1  }
0xa: {  	[smem:$0x3FA8] =	sst s2  }
0xb: {  	[smem:$0x3FA9] =	sst s3  }
0xc: {  	[smem:$0x3FAA] =	sst s4  }
0xd: {  	[smem:$0x3FAB] =	sst s5  }
0xe: {  	[smem:$0x3FAC] =	sst s6  }
0xf: {  	[smem:$0x3FAD] =	sst s7  }
0x10: {  	[smem:$0x3FAE] =	sst s8  }
0x11: {  	[smem:$0x3FAF] =	sst s9;
	s0 =	simm.s32 @!p0 $0x0  }
0x12: {  	s1 =	sld [smem:$0x3F95];
	s0 =	simm.s32 @p0 $0x1  }
0x13: {  	[smem:$0x3FB0] =	sst s0;
	s0 =	simm.s32 @!p1 $0x0  }
0x14: {  	s2 =	sld [smem:$0x3F94];
	s0 =	simm.s32 @p1 $0x1  }
0x15: {  	[smem:$0x3FB1] =	sst s0;
	s0 =	simm.s32 @!p2 $0x0  }
0x16: {  	s3 =	sld [smem:$0x3FDB];
	s0 =	simm.s32 @p2 $0x1  }
0x17: {  	s4 =	simm.s32 $0x1BF5;
	[smem:$0x3FB3] =	sst s0  }
0x18: {  	s0 =	sld [smem:$0x3F96];
	_ =	swait.ge [sflag:s4], $0x0  }
0x19: {  	s7 =	sld [smem:$0x3F97]  }
0x1a: {  	s8 =	sadd.s32 $0xFFFFE003, lr  }
0x1b: {  	s9 =	sadd.s32 $0xFFFFFEF7, lr;
	s5 =	simm.s32 $0xFFFFFFFF;
	p2 =	slt.u32 s8, $0xFFFFF086  }
0x1c: {  	p1 =	slt.u32 s9, $0xF7A;
	s5 =	simm.s32 @!p2 $0x0  }
0x1d: {  	s5 =	simm.s32 @p1 $0x1;
	p0 =	seq.s32 s7, s2  }
0x1e: {  	s7 =	smul.u32 @!p0 $0xF7A, s2;
	p2 =	seq.s32 @!p0 s5, $0x0  }
0x1f: {  	s9 =	smul.u32 $0xF7A, s1;
	s8 =	simm.s32 @!p0 $0x1BF5;
	p2 =	por !p2, p0  }
0x20: {  	[sflag:s8] =	ssyncset.s32 @!p0 $0xFFFFF086;
	s6 =	sadd.s32 @!p0 s3, s7;
	s7 =	simm.s32 @!p0 $0x108  }
0x21: {  	s3 =	sadd.s32 s3, s9;
	s6 =	sadd.s32 @!p0 $0x88, s6;
	s7 =	simm.s32 @p2 $0x1082  }
0x22: {  	[simem:s7], [sflag:s8] =	dma.local @!p0 [hbm:s6], $0xF7A  }
0x23: {  	s9 =	sor.u32 $0xD0000000, s2;
	s6 =	simm.s32 $0x108;
	_ =	swait.ge @!p0 [sflag:s8], $0x0  }
0x24: {  	s3 =	sadd.s32 $0x88, s3;
	s6 =	simm.s32 @!p1 $0x1082;
	[sflag:s4] =	ssyncset.s32 $0xFFFFF086  }
0x25: {  	[simem:s6], [sflag:s4] =	dma.local [hbm:s3], $0xF7A  }
0x26: {  	[smem:$0x3F97] =	sst s1;
	(tag) =	ssettag s2;
	_ =	strace s9  }
0x27: {  	s1 =	sld [smem:$0x3FA7]  }
0x28: {  	s2 =	sld [smem:$0x3FA8]  }
0x29: {  	s4 =	sld [smem:$0x3FAA]  }
0x2a: {  	p0 =	seq.s32 s5, $0x0;
	s5 =	sld [smem:$0x3FAB]  }
0x2b: {  	s6 =	sld [smem:$0x3FAC]  }
0x2c: {  	s7 =	sld [smem:$0x3FAD]  }
0x2d: {  	s3 =	simm.s32 $0x108;
	s8 =	sld [smem:$0x3FAE]  }
0x2e: {  	s3 =	simm.s32 @!p0 $0x1082;
	s9 =	sld [smem:$0x3FAF]  }
0x2f: {  	lr =	sadd.s32 s0, s3;
	s0 =	sld [smem:$0x3FA6]  }
0x30: {  	s3 =	sld [smem:$0x3FA9]  }
0x31: {  	[smem:$0x3FB2] =	sst s10  }
0x32: {  	s10 =	sld [smem:$0x3FB0];
	_ =	sdelay $0x3  }
0x33: {  	p0 =	seq.s32 s10, $0x1;
	s10 =	sld [smem:$0x3FB2];
	_ =	sdelay $0x3  }
0x34: {  	[smem:$0x3FB2] =	sst s10  }
0x35: {  	s10 =	sld [smem:$0x3FB1];
	_ =	sdelay $0x3  }
0x36: {  	p1 =	seq.s32 s10, $0x1;
	s10 =	sld [smem:$0x3FB2];
	_ =	sdelay $0x3  }
0x37: {  	[smem:$0x3FB2] =	sst s10  }
0x38: {  	s10 =	sld [smem:$0x3FB3]  }
0x39: {  	_ = 	snop;
	(pc) =	sbr.ind lr, $3  }
0x3a: {  	_ = 	snop  }
0x3b: {  	_ = 	snop  }
0x3c: {  	p2 =	seq.s32 s10, $0x1;
	s10 =	sld [smem:$0x3FB2]  }
0x3d: {  	_ =	shalt  }
0x3e: {  	_ =	shalt  }
0x3f: {  	_ =	shalt  }
0x40: {  	_ =	shalt  }
0x41: {  	_ =	shalt  }
0x42: {  	_ =	shalt  }
0x43: {  	_ =	shalt  }
0x44: {  	_ =	shalt  }
0x45: {  	_ =	shalt  }
0x46: {  	_ =	shalt  }
0x47: {  	_ =	shalt  }
0x48: {  	_ =	shalt  }
0x49: {  	_ =	shalt  }
0x4a: {  	_ =	shalt  }
0x4b: {  	_ =	shalt  }
0x4c: {  	_ =	shalt  }
0x4d: {  	_ =	shalt  }
0x4e: {  	_ =	shalt  }
0x4f: {  	_ =	shalt  }
0x50: {  	_ =	shalt  }
0x51: {  	_ =	shalt  }
0x52: {  	_ =	shalt  }
0x53: {  	_ =	shalt  }
0x54: {  	_ =	shalt  }
0x55: {  	_ =	shalt  }
0x56: {  	_ =	shalt  }
0x57: {  	_ =	shalt  }
0x58: {  	_ =	shalt  }
0x59: {  	_ =	shalt  }
0x5a: {  	_ =	shalt  }
0x5b: {  	_ =	shalt  }
0x5c: {  	_ =	shalt  }
0x5d: {  	_ =	shalt  }
0x5e: {  	_ =	shalt  }
0x5f: {  	_ =	shalt  }
0x60: {  	_ =	shalt  }
0x61: {  	_ =	shalt  }
0x62: {  	_ =	shalt  }
0x63: {  	_ =	shalt  }
0x64: {  	_ =	shalt  }
0x65: {  	_ =	shalt  }
0x66: {  	_ =	shalt  }
0x67: {  	_ =	shalt  }
0x68: {  	_ =	shalt  }
0x69: {  	_ =	shalt  }
0x6a: {  	_ =	shalt  }
0x6b: {  	_ =	shalt  }
0x6c: {  	_ =	shalt  }
0x6d: {  	_ =	shalt  }
0x6e: {  	_ =	shalt  }
0x6f: {  	_ =	shalt  }
0x70: {  	_ =	shalt  }
0x71: {  	_ =	shalt  }
0x72: {  	_ =	shalt  }
0x73: {  	_ =	shalt  }
0x74: {  	_ =	shalt  }
0x75: {  	_ =	shalt  }
0x76: {  	_ =	shalt  }
0x77: {  	_ =	shalt  }
0x78: {  	_ =	shalt  }
0x79: {  	_ =	shalt  }
0x7a: {  	_ =	shalt  }
0x7b: {  	_ =	shalt  }
0x7c: {  	_ =	shalt  }
0x7d: {  	_ =	shalt  }
0x7e: {  	_ =	shalt  }
0x7f: {  	_ =	shalt  }
0x80: {  	_ =	shalt  }
0x81: {  	_ =	shalt  }
0x82: {  	_ =	shalt  }
0x83: {  	_ =	shalt  }
0x84: {  	_ =	shalt  }
0x85: {  	_ =	shalt  }
0x86: {  	_ =	shalt  }
0x87: {  	_ =	shalt  }
.Lfunc_end0:
.L_simem_size_0:
called_computation.1_lowered:
.L_overlay_start_0:
0x88: {  	s2 =	sld [smem:$0x3FD9]  }
0x89: {  	s3 =	sld [smem:$0x3FFE];
	_ =	sdelay $0x1  }
0x8a: {  	s1 =	srdreg.scid  }
0x8b: {  	s0 =	sand.u32 $0x1, s1  }
0x8c: {  	s17 =	sshll.u32 s0, $0xA;
	s2 =	sadd.s32 s3, s2  }
0x8d: {  	s2 =	sadd.s32 s2, s17  }
0x8e: {  	[smem:$0x3FBE] =	sst s2  }
0x8f: {  	_ = 	snop  }
0x90: {  	s2 =	sld [smem:$0x3FD0];
	(tm) =	ssettm $0x1  }
0x91: {  	s18 =	sld [smem:$0x3FFB];
	_ =	sdelay $0x3  }
0x92: {  	_ =	strace s18  }
0x93: {  	s3 =	sld [smem:$0x3FFC];
	_ =	sdelay $0x3  }
0x94: {  	_ =	strace s3  }
0x95: {  	s3 =	sld [smem:$0x3FFD];
	_ =	sdelay $0x3  }
0x96: {  	_ =	strace s3  }
0x97: {  	_ =	strace $0x8FFFFFFF  }
0x98: {  	s19 =	sld [smem:$0x3FDB];
	_ =	sdelay $0x1  }
0x99: {  	s4 =	simm.s32 $_scs_section_size  }
0x9a: {  	s5 =	simm.s32 $_size__tile_overlayer_lowered;
	s6 =	simm.s32 $_tile_overlayer_lowered  }
0x9b: {  	s22 =	simm.s32 $0x1BFF;
	s21 =	sshll.u32 s6, $0x1;
	s3 =	sadd.s32 s4, s19  }
0x9c: {  	s7 =	simm.s32 $0x0;
	s20 =	sshll.u32 s5, $0x1;
	s5 =	sadd.s32 s21, s3  }
0x9d: {  	[timem:s7], [sflag:s22] =	dma.local [hbm:s5], s20  }
0x9e: {  	_ =	swait.ge [sflag:s22], s20  }
0x9f: {  	s4 =	ssub.s32 $0x0, s20;
	[sflag:s22] =	ssyncset.done $0x0  }
0xa0: {  	[sflag:s22] =	ssyncadd.s32 s4;
	_ =	sdelay $0x1  }
0xa1: {  	s23 =	simm.s32 $0x1B8B  }
0xa2: {  	_ =	swait.ge [sflag:s23], $0x1  }
0xa3: {  	[sflag:s23] =	ssyncset.done $0x0  }
0xa4: {  	s25 =	simm.s32 $0x1B8E;
	s24 =	sld [smem:$0x3FFE];
	[sflag:s23] =	ssyncadd.s32 $0xFFFFFFFF  }
0xa5: {  	s26 =	simm.s32 $execute0_lowered;
	[smem:$0x3FD2] =	sst s25  }
0xa6: {  	s5 =	sshll.u32 s26, $0x1;
	_ =	strace $0x80000049;
	[dreg:$0x1] =	wrdreg $0xFFFFFFFF  }
0xa7: {  	s28 =	simm.s32 $_size_execute0_lowered;
	s3 =	sadd.s32 s3, s5;
	[dreg:$0x0] =	wrdreg $0x0  }
0xa8: {  	s5 =	sshll.u32 s28, $0x1;
	[dreg:$0x2] =	wrdreg s3  }
0xa9: {  	[dreg:$0x3] =	wrdreg s5  }
0xaa: {  	[dreg:$0x4] =	wrdreg $0xC0  }
0xab: {  	_ =	task [dreg:s7], $0x5FFFF  }
0xac: {  	[dreg:$0x1] =	wrdreg $0xFFFFFFFF  }
0xad: {  	[dreg:$0x0] =	wrdreg $0x60  }
0xae: {  	[dreg:$0x2] =	wrdreg s24  }
0xaf: {  	[dreg:$0x3] =	wrdreg s2  }
0xb0: {  	[dreg:$0x4] =	wrdreg $0x13D000  }
0xb1: {  	[dreg:$0x5] =	wrdreg $0x9  }
0xb2: {  	_ =	task.clear_ibuf [dreg:s7], $0x6FFFF;
	_ =	strace $0x90000049  }
0xb3: {  	s29 =	simm.s32 $0x9;
	_ =	strace $0x8000004B  }
0xb4: {  	_ =	swait.ge [sflag:s29], $0x1  }
0xb5: {  	[sflag:s29] =	ssyncadd.s32 $0xFFFFFFFF  }
0xb6: {  	_ =	strace $0x9000004B  }
0xb7: {  	_ =	sfence  }
0xb8: {  	s30 =	sld [smem:$0x0];
	_ =	sdelay $0x2  }
0xb9: {  	s31 =	sshll.u32 s1, $0xD;
	s1 =	sshrl.u32 s1, $0x2  }
0xba: {  	s3 =	sand.u32 $0x4000, s31;
	s1 =	sadd.s32 s1, s30  }
0xbb: {  	s0 =	sor.u32 s3, s0;
	s1 =	sshll.u32 s1, $0x11  }
0xbc: {  	s0 =	sor.u32 s1, s0  }
0xbd: {  	s0 =	sadd.s32 $0x8F2B, s0  }
0xbe: {  	[sflag:s0] =	ssyncadd.remote.s32 $0x1  }
0xbf: {  	_ =	sfence.sel $0xFFFF  }
0xc0: {  	[dreg:$0x0] =	wrdreg $0xFFFFFFFF;
	(pc) =	sbr.abs _section_cstart, $3  }
0xc1: {  	[dreg:$0x1] =	wrdreg $0xFFFFFFFF  }
0xc2: {  	_ =	task.clear_ibuf [dreg:s7], $0x2FFFF;
	_ =	strace $0x9FFFFFFF  }
0xc3: {  	(tm) =	ssettm $0x7FFFFFFF  }
tec
execute0_lowered:
.L_overlay_start_1:
0x0: {  	(tag) =	ssettag $0x1  }
0x1: {  	s0 =	rddreg [dreg:$0x0]  }
0x2: {  	s1 =	rddreg [dreg:$0x1]  }
0x3: {  	s2 =	rddreg [dreg:$0x2];
	s3 =	simm.s32 $0x0  }
0x4: {  	s8 =	stileid.u32;
	s4 =	srdreg.scid;
	s14 =	simm.s32 $0x11D00  }
0x5: {  	s15 =	simm.s32 $0x9;
	s16 =	simm.s32 $0x5000;
	s17 =	simm.s32 $0x7D  }
0x6: {  	s18 =	simm.s32 $0xA000;
	s20 =	simm.s32 $0xBF40;
	s22 =	simm.s32 $0xDE80  }
0x7: {  	s23 =	simm.s32 $0x1;
	s25 =	simm.s32 $0xFDC0;
	s26 =	simm.s32 $0x2  }
0x8: {  	s29 =	simm.s32 $0x5;
	s30 =	simm.s32 $0x3;
	s31 =	simm.s32 $0x6  }
0x9: {  	s19 =	simm.s32 $0x8;
	[smem:$0x7FF] =	sst s3;
	s5 =	smul.u32 $0x28000, s8  }
0xa: {  	s6 =	smul.u32 $0xA00, s8;
	s10 =	sand.u32 $0x1, s4;
	s4 =	sadd.s32 $0x20A00, s0  }
0xb: {  	s11 =	smul.u32 $0x14000, s8;
	_ =	strace $0x8000004A;
	s7 =	ssub.s32 $0x2, s10  }
0xc: {  	s13 =	sshll.u32 s10, $0x6;
	p0 =	seq.s32 s10, $0x1;
	s5 =	sshrl.u32 s5, $0x2  }
0xd: {  	s0 =	sadd.s32 s6, s0;
	s28 =	sshrl.u32 s7, $0x1;
	s11 =	sor.u32 s13, s11  }
0xe: {  	s13 =	simm.s32 $0x16A00;
	s5 =	sadd.s32 s5, s2;
	s12 =	ssub.s32 s7, s28  }
0xf: {  	s10 =	sadd.s32 $0x2A00, s0;
	s11 =	sshrl.u32 s11, $0x3;
	s13 =	simm.s32 @!p0 $0xCA00  }
0x10: {  	s6 =	sadd.s32 $0x2000, s5;
	s7 =	sadd.s32 $0x4000, s5;
	s8 =	sadd.s32 $0x6000, s5  }
0x11: {  	s9 =	sadd.s32 $0x8000, s5;
	s11 =	sadd.s32 s1, s11;
	s12 =	smax.u32 s12, $0x1  }
0x12: {  	v0 =	vimm.f32 $0.0e+00;
	s13 =	sadd.s32 s13, s0;
	s0 =	simm.s32 $0x4;
	s1 =	simm.s32 $0x7  }
.LBB2_1:
0x13: {  	s24 =	simm.s32 $0x100;
	s21 =	simm.s32 $0x0  }
.LBB2_2:
0x14: {  	p0 =	sne.s32 s24, $0x7F00;
	[tilespmem:s21+$0x11D30] =	vst v0;
	s28 =	smov.u32 s24;
	s24 =	sadd.s32 $0x100, s24  }
.Ltmp0:
0x15: {  	[tilespmem:s21+$0x11D20] =	vst v0;
	(pc) =	sbr.rel @p0 .LBB2_2-.Ltmp0, $3  }
0x16: {  	[tilespmem:s21+$0x11D00] =	vst v0  }
0x17: {  	[tilespmem:s21+$0x11D10] =	vst v0;
	_ =	sdelay $0x1  }
0x18: {  	s21 =	sshra.s32 s28, $0x2  }
0x19: {  	[tilespmem:s21+$0x11D30] =	vst v0  }
0x1a: {  	[tilespmem:s21+$0x11D20] =	vst v0  }
0x1b: {  	[tilespmem:s21+$0x11D00] =	vst v0  }
0x1c: {  	[tilespmem:s21+$0x11D10] =	vst v0  }
0x1d: {  	[spmem:s5] =	stream.linear.scatter [tilespmem:s14], [sflag:$0x9], $0x2000, $0x38;
	[tilespmem:$0x1DD00] =	vst v63  }
0x1e: {  	_ =	swait.ge [sflag:s15], $0x2000  }
0x1f: {  	[sflag:s15] =	ssyncset.done $0x0  }
0x20: {  	[sflag:s15] =	ssyncadd.s32 $0xFFFFE000  }
0x21: {  	[spmem:s6] =	stream.linear.scatter [tilespmem:s14], [sflag:$0x9], $0x2000, $0x38;
	[tilespmem:$0x1DD00] =	vst v63  }
0x22: {  	_ =	swait.ge [sflag:s15], $0x2000  }
0x23: {  	[sflag:s15] =	ssyncset.done $0x0  }
0x24: {  	[sflag:s15] =	ssyncadd.s32 $0xFFFFE000  }
0x25: {  	[spmem:s7] =	stream.linear.scatter [tilespmem:s14], [sflag:$0x9], $0x2000, $0x38;
	[tilespmem:$0x1DD00] =	vst v63  }
0x26: {  	_ =	swait.ge [sflag:s15], $0x2000  }
0x27: {  	[sflag:s15] =	ssyncset.done $0x0  }
0x28: {  	[sflag:s15] =	ssyncadd.s32 $0xFFFFE000  }
0x29: {  	[spmem:s8] =	stream.linear.scatter [tilespmem:s14], [sflag:$0x9], $0x2000, $0x38;
	[tilespmem:$0x1DD00] =	vst v63  }
0x2a: {  	_ =	swait.ge [sflag:s15], $0x2000  }
0x2b: {  	[sflag:s15] =	ssyncset.done $0x0  }
0x2c: {  	[sflag:s15] =	ssyncadd.s32 $0xFFFFE000  }
0x2d: {  	[spmem:s9] =	stream.linear.scatter [tilespmem:s14], [sflag:$0x9], $0x2000, $0x38;
	[tilespmem:$0x1DD00] =	vst v63  }
0x2e: {  	_ =	swait.ge [sflag:s15], $0x2000  }
0x2f: {  	[sflag:s15] =	ssyncset.done $0x0  }
0x30: {  	s24 =	simm.s32 $0x0;
	[sflag:s15] =	ssyncadd.s32 $0xFFFFE000  }
0x31: {  	[tilespmem:s24], [sflag:$0x9] =	stream.linear.gather [hbm4b:s13+s24], $0x5000, $0x38;
	[tilespmem:$0x1DD00] =	vst v63  }
0x32: {  	_ =	swait.ge [sflag:s15], $0x5000  }
0x33: {  	[sflag:s15] =	ssyncset.done $0x0  }
0x34: {  	[sflag:s15] =	ssyncadd.s32 $0xFFFFB000  }
0x35: {  	[tilespmem:s16], [sflag:$0x9] =	stream.linear.gather [hbm4b:s10+s24], $0x5000, $0x38;
	[tilespmem:$0x1DD00] =	vst v63  }
0x36: {  	_ =	swait.ge [sflag:s15], $0x5000  }
0x37: {  	[sflag:s15] =	ssyncset.done $0x0  }
0x38: {  	[sflag:s15] =	ssyncadd.s32 $0xFFFFB000  }
0x39: {  	[bflag:$0x0] =	sbarrier.arrive $0xFFFF  }
0x3a: {  	[tilespmem:s18], [sflag:$0x1] =	stream.indirect.gather [hbm4b:s4+s17], $0x40, s24, s17, $0xb8;
	[tilespmem:$0x1DD00] =	vst v63  }
0x3b: {  	s28 =	simm.s32 $0x80  }
0x3c: {  	[tilespmem:s20], [sflag:$0x2] =	stream.indirect.gather [hbm4b:s4+s17], $0x40, s28, s17, $0xb8;
	[tilespmem:$0x1DD00] =	vst v63  }
0x3d: {  	s24 =	simm.s32 $0x100  }
0x3e: {  	[tilespmem:s22], [sflag:$0x3] =	stream.indirect.gather [hbm4b:s4+s17], $0x40, s24, s17, $0xb8;
	[tilespmem:$0x1DD00] =	vst v63  }
0x3f: {  	_ =	swait.ge [sflag:s23], $0x1F40  }
0x40: {  	[sflag:s23] =	ssyncset.done $0x0  }
0x41: {  	[sflag:s23] =	ssyncadd.s32 $0xFFFFE0C0  }
0x42: {  	[spmem:s2] =	stream.indirect.scatter.add.f32 [tilespmem:s18], [sflag:$0x5], $0x40, s16, s17, $0xb8;
	[tilespmem:$0x1DD00] =	vst v63  }
0x43: {  	s28 =	simm.s32 $0x180  }
0x44: {  	[tilespmem:s25], [sflag:$0x4] =	stream.indirect.gather [hbm4b:s4+s17], $0x40, s28, s17, $0xb8;
	[tilespmem:$0x1DD00] =	vst v63  }
0x45: {  	_ =	swait.ge [sflag:s26], $0x1F40  }
0x46: {  	[sflag:s26] =	ssyncset.done $0x0  }
0x47: {  	s24 =	simm.s32 $0x5080;
	[sflag:s26] =	ssyncadd.s32 $0xFFFFE0C0  }
0x48: {  	[spmem:s2] =	stream.indirect.scatter.add.f32 [tilespmem:s20], [sflag:$0x6], $0x40, s24, s17, $0xb8;
	[tilespmem:$0x1DD00] =	vst v63  }
0x49: {  	_ =	swait.ge [sflag:s29], $0x1F40  }
0x4a: {  	[sflag:s29] =	ssyncset.done $0x0  }
0x4b: {  	s28 =	simm.s32 $0x200;
	[sflag:s29] =	ssyncadd.s32 $0xFFFFE0C0  }
0x4c: {  	[tilespmem:s18], [sflag:$0x1] =	stream.indirect.gather [hbm4b:s4+s17], $0x40, s28, s17, $0xb8;
	[tilespmem:$0x1DD00] =	vst v63  }
0x4d: {  	_ =	swait.ge [sflag:s30], $0x1F40  }
0x4e: {  	[sflag:s30] =	ssyncset.done $0x0  }
0x4f: {  	s24 =	simm.s32 $0x5100;
	[sflag:s30] =	ssyncadd.s32 $0xFFFFE0C0  }
0x50: {  	[spmem:s2] =	stream.indirect.scatter.add.f32 [tilespmem:s22], [sflag:$0x7], $0x40, s24, s17, $0xb8;
	[tilespmem:$0x1DD00] =	vst v63  }
0x51: {  	_ =	swait.ge [sflag:s31], $0x1F40  }
0x52: {  	[sflag:s31] =	ssyncset.done $0x0  }
0x53: {  	s28 =	simm.s32 $0x280;
	[sflag:s31] =	ssyncadd.s32 $0xFFFFE0C0  }
0x54: {  	[tilespmem:s20], [sflag:$0x2] =	stream.indirect.gather [hbm4b:s4+s17], $0x40, s28, s17, $0xb8;
	[tilespmem:$0x1DD00] =	vst v63  }
0x55: {  	_ =	swait.ge [sflag:s0], $0x1F40  }
0x56: {  	[sflag:s0] =	ssyncset.done $0x0  }
0x57: {  	s24 =	simm.s32 $0x5180;
	[sflag:s0] =	ssyncadd.s32 $0xFFFFE0C0  }
0x58: {  	[spmem:s2] =	stream.indirect.scatter.add.f32 [tilespmem:s25], [sflag:$0x8], $0x40, s24, s17, $0xb8;
	[tilespmem:$0x1DD00] =	vst v63  }
0x59: {  	_ =	swait.ge [sflag:s1], $0x1F40  }
0x5a: {  	[sflag:s1] =	ssyncset.done $0x0  }
0x5b: {  	s28 =	simm.s32 $0x300;
	[sflag:s1] =	ssyncadd.s32 $0xFFFFE0C0  }
0x5c: {  	[tilespmem:s22], [sflag:$0x3] =	stream.indirect.gather [hbm4b:s4+s17], $0x40, s28, s17, $0xb8;
	[tilespmem:$0x1DD00] =	vst v63  }
0x5d: {  	_ =	swait.ge [sflag:s23], $0x1F40  }
0x5e: {  	[sflag:s23] =	ssyncset.done $0x0  }
0x5f: {  	s24 =	simm.s32 $0x5200;
	[sflag:s23] =	ssyncadd.s32 $0xFFFFE0C0  }
0x60: {  	[spmem:s2] =	stream.indirect.scatter.add.f32 [tilespmem:s18], [sflag:$0x5], $0x40, s24, s17, $0xb8;
	[tilespmem:$0x1DD00] =	vst v63  }
0x61: {  	_ =	swait.ge [sflag:s19], $0x1F40  }
0x62: {  	[sflag:s19] =	ssyncset.done $0x0  }
0x63: {  	s28 =	simm.s32 $0x380;
	[sflag:s19] =	ssyncadd.s32 $0xFFFFE0C0  }
0x64: {  	[tilespmem:s25], [sflag:$0x4] =	stream.indirect.gather [hbm4b:s4+s17], $0x40, s28, s17, $0xb8;
	[tilespmem:$0x1DD00] =	vst v63  }
0x65: {  	_ =	swait.ge [sflag:s26], $0x1F40  }
0x66: {  	[sflag:s26] =	ssyncset.done $0x0  }
0x67: {  	s21 =	simm.s32 $0x800;
	s24 =	simm.s32 $0x5280;
	[sflag:s26] =	ssyncadd.s32 $0xFFFFE0C0  }
.LBB2_4:
0x68: {  	[spmem:s2] =	stream.indirect.scatter.add.f32 [tilespmem:s20], [sflag:$0x6], $0x40, s24, s17, $0xb8;
	[tilespmem:$0x1DD00] =	vst v63  }
0x69: {  	s24 =	smov.u32 s21  }
0x6a: {  	p0 =	sne.s32 s21, $0x13000;
	s21 =	sadd.s32 $0x800, s21;
	_ =	swait.ge [sflag:s29], $0x1F40  }
0x6b: {  	s24 =	sshra.s32 s24, $0x2;
	[sflag:s29] =	ssyncset.done $0x0  }
0x6c: {  	s28 =	sadd.s32 $0x200, s24;
	[sflag:s29] =	ssyncadd.s32 $0xFFFFE0C0  }
0x6d: {  	[tilespmem:s18], [sflag:$0x1] =	stream.indirect.gather [hbm4b:s4+s17], $0x40, s28, s17, $0xb8;
	[tilespmem:$0x1DD00] =	vst v63  }
0x6e: {  	_ =	swait.ge [sflag:s30], $0x1F40  }
0x6f: {  	[sflag:s30] =	ssyncset.done $0x0  }
0x70: {  	s28 =	sadd.s32 $0x5100, s24;
	[sflag:s30] =	ssyncadd.s32 $0xFFFFE0C0  }
0x71: {  	[spmem:s2] =	stream.indirect.scatter.add.f32 [tilespmem:s22], [sflag:$0x7], $0x40, s28, s17, $0xb8;
	[tilespmem:$0x1DD00] =	vst v63  }
0x72: {  	_ =	swait.ge [sflag:s31], $0x1F40  }
0x73: {  	[sflag:s31] =	ssyncset.done $0x0  }
0x74: {  	s28 =	sadd.s32 $0x280, s24;
	[sflag:s31] =	ssyncadd.s32 $0xFFFFE0C0  }
0x75: {  	[tilespmem:s20], [sflag:$0x2] =	stream.indirect.gather [hbm4b:s4+s17], $0x40, s28, s17, $0xb8;
	[tilespmem:$0x1DD00] =	vst v63  }
0x76: {  	_ =	swait.ge [sflag:s0], $0x1F40  }
0x77: {  	[sflag:s0] =	ssyncset.done $0x0  }
0x78: {  	s28 =	sadd.s32 $0x5180, s24;
	[sflag:s0] =	ssyncadd.s32 $0xFFFFE0C0  }
0x79: {  	[spmem:s2] =	stream.indirect.scatter.add.f32 [tilespmem:s25], [sflag:$0x8], $0x40, s28, s17, $0xb8;
	[tilespmem:$0x1DD00] =	vst v63  }
0x7a: {  	_ =	swait.ge [sflag:s1], $0x1F40  }
0x7b: {  	[sflag:s1] =	ssyncset.done $0x0  }
0x7c: {  	s28 =	sadd.s32 $0x300, s24;
	[sflag:s1] =	ssyncadd.s32 $0xFFFFE0C0  }
0x7d: {  	[tilespmem:s22], [sflag:$0x3] =	stream.indirect.gather [hbm4b:s4+s17], $0x40, s28, s17, $0xb8;
	[tilespmem:$0x1DD00] =	vst v63  }
0x7e: {  	_ =	swait.ge [sflag:s23], $0x1F40  }
0x7f: {  	[sflag:s23] =	ssyncset.done $0x0  }
0x80: {  	s28 =	sadd.s32 $0x5200, s24;
	[sflag:s23] =	ssyncadd.s32 $0xFFFFE0C0  }
0x81: {  	[spmem:s2] =	stream.indirect.scatter.add.f32 [tilespmem:s18], [sflag:$0x5], $0x40, s28, s17, $0xb8;
	[tilespmem:$0x1DD00] =	vst v63  }
0x82: {  	_ =	swait.ge [sflag:s19], $0x1F40  }
0x83: {  	[sflag:s19] =	ssyncset.done $0x0  }
.Ltmp1:
0x84: {  	s28 =	sadd.s32 $0x380, s24;
	[sflag:s19] =	ssyncadd.s32 $0xFFFFE0C0;
	(pc) =	sbr.rel @p0 .LBB2_4-.Ltmp1, $4  }
0x85: {  	[tilespmem:s25], [sflag:$0x4] =	stream.indirect.gather [hbm4b:s4+s17], $0x40, s28, s17, $0xb8;
	[tilespmem:$0x1DD00] =	vst v63  }
0x86: {  	_ =	swait.ge [sflag:s26], $0x1F40  }
0x87: {  	[sflag:s26] =	ssyncset.done $0x0  }
0x88: {  	s24 =	sadd.s32 $0x5280, s24;
	[sflag:s26] =	ssyncadd.s32 $0xFFFFE0C0  }
0x89: {  	[spmem:s2] =	stream.indirect.scatter.add.f32 [tilespmem:s20], [sflag:$0x6], $0x40, s24, s17, $0xb8;
	[tilespmem:$0x1DD00] =	vst v63  }
0x8a: {  	_ =	swait.ge [sflag:s30], $0x1F40  }
0x8b: {  	[sflag:s30] =	ssyncset.done $0x0  }
0x8c: {  	s21 =	simm.s32 $0x9F00;
	[sflag:s30] =	ssyncadd.s32 $0xFFFFE0C0  }
0x8d: {  	[spmem:s2] =	stream.indirect.scatter.add.f32 [tilespmem:s22], [sflag:$0x7], $0x40, s21, s17, $0xb8;
	[tilespmem:$0x1DD00] =	vst v63  }
0x8e: {  	_ =	swait.ge [sflag:s0], $0x1F40  }
0x8f: {  	[sflag:s0] =	ssyncset.done $0x0  }
0x90: {  	s24 =	simm.s32 $0x9F80;
	[sflag:s0] =	ssyncadd.s32 $0xFFFFE0C0  }
0x91: {  	[spmem:s2] =	stream.indirect.scatter.add.f32 [tilespmem:s25], [sflag:$0x8], $0x40, s24, s17, $0xb8;
	[tilespmem:$0x1DD00] =	vst v63  }
0x92: {  	_ =	swait.ge [sflag:s29], $0x1F40  }
0x93: {  	[sflag:s29] =	ssyncset.done $0x0  }
0x94: {  	[sflag:s29] =	ssyncadd.s32 $0xFFFFE0C0  }
0x95: {  	_ =	swait.ge [sflag:s31], $0x1F40  }
0x96: {  	[sflag:s31] =	ssyncset.done $0x0  }
0x97: {  	[sflag:s31] =	ssyncadd.s32 $0xFFFFE0C0  }
0x98: {  	_ =	swait.ge [sflag:s1], $0x1F40  }
0x99: {  	[sflag:s1] =	ssyncset.done $0x0  }
0x9a: {  	[sflag:s1] =	ssyncadd.s32 $0xFFFFE0C0  }
0x9b: {  	s28 =	stileid.u32;
	s3 =	sadd.s32 $0x1, s3;
	_ =	swait.ge [sflag:s19], $0x1F40  }
0x9c: {  	p0 =	sne.s32 s3, s12;
	s21 =	sshll.u32 s28, $0x6;
	[sflag:s19] =	ssyncset.done $0x0  }
0x9d: {  	s28 =	simm.s32 $0x10;
	s21 =	sor.u32 $0x1C09, s21;
	[sflag:s19] =	ssyncadd.s32 $0xFFFFE0C0  }
.Ltmp2:
0x9e: {  	s24 =	sshrl.u32 s5, $0x3;
	[bflag:$0x0] =	sbarrier.arrive $0xFFFF;
	(pc) =	sbr.rel @p0 .LBB2_1-.Ltmp2, $4  }
0x9f: {  	[hbm:s11@s28], [sflag:s21] =	dma.strided [spmem:s24@s19], $0x1400, s23, $0x8   }
0xa0: {  	_ =	swait.ge [sflag:s15], $0x1400  }
0xa1: {  	[sflag:s15] =	ssyncset.done $0x0  }
0xa2: {  	[sflag:s15] =	ssyncadd.s32 $0xFFFFEC00  }
0xa3: {  	_ =	sfence.sel $0x180000  }
0xa4: {  	[bflag:$0x0] =	sbarrier.arrive $0xFFFF  }
0xa5: {  	_ =	strace $0x9000004A  }
0xa6: {  	s0 =	stileid.u32;
	[bflag:$0x2] =	sbarrier.arrive $0xFFFF  }
0xa7: {  	p0 =	sne.s32 s0, $0x0;
	s0 =	rddreg [dreg:$0x3]  }
0xa8: {  	s0 =	sadd.s32 @!p0 $0x100000, s0  }
0xa9: {  	[sflag:s0] =	ssyncadd.tile.s32 @!p0 $0x1;
	_ =	shalt  }
.Lfunc_end2:
_tile_overlayer_lowered:
.L_overlay_start_2:
0xaa: {  	(tag) =	ssettag $0x2  }
0xab: {  	s0 =	rddreg [dreg:$0x0];
	s2 =	stileid.u32  }
0xac: {  	s1 =	rddreg [dreg:$0x1];
	p0 =	sne.s32 s2, $0x0  }
0xad: {  	s3 =	rddreg [dreg:$0x2];
	[bflag:$0x3] =	sbarrier.arrive $0xFFFF;
	s2 =	simm.s32 @!p0 $0x1C09  }
0xae: {  	[timem:s3], [sflag:s2] =	dma.local @!p0 [hbm:s0], s1  }
0xaf: {  	s0 =	simm.s32 @!p0 $0x9  }
0xb0: {  	_ =	swait.ge @!p0 [sflag:s0], s1  }
0xb1: {  	s1 =	ssub.s32 @!p0 $0x0, s1;
	[sflag:s0] =	ssyncset.done @!p0 $0x0  }
0xb2: {  	[sflag:s0] =	ssyncadd.s32 @!p0 s1  }
0xb3: {  	[bflag:$0x3] =	sbarrier.arrive $0xFFFF  }
0xb4: {  	_ =	shalt  }

// kernel: kernel.14.cloned.1.call-start
scs
__scs_entry_jumppad:
0x0: {  	(pc) =	sbr.rel $0x88, $3  }
0x1: {  	(tag) =	ssettag $0x0;
	lr =	simm.s32 $0x1  }
0x2: {  	[smem:$0x3F97] =	sst lr;
	_ =	strace $0xD0000000  }
0x3: {  	_ = 	snop  }
0x4: {  	_ = 	snop  }
0x5: {  	_ = 	snop  }
0x6: {  	_ = 	snop  }
0x7: {  	_ = 	snop  }
__scs_overlays_trampoline_lowered:
0x8: {  	[smem:$0x3FA6] =	sst s0  }
0x9: {  	[smem:$0x3FA7] =	sst s1  }
0xa: {  	[smem:$0x3FA8] =	sst s2  }
0xb: {  	[smem:$0x3FA9] =	sst s3  }
0xc: {  	[smem:$0x3FAA] =	sst s4  }
0xd: {  	[smem:$0x3FAB] =	sst s5  }
0xe: {  	[smem:$0x3FAC] =	sst s6  }
0xf: {  	[smem:$0x3FAD] =	sst s7  }
0x10: {  	[smem:$0x3FAE] =	sst s8  }
0x11: {  	[smem:$0x3FAF] =	sst s9;
	s0 =	simm.s32 @!p0 $0x0  }
0x12: {  	s1 =	sld [smem:$0x3F95];
	s0 =	simm.s32 @p0 $0x1  }
0x13: {  	[smem:$0x3FB0] =	sst s0;
	s0 =	simm.s32 @!p1 $0x0  }
0x14: {  	s2 =	sld [smem:$0x3F94];
	s0 =	simm.s32 @p1 $0x1  }
0x15: {  	[smem:$0x3FB1] =	sst s0;
	s0 =	simm.s32 @!p2 $0x0  }
0x16: {  	s3 =	sld [smem:$0x3FDB];
	s0 =	simm.s32 @p2 $0x1  }
0x17: {  	s4 =	simm.s32 $0x1BF5;
	[smem:$0x3FB3] =	sst s0  }
0x18: {  	s0 =	sld [smem:$0x3F96];
	_ =	swait.ge [sflag:s4], $0x0  }
0x19: {  	s7 =	sld [smem:$0x3F97]  }
0x1a: {  	s8 =	sadd.s32 $0xFFFFE003, lr  }
0x1b: {  	s9 =	sadd.s32 $0xFFFFFEF7, lr;
	s5 =	simm.s32 $0xFFFFFFFF;
	p2 =	slt.u32 s8, $0xFFFFF086  }
0x1c: {  	p1 =	slt.u32 s9, $0xF7A;
	s5 =	simm.s32 @!p2 $0x0  }
0x1d: {  	s5 =	simm.s32 @p1 $0x1;
	p0 =	seq.s32 s7, s2  }
0x1e: {  	s7 =	smul.u32 @!p0 $0xF7A, s2;
	p2 =	seq.s32 @!p0 s5, $0x0  }
0x1f: {  	s9 =	smul.u32 $0xF7A, s1;
	s8 =	simm.s32 @!p0 $0x1BF5;
	p2 =	por !p2, p0  }
0x20: {  	[sflag:s8] =	ssyncset.s32 @!p0 $0xFFFFF086;
	s6 =	sadd.s32 @!p0 s3, s7;
	s7 =	simm.s32 @!p0 $0x108  }
0x21: {  	s3 =	sadd.s32 s3, s9;
	s6 =	sadd.s32 @!p0 $0x88, s6;
	s7 =	simm.s32 @p2 $0x1082  }
0x22: {  	[simem:s7], [sflag:s8] =	dma.local @!p0 [hbm:s6], $0xF7A  }
0x23: {  	s9 =	sor.u32 $0xD0000000, s2;
	s6 =	simm.s32 $0x108;
	_ =	swait.ge @!p0 [sflag:s8], $0x0  }
0x24: {  	s3 =	sadd.s32 $0x88, s3;
	s6 =	simm.s32 @!p1 $0x1082;
	[sflag:s4] =	ssyncset.s32 $0xFFFFF086  }
0x25: {  	[simem:s6], [sflag:s4] =	dma.local [hbm:s3], $0xF7A  }
0x26: {  	[smem:$0x3F97] =	sst s1;
	(tag) =	ssettag s2;
	_ =	strace s9  }
0x27: {  	s1 =	sld [smem:$0x3FA7]  }
0x28: {  	s2 =	sld [smem:$0x3FA8]  }
0x29: {  	s4 =	sld [smem:$0x3FAA]  }
0x2a: {  	p0 =	seq.s32 s5, $0x0;
	s5 =	sld [smem:$0x3FAB]  }
0x2b: {  	s6 =	sld [smem:$0x3FAC]  }
0x2c: {  	s7 =	sld [smem:$0x3FAD]  }
0x2d: {  	s3 =	simm.s32 $0x108;
	s8 =	sld [smem:$0x3FAE]  }
0x2e: {  	s3 =	simm.s32 @!p0 $0x1082;
	s9 =	sld [smem:$0x3FAF]  }
0x2f: {  	lr =	sadd.s32 s0, s3;
	s0 =	sld [smem:$0x3FA6]  }
0x30: {  	s3 =	sld [smem:$0x3FA9]  }
0x31: {  	[smem:$0x3FB2] =	sst s10  }
0x32: {  	s10 =	sld [smem:$0x3FB0];
	_ =	sdelay $0x3  }
0x33: {  	p0 =	seq.s32 s10, $0x1;
	s10 =	sld [smem:$0x3FB2];
	_ =	sdelay $0x3  }
0x34: {  	[smem:$0x3FB2] =	sst s10  }
0x35: {  	s10 =	sld [smem:$0x3FB1];
	_ =	sdelay $0x3  }
0x36: {  	p1 =	seq.s32 s10, $0x1;
	s10 =	sld [smem:$0x3FB2];
	_ =	sdelay $0x3  }
0x37: {  	[smem:$0x3FB2] =	sst s10  }
0x38: {  	s10 =	sld [smem:$0x3FB3]  }
0x39: {  	_ = 	snop;
	(pc) =	sbr.ind lr, $3  }
0x3a: {  	_ = 	snop  }
0x3b: {  	_ = 	snop  }
0x3c: {  	p2 =	seq.s32 s10, $0x1;
	s10 =	sld [smem:$0x3FB2]  }
0x3d: {  	_ =	shalt  }
0x3e: {  	_ =	shalt  }
0x3f: {  	_ =	shalt  }
0x40: {  	_ =	shalt  }
0x41: {  	_ =	shalt  }
0x42: {  	_ =	shalt  }
0x43: {  	_ =	shalt  }
0x44: {  	_ =	shalt  }
0x45: {  	_ =	shalt  }
0x46: {  	_ =	shalt  }
0x47: {  	_ =	shalt  }
0x48: {  	_ =	shalt  }
0x49: {  	_ =	shalt  }
0x4a: {  	_ =	shalt  }
0x4b: {  	_ =	shalt  }
0x4c: {  	_ =	shalt  }
0x4d: {  	_ =	shalt  }
0x4e: {  	_ =	shalt  }
0x4f: {  	_ =	shalt  }
0x50: {  	_ =	shalt  }
0x51: {  	_ =	shalt  }
0x52: {  	_ =	shalt  }
0x53: {  	_ =	shalt  }
0x54: {  	_ =	shalt  }
0x55: {  	_ =	shalt  }
0x56: {  	_ =	shalt  }
0x57: {  	_ =	shalt  }
0x58: {  	_ =	shalt  }
0x59: {  	_ =	shalt  }
0x5a: {  	_ =	shalt  }
0x5b: {  	_ =	shalt  }
0x5c: {  	_ =	shalt  }
0x5d: {  	_ =	shalt  }
0x5e: {  	_ =	shalt  }
0x5f: {  	_ =	shalt  }
0x60: {  	_ =	shalt  }
0x61: {  	_ =	shalt  }
0x62: {  	_ =	shalt  }
0x63: {  	_ =	shalt  }
0x64: {  	_ =	shalt  }
0x65: {  	_ =	shalt  }
0x66: {  	_ =	shalt  }
0x67: {  	_ =	shalt  }
0x68: {  	_ =	shalt  }
0x69: {  	_ =	shalt  }
0x6a: {  	_ =	shalt  }
0x6b: {  	_ =	shalt  }
0x6c: {  	_ =	shalt  }
0x6d: {  	_ =	shalt  }
0x6e: {  	_ =	shalt  }
0x6f: {  	_ =	shalt  }
0x70: {  	_ =	shalt  }
0x71: {  	_ =	shalt  }
0x72: {  	_ =	shalt  }
0x73: {  	_ =	shalt  }
0x74: {  	_ =	shalt  }
0x75: {  	_ =	shalt  }
0x76: {  	_ =	shalt  }
0x77: {  	_ =	shalt  }
0x78: {  	_ =	shalt  }
0x79: {  	_ =	shalt  }
0x7a: {  	_ =	shalt  }
0x7b: {  	_ =	shalt  }
0x7c: {  	_ =	shalt  }
0x7d: {  	_ =	shalt  }
0x7e: {  	_ =	shalt  }
0x7f: {  	_ =	shalt  }
0x80: {  	_ =	shalt  }
0x81: {  	_ =	shalt  }
0x82: {  	_ =	shalt  }
0x83: {  	_ =	shalt  }
0x84: {  	_ =	shalt  }
0x85: {  	_ =	shalt  }
0x86: {  	_ =	shalt  }
0x87: {  	_ =	shalt  }
.Lfunc_end0:
.L_simem_size_0:
called_computation.2_lowered:
.L_overlay_start_0:
0x88: {  	s2 =	sld [smem:$0x3FD9]  }
0x89: {  	s3 =	sld [smem:$0x3FFE];
	_ =	sdelay $0x1  }
0x8a: {  	s1 =	srdreg.scid  }
0x8b: {  	s0 =	sand.u32 $0x1, s1  }
0x8c: {  	s17 =	sshll.u32 s0, $0xA;
	s2 =	sadd.s32 s3, s2  }
0x8d: {  	s2 =	sadd.s32 s2, s17  }
0x8e: {  	[smem:$0x3FBE] =	sst s2  }
0x8f: {  	_ = 	snop  }
0x90: {  	s2 =	sld [smem:$0x3FD0];
	(tm) =	ssettm $0x1  }
0x91: {  	s18 =	sld [smem:$0x3FFB];
	_ =	sdelay $0x3  }
0x92: {  	_ =	strace s18  }
0x93: {  	s3 =	sld [smem:$0x3FFC];
	_ =	sdelay $0x3  }
0x94: {  	_ =	strace s3  }
0x95: {  	s3 =	sld [smem:$0x3FFD];
	_ =	sdelay $0x3  }
0x96: {  	_ =	strace s3  }
0x97: {  	_ =	strace $0x8FFFFFFF  }
0x98: {  	s19 =	sld [smem:$0x3FDB];
	_ =	sdelay $0x1  }
0x99: {  	s4 =	simm.s32 $_scs_section_size  }
0x9a: {  	s5 =	simm.s32 $_size__tile_overlayer_lowered;
	s6 =	simm.s32 $_tile_overlayer_lowered  }
0x9b: {  	s22 =	simm.s32 $0x1BFF;
	s21 =	sshll.u32 s6, $0x1;
	s3 =	sadd.s32 s4, s19  }
0x9c: {  	s7 =	simm.s32 $0x0;
	s20 =	sshll.u32 s5, $0x1;
	s5 =	sadd.s32 s21, s3  }
0x9d: {  	[timem:s7], [sflag:s22] =	dma.local [hbm:s5], s20  }
0x9e: {  	_ =	swait.ge [sflag:s22], s20  }
0x9f: {  	s4 =	ssub.s32 $0x0, s20;
	[sflag:s22] =	ssyncset.done $0x0  }
0xa0: {  	[sflag:s22] =	ssyncadd.s32 s4;
	_ =	sdelay $0x1  }
0xa1: {  	s23 =	simm.s32 $0x1B8B  }
0xa2: {  	_ =	swait.ge [sflag:s23], $0x1  }
0xa3: {  	[sflag:s23] =	ssyncset.done $0x0  }
0xa4: {  	s25 =	simm.s32 $0x1B8E;
	s24 =	sld [smem:$0x3FFE];
	[sflag:s23] =	ssyncadd.s32 $0xFFFFFFFF  }
0xa5: {  	s26 =	simm.s32 $execute0_lowered;
	[smem:$0x3FD2] =	sst s25  }
0xa6: {  	s5 =	sshll.u32 s26, $0x1;
	_ =	strace $0x8000004C;
	[dreg:$0x1] =	wrdreg $0xFFFFFFFF  }
0xa7: {  	s28 =	simm.s32 $_size_execute0_lowered;
	s3 =	sadd.s32 s3, s5;
	[dreg:$0x0] =	wrdreg $0x0  }
0xa8: {  	s5 =	sshll.u32 s28, $0x1;
	[dreg:$0x2] =	wrdreg s3  }
0xa9: {  	[dreg:$0x3] =	wrdreg s5  }
0xaa: {  	[dreg:$0x4] =	wrdreg $0xC0  }
0xab: {  	_ =	task [dreg:s7], $0x5FFFF  }
0xac: {  	[dreg:$0x1] =	wrdreg $0xFFFFFFFF  }
0xad: {  	[dreg:$0x0] =	wrdreg $0x60  }
0xae: {  	[dreg:$0x2] =	wrdreg s24  }
0xaf: {  	[dreg:$0x3] =	wrdreg s2  }
0xb0: {  	[dreg:$0x4] =	wrdreg $0x13D000  }
0xb1: {  	[dreg:$0x5] =	wrdreg $0x9  }
0xb2: {  	_ =	task.clear_ibuf [dreg:s7], $0x6FFFF;
	_ =	strace $0x9000004C  }
0xb3: {  	s29 =	simm.s32 $0x9;
	_ =	strace $0x8000004E  }
0xb4: {  	_ =	swait.ge [sflag:s29], $0x1  }
0xb5: {  	[sflag:s29] =	ssyncadd.s32 $0xFFFFFFFF  }
0xb6: {  	_ =	strace $0x9000004E  }
0xb7: {  	_ =	sfence  }
0xb8: {  	s30 =	sld [smem:$0x0];
	_ =	sdelay $0x2  }
0xb9: {  	s31 =	sshll.u32 s1, $0xD;
	s1 =	sshrl.u32 s1, $0x2  }
0xba: {  	s3 =	sand.u32 $0x4000, s31;
	s1 =	sadd.s32 s1, s30  }
0xbb: {  	s0 =	sor.u32 s3, s0;
	s1 =	sshll.u32 s1, $0x11  }
0xbc: {  	s0 =	sor.u32 s1, s0  }
0xbd: {  	s0 =	sadd.s32 $0x8F2B, s0  }
0xbe: {  	[sflag:s0] =	ssyncadd.remote.s32 $0x1  }
0xbf: {  	_ =	sfence.sel $0xFFFF  }
0xc0: {  	[dreg:$0x0] =	wrdreg $0xFFFFFFFF;
	(pc) =	sbr.abs _section_cstart, $3  }
0xc1: {  	[dreg:$0x1] =	wrdreg $0xFFFFFFFF  }
0xc2: {  	_ =	task.clear_ibuf [dreg:s7], $0x2FFFF;
	_ =	strace $0x9FFFFFFF  }
0xc3: {  	(tm) =	ssettm $0x7FFFFFFF  }
tec
execute0_lowered:
.L_overlay_start_1:
0x0: {  	(tag) =	ssettag $0x1  }
0x1: {  	s0 =	rddreg [dreg:$0x0]  }
0x2: {  	s1 =	rddreg [dreg:$0x1]  }
0x3: {  	s2 =	rddreg [dreg:$0x2];
	s3 =	simm.s32 $0x0  }
0x4: {  	s8 =	stileid.u32;
	s4 =	srdreg.scid;
	s14 =	simm.s32 $0x11D00  }
0x5: {  	s15 =	simm.s32 $0x9;
	s16 =	simm.s32 $0x5000;
	s17 =	simm.s32 $0x7D  }
0x6: {  	s18 =	simm.s32 $0xA000;
	s20 =	simm.s32 $0xBF40;
	s22 =	simm.s32 $0xDE80  }
0x7: {  	s23 =	simm.s32 $0x1;
	s25 =	simm.s32 $0xFDC0;
	s26 =	simm.s32 $0x2  }
0x8: {  	s29 =	simm.s32 $0x5;
	s30 =	simm.s32 $0x3;
	s31 =	simm.s32 $0x6  }
0x9: {  	s19 =	simm.s32 $0x8;
	[smem:$0x7FF] =	sst s3;
	s5 =	smul.u32 $0x28000, s8  }
0xa: {  	s6 =	smul.u32 $0xA00, s8;
	s10 =	sand.u32 $0x1, s4;
	s4 =	sadd.s32 $0x20A00, s0  }
0xb: {  	s11 =	smul.u32 $0x14000, s8;
	_ =	strace $0x8000004D;
	s7 =	ssub.s32 $0x2, s10  }
0xc: {  	s13 =	sshll.u32 s10, $0x6;
	p0 =	seq.s32 s10, $0x1;
	s5 =	sshrl.u32 s5, $0x2  }
0xd: {  	s0 =	sadd.s32 s6, s0;
	s28 =	sshrl.u32 s7, $0x1;
	s11 =	sor.u32 s13, s11  }
0xe: {  	s13 =	simm.s32 $0x16A00;
	s5 =	sadd.s32 s5, s2;
	s12 =	ssub.s32 s7, s28  }
0xf: {  	s10 =	sadd.s32 $0x2A00, s0;
	s11 =	sshrl.u32 s11, $0x3;
	s13 =	simm.s32 @!p0 $0xCA00  }
0x10: {  	s6 =	sadd.s32 $0x2000, s5;
	s7 =	sadd.s32 $0x4000, s5;
	s8 =	sadd.s32 $0x6000, s5  }
0x11: {  	s9 =	sadd.s32 $0x8000, s5;
	s11 =	sadd.s32 s1, s11;
	s12 =	smax.u32 s12, $0x1  }
0x12: {  	v0 =	vimm.f32 $0.0e+00;
	s13 =	sadd.s32 s13, s0;
	s0 =	simm.s32 $0x4;
	s1 =	simm.s32 $0x7  }
.LBB2_1:
0x13: {  	s24 =	simm.s32 $0x100;
	s21 =	simm.s32 $0x0  }
.LBB2_2:
0x14: {  	p0 =	sne.s32 s24, $0x7F00;
	[tilespmem:s21+$0x11D30] =	vst v0;
	s28 =	smov.u32 s24;
	s24 =	sadd.s32 $0x100, s24  }
.Ltmp0:
0x15: {  	[tilespmem:s21+$0x11D20] =	vst v0;
	(pc) =	sbr.rel @p0 .LBB2_2-.Ltmp0, $3  }
0x16: {  	[tilespmem:s21+$0x11D00] =	vst v0  }
0x17: {  	[tilespmem:s21+$0x11D10] =	vst v0;
	_ =	sdelay $0x1  }
0x18: {  	s21 =	sshra.s32 s28, $0x2  }
0x19: {  	[tilespmem:s21+$0x11D30] =	vst v0  }
0x1a: {  	[tilespmem:s21+$0x11D20] =	vst v0  }
0x1b: {  	[tilespmem:s21+$0x11D00] =	vst v0  }
0x1c: {  	[tilespmem:s21+$0x11D10] =	vst v0  }
0x1d: {  	[spmem:s5] =	stream.linear.scatter [tilespmem:s14], [sflag:$0x9], $0x2000, $0x38;
	[tilespmem:$0x1DD00] =	vst v63  }
0x1e: {  	_ =	swait.ge [sflag:s15], $0x2000  }
0x1f: {  	[sflag:s15] =	ssyncset.done $0x0  }
0x20: {  	[sflag:s15] =	ssyncadd.s32 $0xFFFFE000  }
0x21: {  	[spmem:s6] =	stream.linear.scatter [tilespmem:s14], [sflag:$0x9], $0x2000, $0x38;
	[tilespmem:$0x1DD00] =	vst v63  }
0x22: {  	_ =	swait.ge [sflag:s15], $0x2000  }
0x23: {  	[sflag:s15] =	ssyncset.done $0x0  }
0x24: {  	[sflag:s15] =	ssyncadd.s32 $0xFFFFE000  }
0x25: {  	[spmem:s7] =	stream.linear.scatter [tilespmem:s14], [sflag:$0x9], $0x2000, $0x38;
	[tilespmem:$0x1DD00] =	vst v63  }
0x26: {  	_ =	swait.ge [sflag:s15], $0x2000  }
0x27: {  	[sflag:s15] =	ssyncset.done $0x0  }
0x28: {  	[sflag:s15] =	ssyncadd.s32 $0xFFFFE000  }
0x29: {  	[spmem:s8] =	stream.linear.scatter [tilespmem:s14], [sflag:$0x9], $0x2000, $0x38;
	[tilespmem:$0x1DD00] =	vst v63  }
0x2a: {  	_ =	swait.ge [sflag:s15], $0x2000  }
0x2b: {  	[sflag:s15] =	ssyncset.done $0x0  }
0x2c: {  	[sflag:s15] =	ssyncadd.s32 $0xFFFFE000  }
0x2d: {  	[spmem:s9] =	stream.linear.scatter [tilespmem:s14], [sflag:$0x9], $0x2000, $0x38;
	[tilespmem:$0x1DD00] =	vst v63  }
0x2e: {  	_ =	swait.ge [sflag:s15], $0x2000  }
0x2f: {  	[sflag:s15] =	ssyncset.done $0x0  }
0x30: {  	s24 =	simm.s32 $0x0;
	[sflag:s15] =	ssyncadd.s32 $0xFFFFE000  }
0x31: {  	[tilespmem:s24], [sflag:$0x9] =	stream.linear.gather [hbm4b:s13+s24], $0x5000, $0x38;
	[tilespmem:$0x1DD00] =	vst v63  }
0x32: {  	_ =	swait.ge [sflag:s15], $0x5000  }
0x33: {  	[sflag:s15] =	ssyncset.done $0x0  }
0x34: {  	[sflag:s15] =	ssyncadd.s32 $0xFFFFB000  }
0x35: {  	[tilespmem:s16], [sflag:$0x9] =	stream.linear.gather [hbm4b:s10+s24], $0x5000, $0x38;
	[tilespmem:$0x1DD00] =	vst v63  }
0x36: {  	_ =	swait.ge [sflag:s15], $0x5000  }
0x37: {  	[sflag:s15] =	ssyncset.done $0x0  }
0x38: {  	[sflag:s15] =	ssyncadd.s32 $0xFFFFB000  }
0x39: {  	[bflag:$0x0] =	sbarrier.arrive $0xFFFF  }
0x3a: {  	[tilespmem:s18], [sflag:$0x1] =	stream.indirect.gather [hbm4b:s4+s17], $0x40, s24, s17, $0xb8;
	[tilespmem:$0x1DD00] =	vst v63  }
0x3b: {  	s28 =	simm.s32 $0x80  }
0x3c: {  	[tilespmem:s20], [sflag:$0x2] =	stream.indirect.gather [hbm4b:s4+s17], $0x40, s28, s17, $0xb8;
	[tilespmem:$0x1DD00] =	vst v63  }
0x3d: {  	s24 =	simm.s32 $0x100  }
0x3e: {  	[tilespmem:s22], [sflag:$0x3] =	stream.indirect.gather [hbm4b:s4+s17], $0x40, s24, s17, $0xb8;
	[tilespmem:$0x1DD00] =	vst v63  }
0x3f: {  	_ =	swait.ge [sflag:s23], $0x1F40  }
0x40: {  	[sflag:s23] =	ssyncset.done $0x0  }
0x41: {  	[sflag:s23] =	ssyncadd.s32 $0xFFFFE0C0  }
0x42: {  	[spmem:s2] =	stream.indirect.scatter.add.f32 [tilespmem:s18], [sflag:$0x5], $0x40, s16, s17, $0xb8;
	[tilespmem:$0x1DD00] =	vst v63  }
0x43: {  	s28 =	simm.s32 $0x180  }
0x44: {  	[tilespmem:s25], [sflag:$0x4] =	stream.indirect.gather [hbm4b:s4+s17], $0x40, s28, s17, $0xb8;
	[tilespmem:$0x1DD00] =	vst v63  }
0x45: {  	_ =	swait.ge [sflag:s26], $0x1F40  }
0x46: {  	[sflag:s26] =	ssyncset.done $0x0  }
0x47: {  	s24 =	simm.s32 $0x5080;
	[sflag:s26] =	ssyncadd.s32 $0xFFFFE0C0  }
0x48: {  	[spmem:s2] =	stream.indirect.scatter.add.f32 [tilespmem:s20], [sflag:$0x6], $0x40, s24, s17, $0xb8;
	[tilespmem:$0x1DD00] =	vst v63  }
0x49: {  	_ =	swait.ge [sflag:s29], $0x1F40  }
0x4a: {  	[sflag:s29] =	ssyncset.done $0x0  }
0x4b: {  	s28 =	simm.s32 $0x200;
	[sflag:s29] =	ssyncadd.s32 $0xFFFFE0C0  }
0x4c: {  	[tilespmem:s18], [sflag:$0x1] =	stream.indirect.gather [hbm4b:s4+s17], $0x40, s28, s17, $0xb8;
	[tilespmem:$0x1DD00] =	vst v63  }
0x4d: {  	_ =	swait.ge [sflag:s30], $0x1F40  }
0x4e: {  	[sflag:s30] =	ssyncset.done $0x0  }
0x4f: {  	s24 =	simm.s32 $0x5100;
	[sflag:s30] =	ssyncadd.s32 $0xFFFFE0C0  }
0x50: {  	[spmem:s2] =	stream.indirect.scatter.add.f32 [tilespmem:s22], [sflag:$0x7], $0x40, s24, s17, $0xb8;
	[tilespmem:$0x1DD00] =	vst v63  }
0x51: {  	_ =	swait.ge [sflag:s31], $0x1F40  }
0x52: {  	[sflag:s31] =	ssyncset.done $0x0  }
0x53: {  	s28 =	simm.s32 $0x280;
	[sflag:s31] =	ssyncadd.s32 $0xFFFFE0C0  }
0x54: {  	[tilespmem:s20], [sflag:$0x2] =	stream.indirect.gather [hbm4b:s4+s17], $0x40, s28, s17, $0xb8;
	[tilespmem:$0x1DD00] =	vst v63  }
0x55: {  	_ =	swait.ge [sflag:s0], $0x1F40  }
0x56: {  	[sflag:s0] =	ssyncset.done $0x0  }
0x57: {  	s24 =	simm.s32 $0x5180;
	[sflag:s0] =	ssyncadd.s32 $0xFFFFE0C0  }
0x58: {  	[spmem:s2] =	stream.indirect.scatter.add.f32 [tilespmem:s25], [sflag:$0x8], $0x40, s24, s17, $0xb8;
	[tilespmem:$0x1DD00] =	vst v63  }
0x59: {  	_ =	swait.ge [sflag:s1], $0x1F40  }
0x5a: {  	[sflag:s1] =	ssyncset.done $0x0  }
0x5b: {  	s28 =	simm.s32 $0x300;
	[sflag:s1] =	ssyncadd.s32 $0xFFFFE0C0  }
0x5c: {  	[tilespmem:s22], [sflag:$0x3] =	stream.indirect.gather [hbm4b:s4+s17], $0x40, s28, s17, $0xb8;
	[tilespmem:$0x1DD00] =	vst v63  }
0x5d: {  	_ =	swait.ge [sflag:s23], $0x1F40  }
0x5e: {  	[sflag:s23] =	ssyncset.done $0x0  }
0x5f: {  	s24 =	simm.s32 $0x5200;
	[sflag:s23] =	ssyncadd.s32 $0xFFFFE0C0  }
0x60: {  	[spmem:s2] =	stream.indirect.scatter.add.f32 [tilespmem:s18], [sflag:$0x5], $0x40, s24, s17, $0xb8;
	[tilespmem:$0x1DD00] =	vst v63  }
0x61: {  	_ =	swait.ge [sflag:s19], $0x1F40  }
0x62: {  	[sflag:s19] =	ssyncset.done $0x0  }
0x63: {  	s28 =	simm.s32 $0x380;
	[sflag:s19] =	ssyncadd.s32 $0xFFFFE0C0  }
0x64: {  	[tilespmem:s25], [sflag:$0x4] =	stream.indirect.gather [hbm4b:s4+s17], $0x40, s28, s17, $0xb8;
	[tilespmem:$0x1DD00] =	vst v63  }
0x65: {  	_ =	swait.ge [sflag:s26], $0x1F40  }
0x66: {  	[sflag:s26] =	ssyncset.done $0x0  }
0x67: {  	s21 =	simm.s32 $0x800;
	s24 =	simm.s32 $0x5280;
	[sflag:s26] =	ssyncadd.s32 $0xFFFFE0C0  }
.LBB2_4:
0x68: {  	[spmem:s2] =	stream.indirect.scatter.add.f32 [tilespmem:s20], [sflag:$0x6], $0x40, s24, s17, $0xb8;
	[tilespmem:$0x1DD00] =	vst v63  }
0x69: {  	s24 =	smov.u32 s21  }
0x6a: {  	p0 =	sne.s32 s21, $0x13000;
	s21 =	sadd.s32 $0x800, s21;
	_ =	swait.ge [sflag:s29], $0x1F40  }
0x6b: {  	s24 =	sshra.s32 s24, $0x2;
	[sflag:s29] =	ssyncset.done $0x0  }
0x6c: {  	s28 =	sadd.s32 $0x200, s24;
	[sflag:s29] =	ssyncadd.s32 $0xFFFFE0C0  }
0x6d: {  	[tilespmem:s18], [sflag:$0x1] =	stream.indirect.gather [hbm4b:s4+s17], $0x40, s28, s17, $0xb8;
	[tilespmem:$0x1DD00] =	vst v63  }
0x6e: {  	_ =	swait.ge [sflag:s30], $0x1F40  }
0x6f: {  	[sflag:s30] =	ssyncset.done $0x0  }
0x70: {  	s28 =	sadd.s32 $0x5100, s24;
	[sflag:s30] =	ssyncadd.s32 $0xFFFFE0C0  }
0x71: {  	[spmem:s2] =	stream.indirect.scatter.add.f32 [tilespmem:s22], [sflag:$0x7], $0x40, s28, s17, $0xb8;
	[tilespmem:$0x1DD00] =	vst v63  }
0x72: {  	_ =	swait.ge [sflag:s31], $0x1F40  }
0x73: {  	[sflag:s31] =	ssyncset.done $0x0  }
0x74: {  	s28 =	sadd.s32 $0x280, s24;
	[sflag:s31] =	ssyncadd.s32 $0xFFFFE0C0  }
0x75: {  	[tilespmem:s20], [sflag:$0x2] =	stream.indirect.gather [hbm4b:s4+s17], $0x40, s28, s17, $0xb8;
	[tilespmem:$0x1DD00] =	vst v63  }
0x76: {  	_ =	swait.ge [sflag:s0], $0x1F40  }
0x77: {  	[sflag:s0] =	ssyncset.done $0x0  }
0x78: {  	s28 =	sadd.s32 $0x5180, s24;
	[sflag:s0] =	ssyncadd.s32 $0xFFFFE0C0  }
0x79: {  	[spmem:s2] =	stream.indirect.scatter.add.f32 [tilespmem:s25], [sflag:$0x8], $0x40, s28, s17, $0xb8;
	[tilespmem:$0x1DD00] =	vst v63  }
0x7a: {  	_ =	swait.ge [sflag:s1], $0x1F40  }
0x7b: {  	[sflag:s1] =	ssyncset.done $0x0  }
0x7c: {  	s28 =	sadd.s32 $0x300, s24;
	[sflag:s1] =	ssyncadd.s32 $0xFFFFE0C0  }
0x7d: {  	[tilespmem:s22], [sflag:$0x3] =	stream.indirect.gather [hbm4b:s4+s17], $0x40, s28, s17, $0xb8;
	[tilespmem:$0x1DD00] =	vst v63  }
0x7e: {  	_ =	swait.ge [sflag:s23], $0x1F40  }
0x7f: {  	[sflag:s23] =	ssyncset.done $0x0  }
0x80: {  	s28 =	sadd.s32 $0x5200, s24;
	[sflag:s23] =	ssyncadd.s32 $0xFFFFE0C0  }
0x81: {  	[spmem:s2] =	stream.indirect.scatter.add.f32 [tilespmem:s18], [sflag:$0x5], $0x40, s28, s17, $0xb8;
	[tilespmem:$0x1DD00] =	vst v63  }
0x82: {  	_ =	swait.ge [sflag:s19], $0x1F40  }
0x83: {  	[sflag:s19] =	ssyncset.done $0x0  }
.Ltmp1:
0x84: {  	s28 =	sadd.s32 $0x380, s24;
	[sflag:s19] =	ssyncadd.s32 $0xFFFFE0C0;
	(pc) =	sbr.rel @p0 .LBB2_4-.Ltmp1, $4  }
0x85: {  	[tilespmem:s25], [sflag:$0x4] =	stream.indirect.gather [hbm4b:s4+s17], $0x40, s28, s17, $0xb8;
	[tilespmem:$0x1DD00] =	vst v63  }
0x86: {  	_ =	swait.ge [sflag:s26], $0x1F40  }
0x87: {  	[sflag:s26] =	ssyncset.done $0x0  }
0x88: {  	s24 =	sadd.s32 $0x5280, s24;
	[sflag:s26] =	ssyncadd.s32 $0xFFFFE0C0  }
0x89: {  	[spmem:s2] =	stream.indirect.scatter.add.f32 [tilespmem:s20], [sflag:$0x6], $0x40, s24, s17, $0xb8;
	[tilespmem:$0x1DD00] =	vst v63  }
0x8a: {  	_ =	swait.ge [sflag:s30], $0x1F40  }
0x8b: {  	[sflag:s30] =	ssyncset.done $0x0  }
0x8c: {  	s21 =	simm.s32 $0x9F00;
	[sflag:s30] =	ssyncadd.s32 $0xFFFFE0C0  }
0x8d: {  	[spmem:s2] =	stream.indirect.scatter.add.f32 [tilespmem:s22], [sflag:$0x7], $0x40, s21, s17, $0xb8;
	[tilespmem:$0x1DD00] =	vst v63  }
0x8e: {  	_ =	swait.ge [sflag:s0], $0x1F40  }
0x8f: {  	[sflag:s0] =	ssyncset.done $0x0  }
0x90: {  	s24 =	simm.s32 $0x9F80;
	[sflag:s0] =	ssyncadd.s32 $0xFFFFE0C0  }
0x91: {  	[spmem:s2] =	stream.indirect.scatter.add.f32 [tilespmem:s25], [sflag:$0x8], $0x40, s24, s17, $0xb8;
	[tilespmem:$0x1DD00] =	vst v63  }
0x92: {  	_ =	swait.ge [sflag:s29], $0x1F40  }
0x93: {  	[sflag:s29] =	ssyncset.done $0x0  }
0x94: {  	[sflag:s29] =	ssyncadd.s32 $0xFFFFE0C0  }
0x95: {  	_ =	swait.ge [sflag:s31], $0x1F40  }
0x96: {  	[sflag:s31] =	ssyncset.done $0x0  }
0x97: {  	[sflag:s31] =	ssyncadd.s32 $0xFFFFE0C0  }
0x98: {  	_ =	swait.ge [sflag:s1], $0x1F40  }
0x99: {  	[sflag:s1] =	ssyncset.done $0x0  }
0x9a: {  	[sflag:s1] =	ssyncadd.s32 $0xFFFFE0C0  }
0x9b: {  	s28 =	stileid.u32;
	s3 =	sadd.s32 $0x1, s3;
	_ =	swait.ge [sflag:s19], $0x1F40  }
0x9c: {  	p0 =	sne.s32 s3, s12;
	s21 =	sshll.u32 s28, $0x6;
	[sflag:s19] =	ssyncset.done $0x0  }
0x9d: {  	s28 =	simm.s32 $0x10;
	s21 =	sor.u32 $0x1C09, s21;
	[sflag:s19] =	ssyncadd.s32 $0xFFFFE0C0  }
.Ltmp2:
0x9e: {  	s24 =	sshrl.u32 s5, $0x3;
	[bflag:$0x0] =	sbarrier.arrive $0xFFFF;
	(pc) =	sbr.rel @p0 .LBB2_1-.Ltmp2, $4  }
0x9f: {  	[hbm:s11@s28], [sflag:s21] =	dma.strided [spmem:s24@s19], $0x1400, s23, $0x8   }
0xa0: {  	_ =	swait.ge [sflag:s15], $0x1400  }
0xa1: {  	[sflag:s15] =	ssyncset.done $0x0  }
0xa2: {  	[sflag:s15] =	ssyncadd.s32 $0xFFFFEC00  }
0xa3: {  	_ =	sfence.sel $0x180000  }
0xa4: {  	[bflag:$0x0] =	sbarrier.arrive $0xFFFF  }
0xa5: {  	_ =	strace $0x9000004D  }
0xa6: {  	s0 =	stileid.u32;
	[bflag:$0x2] =	sbarrier.arrive $0xFFFF  }
0xa7: {  	p0 =	sne.s32 s0, $0x0;
	s0 =	rddreg [dreg:$0x3]  }
0xa8: {  	s0 =	sadd.s32 @!p0 $0x100000, s0  }
0xa9: {  	[sflag:s0] =	ssyncadd.tile.s32 @!p0 $0x1;
	_ =	shalt  }
.Lfunc_end2:
_tile_overlayer_lowered:
.L_overlay_start_2:
0xaa: {  	(tag) =	ssettag $0x2  }
0xab: {  	s0 =	rddreg [dreg:$0x0];
	s2 =	stileid.u32  }
0xac: {  	s1 =	rddreg [dreg:$0x1];
	p0 =	sne.s32 s2, $0x0  }
0xad: {  	s3 =	rddreg [dreg:$0x2];
	[bflag:$0x3] =	sbarrier.arrive $0xFFFF;
	s2 =	simm.s32 @!p0 $0x1C09  }
0xae: {  	[timem:s3], [sflag:s2] =	dma.local @!p0 [hbm:s0], s1  }
0xaf: {  	s0 =	simm.s32 @!p0 $0x9  }
0xb0: {  	_ =	swait.ge @!p0 [sflag:s0], s1  }
0xb1: {  	s1 =	ssub.s32 @!p0 $0x0, s1;
	[sflag:s0] =	ssyncset.done @!p0 $0x0  }
0xb2: {  	[sflag:s0] =	ssyncadd.s32 @!p0 s1  }
0xb3: {  	[bflag:$0x3] =	sbarrier.arrive $0xFFFF  }
0xb4: {  	_ =	shalt  }

// kernel: kernel.8.cloned.1.call-start
scs
__scs_entry_jumppad:
0x0: {  	(pc) =	sbr.rel $0x88, $3  }
0x1: {  	(tag) =	ssettag $0x0;
	lr =	simm.s32 $0x1  }
0x2: {  	[smem:$0x3F97] =	sst lr;
	_ =	strace $0xD0000000  }
0x3: {  	_ = 	snop  }
0x4: {  	_ = 	snop  }
0x5: {  	_ = 	snop  }
0x6: {  	_ = 	snop  }
0x7: {  	_ = 	snop  }
__scs_overlays_trampoline_lowered:
0x8: {  	[smem:$0x3FA6] =	sst s0  }
0x9: {  	[smem:$0x3FA7] =	sst s1  }
0xa: {  	[smem:$0x3FA8] =	sst s2  }
0xb: {  	[smem:$0x3FA9] =	sst s3  }
0xc: {  	[smem:$0x3FAA] =	sst s4  }
0xd: {  	[smem:$0x3FAB] =	sst s5  }
0xe: {  	[smem:$0x3FAC] =	sst s6  }
0xf: {  	[smem:$0x3FAD] =	sst s7  }
0x10: {  	[smem:$0x3FAE] =	sst s8  }
0x11: {  	[smem:$0x3FAF] =	sst s9;
	s0 =	simm.s32 @!p0 $0x0  }
0x12: {  	s1 =	sld [smem:$0x3F95];
	s0 =	simm.s32 @p0 $0x1  }
0x13: {  	[smem:$0x3FB0] =	sst s0;
	s0 =	simm.s32 @!p1 $0x0  }
0x14: {  	s2 =	sld [smem:$0x3F94];
	s0 =	simm.s32 @p1 $0x1  }
0x15: {  	[smem:$0x3FB1] =	sst s0;
	s0 =	simm.s32 @!p2 $0x0  }
0x16: {  	s3 =	sld [smem:$0x3FDB];
	s0 =	simm.s32 @p2 $0x1  }
0x17: {  	s4 =	simm.s32 $0x1BF5;
	[smem:$0x3FB3] =	sst s0  }
0x18: {  	s0 =	sld [smem:$0x3F96];
	_ =	swait.ge [sflag:s4], $0x0  }
0x19: {  	s7 =	sld [smem:$0x3F97]  }
0x1a: {  	s8 =	sadd.s32 $0xFFFFE003, lr  }
0x1b: {  	s9 =	sadd.s32 $0xFFFFFEF7, lr;
	s5 =	simm.s32 $0xFFFFFFFF;
	p2 =	slt.u32 s8, $0xFFFFF086  }
0x1c: {  	p1 =	slt.u32 s9, $0xF7A;
	s5 =	simm.s32 @!p2 $0x0  }
0x1d: {  	s5 =	simm.s32 @p1 $0x1;
	p0 =	seq.s32 s7, s2  }
0x1e: {  	s7 =	smul.u32 @!p0 $0xF7A, s2;
	p2 =	seq.s32 @!p0 s5, $0x0  }
0x1f: {  	s9 =	smul.u32 $0xF7A, s1;
	s8 =	simm.s32 @!p0 $0x1BF5;
	p2 =	por !p2, p0  }
0x20: {  	[sflag:s8] =	ssyncset.s32 @!p0 $0xFFFFF086;
	s6 =	sadd.s32 @!p0 s3, s7;
	s7 =	simm.s32 @!p0 $0x108  }
0x21: {  	s3 =	sadd.s32 s3, s9;
	s6 =	sadd.s32 @!p0 $0x88, s6;
	s7 =	simm.s32 @p2 $0x1082  }
0x22: {  	[simem:s7], [sflag:s8] =	dma.local @!p0 [hbm:s6], $0xF7A  }
0x23: {  	s9 =	sor.u32 $0xD0000000, s2;
	s6 =	simm.s32 $0x108;
	_ =	swait.ge @!p0 [sflag:s8], $0x0  }
0x24: {  	s3 =	sadd.s32 $0x88, s3;
	s6 =	simm.s32 @!p1 $0x1082;
	[sflag:s4] =	ssyncset.s32 $0xFFFFF086  }
0x25: {  	[simem:s6], [sflag:s4] =	dma.local [hbm:s3], $0xF7A  }
0x26: {  	[smem:$0x3F97] =	sst s1;
	(tag) =	ssettag s2;
	_ =	strace s9  }
0x27: {  	s1 =	sld [smem:$0x3FA7]  }
0x28: {  	s2 =	sld [smem:$0x3FA8]  }
0x29: {  	s4 =	sld [smem:$0x3FAA]  }
0x2a: {  	p0 =	seq.s32 s5, $0x0;
	s5 =	sld [smem:$0x3FAB]  }
0x2b: {  	s6 =	sld [smem:$0x3FAC]  }
0x2c: {  	s7 =	sld [smem:$0x3FAD]  }
0x2d: {  	s3 =	simm.s32 $0x108;
	s8 =	sld [smem:$0x3FAE]  }
0x2e: {  	s3 =	simm.s32 @!p0 $0x1082;
	s9 =	sld [smem:$0x3FAF]  }
0x2f: {  	lr =	sadd.s32 s0, s3;
	s0 =	sld [smem:$0x3FA6]  }
0x30: {  	s3 =	sld [smem:$0x3FA9]  }
0x31: {  	[smem:$0x3FB2] =	sst s10  }
0x32: {  	s10 =	sld [smem:$0x3FB0];
	_ =	sdelay $0x3  }
0x33: {  	p0 =	seq.s32 s10, $0x1;
	s10 =	sld [smem:$0x3FB2];
	_ =	sdelay $0x3  }
0x34: {  	[smem:$0x3FB2] =	sst s10  }
0x35: {  	s10 =	sld [smem:$0x3FB1];
	_ =	sdelay $0x3  }
0x36: {  	p1 =	seq.s32 s10, $0x1;
	s10 =	sld [smem:$0x3FB2];
	_ =	sdelay $0x3  }
0x37: {  	[smem:$0x3FB2] =	sst s10  }
0x38: {  	s10 =	sld [smem:$0x3FB3]  }
0x39: {  	_ = 	snop;
	(pc) =	sbr.ind lr, $3  }
0x3a: {  	_ = 	snop  }
0x3b: {  	_ = 	snop  }
0x3c: {  	p2 =	seq.s32 s10, $0x1;
	s10 =	sld [smem:$0x3FB2]  }
0x3d: {  	_ =	shalt  }
0x3e: {  	_ =	shalt  }
0x3f: {  	_ =	shalt  }
0x40: {  	_ =	shalt  }
0x41: {  	_ =	shalt  }
0x42: {  	_ =	shalt  }
0x43: {  	_ =	shalt  }
0x44: {  	_ =	shalt  }
0x45: {  	_ =	shalt  }
0x46: {  	_ =	shalt  }
0x47: {  	_ =	shalt  }
0x48: {  	_ =	shalt  }
0x49: {  	_ =	shalt  }
0x4a: {  	_ =	shalt  }
0x4b: {  	_ =	shalt  }
0x4c: {  	_ =	shalt  }
0x4d: {  	_ =	shalt  }
0x4e: {  	_ =	shalt  }
0x4f: {  	_ =	shalt  }
0x50: {  	_ =	shalt  }
0x51: {  	_ =	shalt  }
0x52: {  	_ =	shalt  }
0x53: {  	_ =	shalt  }
0x54: {  	_ =	shalt  }
0x55: {  	_ =	shalt  }
0x56: {  	_ =	shalt  }
0x57: {  	_ =	shalt  }
0x58: {  	_ =	shalt  }
0x59: {  	_ =	shalt  }
0x5a: {  	_ =	shalt  }
0x5b: {  	_ =	shalt  }
0x5c: {  	_ =	shalt  }
0x5d: {  	_ =	shalt  }
0x5e: {  	_ =	shalt  }
0x5f: {  	_ =	shalt  }
0x60: {  	_ =	shalt  }
0x61: {  	_ =	shalt  }
0x62: {  	_ =	shalt  }
0x63: {  	_ =	shalt  }
0x64: {  	_ =	shalt  }
0x65: {  	_ =	shalt  }
0x66: {  	_ =	shalt  }
0x67: {  	_ =	shalt  }
0x68: {  	_ =	shalt  }
0x69: {  	_ =	shalt  }
0x6a: {  	_ =	shalt  }
0x6b: {  	_ =	shalt  }
0x6c: {  	_ =	shalt  }
0x6d: {  	_ =	shalt  }
0x6e: {  	_ =	shalt  }
0x6f: {  	_ =	shalt  }
0x70: {  	_ =	shalt  }
0x71: {  	_ =	shalt  }
0x72: {  	_ =	shalt  }
0x73: {  	_ =	shalt  }
0x74: {  	_ =	shalt  }
0x75: {  	_ =	shalt  }
0x76: {  	_ =	shalt  }
0x77: {  	_ =	shalt  }
0x78: {  	_ =	shalt  }
0x79: {  	_ =	shalt  }
0x7a: {  	_ =	shalt  }
0x7b: {  	_ =	shalt  }
0x7c: {  	_ =	shalt  }
0x7d: {  	_ =	shalt  }
0x7e: {  	_ =	shalt  }
0x7f: {  	_ =	shalt  }
0x80: {  	_ =	shalt  }
0x81: {  	_ =	shalt  }
0x82: {  	_ =	shalt  }
0x83: {  	_ =	shalt  }
0x84: {  	_ =	shalt  }
0x85: {  	_ =	shalt  }
0x86: {  	_ =	shalt  }
0x87: {  	_ =	shalt  }
.Lfunc_end0:
.L_simem_size_0:
called_computation_lowered:
.L_overlay_start_0:
0x88: {  	s2 =	sld [smem:$0x3FD9]  }
0x89: {  	s3 =	sld [smem:$0x3FFE];
	_ =	sdelay $0x1  }
0x8a: {  	s1 =	srdreg.scid  }
0x8b: {  	s0 =	sand.u32 $0x1, s1  }
0x8c: {  	s17 =	sshll.u32 s0, $0xA;
	s2 =	sadd.s32 s3, s2  }
0x8d: {  	s2 =	sadd.s32 s2, s17  }
0x8e: {  	[smem:$0x3FBE] =	sst s2  }
0x8f: {  	_ = 	snop  }
0x90: {  	s2 =	sld [smem:$0x3FD0];
	(tm) =	ssettm $0x1  }
0x91: {  	s18 =	sld [smem:$0x3FFB];
	_ =	sdelay $0x3  }
0x92: {  	_ =	strace s18  }
0x93: {  	s3 =	sld [smem:$0x3FFC];
	_ =	sdelay $0x3  }
0x94: {  	_ =	strace s3  }
0x95: {  	s3 =	sld [smem:$0x3FFD];
	_ =	sdelay $0x3  }
0x96: {  	_ =	strace s3  }
0x97: {  	_ =	strace $0x8FFFFFFF  }
0x98: {  	s19 =	sld [smem:$0x3FDB];
	_ =	sdelay $0x1  }
0x99: {  	s4 =	simm.s32 $_scs_section_size  }
0x9a: {  	s5 =	simm.s32 $_size__tile_overlayer_lowered;
	s6 =	simm.s32 $_tile_overlayer_lowered  }
0x9b: {  	s22 =	simm.s32 $0x1BFF;
	s21 =	sshll.u32 s6, $0x1;
	s3 =	sadd.s32 s4, s19  }
0x9c: {  	s7 =	simm.s32 $0x0;
	s20 =	sshll.u32 s5, $0x1;
	s5 =	sadd.s32 s21, s3  }
0x9d: {  	[timem:s7], [sflag:s22] =	dma.local [hbm:s5], s20  }
0x9e: {  	_ =	swait.ge [sflag:s22], s20  }
0x9f: {  	s4 =	ssub.s32 $0x0, s20;
	[sflag:s22] =	ssyncset.done $0x0  }
0xa0: {  	[sflag:s22] =	ssyncadd.s32 s4;
	_ =	sdelay $0x1  }
0xa1: {  	s23 =	simm.s32 $0x1B8B  }
0xa2: {  	_ =	swait.ge [sflag:s23], $0x1  }
0xa3: {  	[sflag:s23] =	ssyncset.done $0x0  }
0xa4: {  	s25 =	simm.s32 $0x1B8E;
	s24 =	sld [smem:$0x3FFE];
	[sflag:s23] =	ssyncadd.s32 $0xFFFFFFFF  }
0xa5: {  	s26 =	simm.s32 $execute0_lowered;
	[smem:$0x3FD2] =	sst s25  }
0xa6: {  	s5 =	sshll.u32 s26, $0x1;
	_ =	strace $0x80000046;
	[dreg:$0x1] =	wrdreg $0xFFFFFFFF  }
0xa7: {  	s28 =	simm.s32 $_size_execute0_lowered;
	s3 =	sadd.s32 s3, s5;
	[dreg:$0x0] =	wrdreg $0x0  }
0xa8: {  	s5 =	sshll.u32 s28, $0x1;
	[dreg:$0x2] =	wrdreg s3  }
0xa9: {  	[dreg:$0x3] =	wrdreg s5  }
0xaa: {  	[dreg:$0x4] =	wrdreg $0xC0  }
0xab: {  	_ =	task [dreg:s7], $0x5FFFF  }
0xac: {  	[dreg:$0x1] =	wrdreg $0xFFFFFFFF  }
0xad: {  	[dreg:$0x0] =	wrdreg $0x60  }
0xae: {  	[dreg:$0x2] =	wrdreg s2  }
0xaf: {  	[dreg:$0x3] =	wrdreg s24  }
0xb0: {  	[dreg:$0x4] =	wrdreg $0x2B000  }
0xb1: {  	[dreg:$0x5] =	wrdreg $0x9  }
0xb2: {  	_ =	task.clear_ibuf [dreg:s7], $0x6FFFF;
	_ =	strace $0x90000046  }
0xb3: {  	s29 =	simm.s32 $0x9;
	_ =	strace $0x80000048  }
0xb4: {  	_ =	swait.ge [sflag:s29], $0x1  }
0xb5: {  	[sflag:s29] =	ssyncadd.s32 $0xFFFFFFFF  }
0xb6: {  	_ =	strace $0x90000048  }
0xb7: {  	_ =	sfence  }
0xb8: {  	s30 =	sld [smem:$0x0];
	_ =	sdelay $0x2  }
0xb9: {  	s31 =	sshll.u32 s1, $0xD;
	s1 =	sshrl.u32 s1, $0x2  }
0xba: {  	s3 =	sand.u32 $0x4000, s31;
	s1 =	sadd.s32 s1, s30  }
0xbb: {  	s0 =	sor.u32 s3, s0;
	s1 =	sshll.u32 s1, $0x11  }
0xbc: {  	s0 =	sor.u32 s1, s0  }
0xbd: {  	s0 =	sadd.s32 $0x8F2B, s0  }
0xbe: {  	[sflag:s0] =	ssyncadd.remote.s32 $0x1  }
0xbf: {  	_ =	sfence.sel $0xFFFF  }
0xc0: {  	[dreg:$0x0] =	wrdreg $0xFFFFFFFF;
	(pc) =	sbr.abs _section_cstart, $3  }
0xc1: {  	[dreg:$0x1] =	wrdreg $0xFFFFFFFF  }
0xc2: {  	_ =	task.clear_ibuf [dreg:s7], $0x2FFFF;
	_ =	strace $0x9FFFFFFF  }
0xc3: {  	(tm) =	ssettm $0x7FFFFFFF  }
tec
execute0_lowered:
.L_overlay_start_1:
0x0: {  	(tag) =	ssettag $0x1  }
0x1: {  	s5 =	rddreg [dreg:$0x0]  }
0x2: {  	s4 =	rddreg [dreg:$0x1]  }
0x3: {  	s2 =	rddreg [dreg:$0x2]  }
0x4: {  	s0 =	rddreg [dreg:$0x3]  }
0x5: {  	s3 =	simm.s32 $0x0;
	s6 =	srdreg.scid;
	s1 =	stileid.u32  }
0x6: {  	s11 =	simm.s32 $0x2800;
	s14 =	simm.s32 $0x20;
	s15 =	simm.s32 $0x10  }
0x7: {  	s16 =	simm.s32 $0x0;
	[smem:$0x7FF] =	sst s3;
	s7 =	smul.u32 $0x500, s1  }
0x8: {  	s6 =	sand.u32 $0x1, s6;
	s9 =	sshll.u32 s1, $0x1;
	s30 =	smul.u32 $0xA00, s1  }
0x9: {  	s12 =	sshll.u32 s1, $0x6;
	_ =	strace $0x80000047;
	s8 =	sshll.u32 s6, $0x7  }
0xa: {  	s29 =	sor.u32 s6, s9;
	s6 =	ssub.s32 $0x2, s6;
	s12 =	sor.u32 $0x1C01, s12  }
0xb: {  	s7 =	sor.u32 s8, s7;
	s8 =	smul.u32 $0x500, s29;
	s31 =	sshrl.u32 s6, $0x1  }
0xc: {  	s9 =	sshrl.u32 s30, $0x2;
	s7 =	sshrl.u32 s7, $0x3;
	s10 =	ssub.s32 s6, s31  }
0xd: {  	s7 =	sadd.s32 s7, s4;
	s4 =	sadd.s32 s9, s2;
	s5 =	sadd.s32 s5, s8  }
0xe: {  	s8 =	simm.s32 $0x2880;
	s9 =	simm.s32 $0x1;
	s6 =	sadd.s32 $0x2000, s7  }
0xf: {  	v0 =	vimm.f32 $0.0e+00;
	v1 =	vimm.f32 $1.000000000e+00;
	s7 =	smax.u32 s10, $0x1;
	s10 =	simm.s32 $0x7D;
	s13 =	sshrl.u32 s4, $0x3  }
.LBB2_1:
0x10: {  	[tilespmem:$0x2880] =	vst v0  }
0x11: {  	[tilespmem:$0x2890] =	vst v0  }
0x12: {  	[tilespmem:$0x28A0] =	vst v0  }
0x13: {  	[tilespmem:$0x28B0] =	vst v0  }
0x14: {  	[tilespmem:$0x28C0] =	vst v0  }
0x15: {  	[tilespmem:$0x28D0] =	vst v0  }
0x16: {  	[tilespmem:$0x28E0] =	vst v0  }
0x17: {  	[tilespmem:$0x28F0] =	vst v0  }
0x18: {  	[tilespmem:$0x2900] =	vst v0  }
0x19: {  	[tilespmem:$0x2910] =	vst v0  }
0x1a: {  	[tilespmem:$0x2920] =	vst v0  }
0x1b: {  	[tilespmem:$0x2930] =	vst v0  }
0x1c: {  	[tilespmem:$0x2940] =	vst v0  }
0x1d: {  	[tilespmem:$0x2950] =	vst v0  }
0x1e: {  	[tilespmem:$0x2960] =	vst v0  }
0x1f: {  	[tilespmem:$0x2970] =	vst v0  }
0x20: {  	[tilespmem:$0x2980] =	vst v0  }
0x21: {  	[tilespmem:$0x2990] =	vst v0  }
0x22: {  	[tilespmem:$0x29A0] =	vst v0  }
0x23: {  	[tilespmem:$0x29B0] =	vst v0  }
0x24: {  	[tilespmem:$0x29C0] =	vst v0  }
0x25: {  	[tilespmem:$0x29D0] =	vst v0  }
0x26: {  	[tilespmem:$0x29E0] =	vst v0  }
0x27: {  	[tilespmem:$0x29F0] =	vst v0  }
0x28: {  	[tilespmem:$0x2A00] =	vst v0  }
0x29: {  	[tilespmem:$0x2A10] =	vst v0  }
0x2a: {  	[tilespmem:$0x2A20] =	vst v0  }
0x2b: {  	[tilespmem:$0x2A30] =	vst v0  }
0x2c: {  	[tilespmem:$0x2A40] =	vst v0  }
0x2d: {  	[tilespmem:$0x2A50] =	vst v0  }
0x2e: {  	[tilespmem:$0x2A60] =	vst v0  }
0x2f: {  	[tilespmem:$0x2A70] =	vst v0  }
0x30: {  	[tilespmem:$0x2A80] =	vst v0  }
0x31: {  	[tilespmem:$0x2A90] =	vst v0  }
0x32: {  	[tilespmem:$0x2AA0] =	vst v0  }
0x33: {  	[tilespmem:$0x2AB0] =	vst v0  }
0x34: {  	[tilespmem:$0x2AC0] =	vst v0  }
0x35: {  	[tilespmem:$0x2AD0] =	vst v0  }
0x36: {  	[tilespmem:$0x2AE0] =	vst v0  }
0x37: {  	[tilespmem:$0x2AF0] =	vst v0  }
0x38: {  	[tilespmem:$0x2800] =	vst v1  }
0x39: {  	[tilespmem:$0x2810] =	vst v1  }
0x3a: {  	[tilespmem:$0x2820] =	vst v1  }
0x3b: {  	[tilespmem:$0x2830] =	vst v1  }
0x3c: {  	[tilespmem:$0x2840] =	vst v1  }
0x3d: {  	[tilespmem:$0x2850] =	vst v1  }
0x3e: {  	[tilespmem:$0x2860] =	vst v1  }
0x3f: {  	[tilespmem:$0x2870] =	vst v1  }
0x40: {  	[spmem:s4] =	stream.linear.scatter [tilespmem:s8], [sflag:$0x1], $0x280, $0x38;
	[tilespmem:$0x2D80] =	vst v63  }
0x41: {  	_ =	swait.ge [sflag:s9], $0x280  }
0x42: {  	[sflag:s9] =	ssyncset.done $0x0  }
0x43: {  	[sflag:s9] =	ssyncadd.s32 $0xFFFFFD80  }
0x44: {  	[tilespmem:s3], [sflag:$0x1] =	stream.linear.gather [hbm4b:s5+s3], $0x2800, $0x38;
	[tilespmem:$0x2D80] =	vst v63  }
0x45: {  	_ =	swait.ge [sflag:s9], $0x2800  }
0x46: {  	[sflag:s9] =	ssyncset.done $0x0  }
0x47: {  	[sflag:s9] =	ssyncadd.s32 $0xFFFFD800  }
0x48: {  	s17 =	simm.s32 $0x0;
	[bflag:$0x0] =	sbarrier.arrive $0xFFFF  }
0x49: {  	[spmem:s2] =	stream.indirect.scatter.add.f32 [tilespmem:s11], [sflag:$0x1], $0x1, s17, s10, $0xb8;
	[tilespmem:$0x2D80] =	vst v63  }
0x4a: {  	_ =	swait.ge [sflag:s9], $0x7D  }
0x4b: {  	s17 =	simm.s32 $0x200;
	[sflag:s9] =	ssyncset.done $0x0  }
.LBB2_2:
0x4c: {  	s18 =	sshra.s32 s17, $0x2;
	[sflag:s9] =	ssyncadd.s32 $0xFFFFFF83;
	p0 =	sne.s32 s17, $0x9E00  }
0x4d: {  	[spmem:s2] =	stream.indirect.scatter.add.f32 [tilespmem:s11], [sflag:$0x1], $0x1, s18, s10, $0xb8;
	[tilespmem:$0x2D80] =	vst v63  }
.Ltmp0:
0x4e: {  	_ = 	snop;
	(pc) =	sbr.rel @p0 .LBB2_2-.Ltmp0, $4  }
0x4f: {  	_ = 	snop  }
0x50: {  	s17 =	sadd.s32 $0x200, s17  }
0x51: {  	_ =	swait.ge [sflag:s9], $0x7D  }
0x52: {  	[sflag:s9] =	ssyncset.done $0x0  }
0x53: {  	s16 =	sadd.s32 $0x1, s16  }
0x54: {  	[sflag:s9] =	ssyncadd.s32 $0xFFFFFF83;
	p0 =	sne.s32 s16, s7  }
.Ltmp1:
0x55: {  	[bflag:$0x0] =	sbarrier.arrive $0xFFFF;
	(pc) =	sbr.rel @p0 .LBB2_1-.Ltmp1, $4  }
0x56: {  	[hbm:s6@s14], [sflag:s12] =	dma.strided [spmem:s13@s15], $0x50, s9, $0x10   }
0x57: {  	_ =	swait.ge [sflag:s9], $0x50  }
0x58: {  	[sflag:s9] =	ssyncset.done $0x0  }
0x59: {  	[sflag:s9] =	ssyncadd.s32 $0xFFFFFFB0  }
0x5a: {  	_ =	sfence.sel $0x180000  }
0x5b: {  	[bflag:$0x0] =	sbarrier.arrive $0xFFFF  }
0x5c: {  	p0 =	sne.s32 s1, $0x0;
	_ =	strace $0x90000047  }
0x5d: {  	s0 =	sadd.s32 @!p0 $0x100000, s0;
	[bflag:$0x2] =	sbarrier.arrive $0xFFFF  }
0x5e: {  	[sflag:s0] =	ssyncadd.tile.s32 @!p0 $0x1;
	_ =	shalt  }
.Lfunc_end2:
_tile_overlayer_lowered:
.L_overlay_start_2:
0x5f: {  	(tag) =	ssettag $0x2  }
0x60: {  	s0 =	rddreg [dreg:$0x0];
	s2 =	stileid.u32  }
0x61: {  	s1 =	rddreg [dreg:$0x1];
	p0 =	sne.s32 s2, $0x0  }
0x62: {  	s3 =	rddreg [dreg:$0x2];
	[bflag:$0x3] =	sbarrier.arrive $0xFFFF;
	s2 =	simm.s32 @!p0 $0x1C01  }
0x63: {  	[timem:s3], [sflag:s2] =	dma.local @!p0 [hbm:s0], s1  }
0x64: {  	s0 =	simm.s32 @!p0 $0x1  }
0x65: {  	_ =	swait.ge @!p0 [sflag:s0], s1  }
0x66: {  	s1 =	ssub.s32 @!p0 $0x0, s1;
	[sflag:s0] =	ssyncset.done @!p0 $0x0  }
0x67: {  	[sflag:s0] =	ssyncadd.s32 @!p0 s1  }
0x68: {  	[bflag:$0x3] =	sbarrier.arrive $0xFFFF  }
0x69: {  	_ =	shalt  }

</sc_bundles>
